<compile_context>
chip_gen: v7x
topology: tpu7x:2x2x1
jax: 0.10.2.dev20260603
libtpu: 0.0.44.dev20260713+nightly
codegen_flags: <defaults>
</compile_context>

<pallas_src>
import jax
import jax.numpy as jnp
from jax import lax
from jax.experimental import pallas as pl
from jax.experimental.pallas import tpu as pltpu
from jax.experimental.pallas import tpu_sc as plsc

N, E, D, C, G = 10000, 320000, 128, 10, 64
BN = 1000
NB = N // BN
CH = 128
E_PAD = 327680
CPT = 80
N_PAD = 10240
ZR = 128
SCH = 2048
NSCAN = E_PAD // SCH
RPT = 320
CORE_ROWS = 16 * RPT
SP_ROWS = CORE_ROWS + 8
OB = 4096
EPS = 1e-5


def _sc_body(h1_hbm, src_hbm, dst_hbm, out_hbm, src_v, dst_v, rows_v, agg_sh,
             sem):
    c = lax.axis_index("c")
    s = lax.axis_index("s")
    tid = c * 16 + s

    zero16 = jnp.zeros((16,), jnp.float32)

    def _zset(i, carry):
        rows_v[i // 8, pl.ds((i % 8) * 16, 16)] = zero16
        return carry

    lax.fori_loop(0, ZR * 8, _zset, 0)
    for k in range(N_PAD // 16 // ZR):
        pltpu.sync_copy(rows_v, agg_sh.at[pl.ds(s * (N_PAD // 16) + k * ZR, ZR)])

    pltpu.sync_copy(src_hbm.at[pl.ds(tid * CPT, CPT)], src_v)
    pltpu.sync_copy(dst_hbm.at[pl.ds(tid * CPT, CPT)], dst_v)
    plsc.subcore_barrier()

    def _chunk(j, carry):
        pltpu.async_copy(h1_hbm.at[src_v.at[j]], rows_v, sem).wait()
        pltpu.sync_copy(rows_v, agg_sh.at[dst_v.at[j]], add=True)
        return carry

    lax.fori_loop(0, CPT, _chunk, 0)
    plsc.subcore_barrier()

    WR = 624
    pltpu.sync_copy(agg_sh.at[pl.ds(s * WR, WR)],
                    out_hbm.at[pl.ds(c * N + s * WR, WR)])

    @pl.when(s == 0)
    def _():
        pltpu.sync_copy(agg_sh.at[pl.ds(16 * WR, N - 16 * WR)],
                        out_hbm.at[pl.ds(c * N + 16 * WR, N - 16 * WR)])


def _sc_propagate(h1, src_p, dst_p):
    mesh = plsc.VectorSubcoreMesh(core_axis_name="c", subcore_axis_name="s")
    f = pl.kernel(
        _sc_body,
        out_type=jax.ShapeDtypeStruct((2 * N, D), jnp.float32),
        mesh=mesh,
        scratch_types=[
            pltpu.VMEM((CPT, CH), jnp.int32),
            pltpu.VMEM((CPT, CH), jnp.int32),
            pltpu.VMEM((CH, D), jnp.float32),
            pltpu.VMEM_SHARED((N_PAD, D), jnp.float32),
            pltpu.SemaphoreType.DMA,
        ],
    )
    return f(h1, src_p, dst_p)



def _lin0_body(x_ref, w_ref, b_ref, o_ref):
    o_ref[...] = (jnp.dot(x_ref[...], w_ref[...],
                          preferred_element_type=jnp.float32) + b_ref[...])


def _tc_lin0(x, W, b2):
    return pl.pallas_call(
        _lin0_body,
        grid=(NB,),
        in_specs=[
            pl.BlockSpec((BN, D), lambda n: (n, 0)),
            pl.BlockSpec((D, D), lambda n: (0, 0)),
            pl.BlockSpec((1, D), lambda n: (0, 0)),
        ],
        out_specs=pl.BlockSpec((BN, D), lambda n: (n, 0)),
        out_shape=jax.ShapeDtypeStruct((N, D), jnp.float32),
    )(x, W, b2)


def _out_body(a_ref, h1_ref, w1_ref, b1_ref, w2_ref, b2_ref, o_ref):
    t = jnp.maximum(a_ref[...] + h1_ref[...], 0.0)
    t = jnp.maximum(jnp.dot(t, w1_ref[...], preferred_element_type=jnp.float32)
                    + b1_ref[...], 0.0)
    o_ref[...] = (jnp.dot(t, w2_ref[...], preferred_element_type=jnp.float32)
                  + b2_ref[...])


def _tc_out(agg, h1, W1, b1, W2, b2):
    return pl.pallas_call(
        _out_body,
        grid=(NB,),
        in_specs=[
            pl.BlockSpec((BN, D), lambda n: (n, 0)),
            pl.BlockSpec((BN, D), lambda n: (n, 0)),
            pl.BlockSpec((D, D), lambda n: (0, 0)),
            pl.BlockSpec((1, D), lambda n: (0, 0)),
            pl.BlockSpec((D, D), lambda n: (0, 0)),
            pl.BlockSpec((1, D), lambda n: (0, 0)),
        ],
        out_specs=pl.BlockSpec((BN, D), lambda n: (n, 0)),
        out_shape=jax.ShapeDtypeStruct((N, D), jnp.float32),
    )(agg, h1, W1, b1, W2, b2)


def _stats_body(o_ref, st_ref):
    mean = jnp.sum(o_ref[...], axis=0, keepdims=True) * (1.0 / N)
    dd = o_ref[...] - mean
    var = jnp.sum(dd * dd, axis=0, keepdims=True) / jnp.float32(N)
    st_ref[0:1, :] = mean
    st_ref[1:2, :] = var


def _tc_stats(out):
    return pl.pallas_call(
        _stats_body,
        in_specs=[pl.BlockSpec((N, D), lambda: (0, 0))],
        out_specs=pl.BlockSpec((8, D), lambda: (0, 0)),
        out_shape=jax.ShapeDtypeStruct((8, D), jnp.float32),
    )(out)


def _bnlin_body(o_ref, st_ref, w_ref, b_ref, h_ref):
    h = (o_ref[...] - st_ref[0:1, :]) / jnp.sqrt(st_ref[1:2, :] + EPS)
    h = jnp.maximum(h, 0.0)
    h_ref[...] = (jnp.dot(h, w_ref[...], preferred_element_type=jnp.float32)
                  + b_ref[...])


def _tc_bnlin(out, stats, W, b2):
    return pl.pallas_call(
        _bnlin_body,
        grid=(NB,),
        in_specs=[
            pl.BlockSpec((BN, D), lambda n: (n, 0)),
            pl.BlockSpec((8, D), lambda n: (0, 0)),
            pl.BlockSpec((D, D), lambda n: (0, 0)),
            pl.BlockSpec((1, D), lambda n: (0, 0)),
        ],
        out_specs=pl.BlockSpec((BN, D), lambda n: (n, 0)),
        out_shape=jax.ShapeDtypeStruct((N, D), jnp.float32),
    )(out, stats, W, b2)


def _pool_body(o_ref, st_ref, bt_ref, wf_ref, bf_ref, lg_ref, sums, cnts):
    n = pl.program_id(0)
    h = (o_ref[...] - st_ref[0:1, :]) / jnp.sqrt(st_ref[1:2, :] + EPS)
    bb = bt_ref[0, 0, :]
    gids = lax.broadcasted_iota(jnp.int32, (G, BN), 0)
    onehot = (bb[None, :] == gids).astype(jnp.float32)

    @pl.when(n == 0)
    def _():
        sums[...] = jnp.zeros_like(sums)
        cnts[...] = jnp.zeros_like(cnts)

    sums[...] += jnp.dot(onehot, h, preferred_element_type=jnp.float32,
                         precision=jax.lax.Precision.HIGHEST)
    cnts[...] += jnp.dot(onehot, jnp.ones((BN, D), jnp.float32),
                         preferred_element_type=jnp.float32,
                         precision=jax.lax.Precision.HIGHEST)

    @pl.when(n == NB - 1)
    def _():
        pooled = sums[...] / jnp.maximum(cnts[...], 1.0)
        lg_ref[...] = (jnp.dot(pooled, wf_ref[...],
                               preferred_element_type=jnp.float32) + bf_ref[...])


def _tc_pool(out, stats, batch3, Wf, bf2):
    return pl.pallas_call(
        _pool_body,
        grid=(NB,),
        in_specs=[
            pl.BlockSpec((BN, D), lambda n: (n, 0)),
            pl.BlockSpec((8, D), lambda n: (0, 0)),
            pl.BlockSpec((1, 1, BN), lambda n: (n, 0, 0)),
            pl.BlockSpec((D, C), lambda n: (0, 0)),
            pl.BlockSpec((1, C), lambda n: (0, 0)),
        ],
        out_specs=pl.BlockSpec((G, C), lambda n: (0, 0)),
        out_shape=jax.ShapeDtypeStruct((G, C), jnp.float32),
        scratch_shapes=[
            pltpu.VMEM((G, D), jnp.float32),
            pltpu.VMEM((G, D), jnp.float32),
        ],
    )(out, stats, batch3, Wf, bf2)


def _add2_body(a0_ref, a1_ref, o_ref):
    o_ref[...] = a0_ref[...] + a1_ref[...]


def _tc_add2(agg2):
    return pl.pallas_call(
        _add2_body,
        grid=(NB,),
        in_specs=[
            pl.BlockSpec((BN, D), lambda n: (n, 0)),
            pl.BlockSpec((BN, D), lambda n: (n + NB, 0)),
        ],
        out_specs=pl.BlockSpec((BN, D), lambda n: (n, 0)),
        out_shape=jax.ShapeDtypeStruct((N, D), jnp.float32),
    )(agg2, agg2)


def kernel(x, edge_index, batch, Wl, bl, Wo1, bo1, Wo2, bo2, Wf, bf):
    pad = E_PAD - E
    src_p = jnp.concatenate(
        [edge_index[0], jnp.zeros((pad,), jnp.int32)]).reshape(E_PAD // CH, CH)
    dst_p = jnp.concatenate(
        [edge_index[1], jnp.full((pad,), N, jnp.int32)]).reshape(E_PAD // CH, CH)
    batch3 = batch.reshape(NB, 1, BN)
    bl2 = bl.reshape(5, 1, D)
    bo1_2 = bo1.reshape(5, 1, D)
    bo2_2 = bo2.reshape(5, 1, D)
    bf2 = bf.reshape(1, C)

    h1 = _tc_lin0(x, Wl[0], bl2[0])
    out = stats = None
    for i in range(5):
        agg2 = _sc_propagate(h1, src_p, dst_p)
        agg = _tc_add2(agg2)
        out = _tc_out(agg, h1, Wo1[i], bo1_2[i], Wo2[i], bo2_2[i])
        stats = _tc_stats(out)
        if i < 4:
            h1 = _tc_bnlin(out, stats, Wl[i + 1], bl2[i + 1])
    return _tc_pool(out, stats, batch3, Wf, bf2)

# --- scband reference (transcript-rebuilt; emitter-appended) ---
"""Pipeline reference for scband-graph-classifier-65506841199134 (READ-ONLY COPY).

The authoritative reference and input builder live on the scoring server;
editing this copy changes nothing except your own understanding.
"""

import jax, jax.numpy as jnp
import numpy as np

N, E, D, C, G = 10000, 320000, 128, 10, 64


def setup_inputs(seed: int = 0) -> dict:
    key = jax.random.key(seed)
    ks = jax.random.split(key, 12)
    x = jax.random.normal(ks[0], (N, D), dtype=jnp.float32)
    edge_index = jax.random.randint(ks[1], (2, E), 0, N, dtype=jnp.int32)
    batch = jnp.sort(jax.random.randint(ks[2], (N,), 0, G, dtype=jnp.int32))
    s = 1.0 / np.sqrt(D)
    Wl = jax.random.uniform(ks[3], (5, D, D), minval=-s, maxval=s, dtype=jnp.float32)
    bl = jax.random.uniform(ks[4], (5, D), minval=-s, maxval=s, dtype=jnp.float32)
    Wo1 = jax.random.uniform(ks[5], (5, D, D), minval=-s, maxval=s, dtype=jnp.float32)
    bo1 = jax.random.uniform(ks[6], (5, D), minval=-s, maxval=s, dtype=jnp.float32)
    Wo2 = jax.random.uniform(ks[7], (5, D, D), minval=-s, maxval=s, dtype=jnp.float32)
    bo2 = jax.random.uniform(ks[8], (5, D), minval=-s, maxval=s, dtype=jnp.float32)
    Wf = jax.random.uniform(ks[9], (D, C), minval=-s, maxval=s, dtype=jnp.float32)
    bf = jax.random.uniform(ks[10], (C,), minval=-s, maxval=s, dtype=jnp.float32)
    return {"x": x, "edge_index": edge_index, "batch": batch,
            "Wl": Wl, "bl": bl, "Wo1": Wo1, "bo1": bo1,
            "Wo2": Wo2, "bo2": bo2, "Wf": Wf, "bf": bf}


def _conv(h, src, dst, Wl_i, bl_i, Wo1_i, bo1_i, Wo2_i, bo2_i):
    # BetterGCNConv: lin -> scatter-add propagate (with self loops already in src/dst) -> relu -> lin_outer1 -> relu -> lin_outer2
    h = h @ Wl_i + bl_i
    agg = jax.ops.segment_sum(h[src], dst, num_segments=N)
    out = jax.nn.relu(agg)
    out = jax.nn.relu(out @ Wo1_i + bo1_i)
    out = out @ Wo2_i + bo2_i
    return out


def _bn(h, eps=1e-5):
    # BatchNorm1d(affine=False), training-mode batch statistics
    mean = jnp.mean(h, axis=0)
    var = jnp.mean((h - mean) ** 2, axis=0)
    return (h - mean) / jnp.sqrt(var + eps)


def reference(x, edge_index, batch, Wl, bl, Wo1, bo1, Wo2, bo2, Wf, bf):
    loop = jnp.arange(N, dtype=edge_index.dtype)
    src = jnp.concatenate([edge_index[0], loop])
    dst = jnp.concatenate([edge_index[1], loop])
    h = x
    for i in range(4):
        h = _conv(h, src, dst, Wl[i], bl[i], Wo1[i], bo1[i], Wo2[i], bo2[i])
        h = jax.nn.relu(_bn(h))
    h = _conv(h, src, dst, Wl[4], bl[4], Wo1[4], bo1[4], Wo2[4], bo2[4])
    h = _bn(h)
    # global_mean_pool over graph ids
    sums = jax.ops.segment_sum(h, batch, num_segments=G)
    counts = jax.ops.segment_sum(jnp.ones((N,), dtype=h.dtype), batch, num_segments=G)
    pooled = sums / jnp.maximum(counts, 1.0)[:, None]
    # dropout p=0 is identity
    return pooled @ Wf + bf

if __name__ == "__main__":
    import jax
    _d = setup_inputs()
    print(jax.jit(kernel)(*tuple(_d.values())))

</pallas_src>

<mosaic_0001>
#map = affine_map<(d0, d1) -> (0, 0)>
module attributes {stable_mosaic.version = 14 : i64} {
  func.func @_sc_body(%arg0: i32, %arg1: i32, %arg2: memref<10000x128xf32, #tpu.memory_space<hbm>>, %arg3: memref<2560x128xi32, #tpu.memory_space<hbm>>, %arg4: memref<2560x128xi32, #tpu.memory_space<hbm>>, %arg5: memref<20000x128xf32, #tpu.memory_space<hbm>>, %arg6: memref<80x128xi32, #tpu.memory_space<vmem>>, %arg7: memref<80x128xi32, #tpu.memory_space<vmem>>, %arg8: memref<128x128xf32, #tpu.memory_space<vmem>>, %arg9: memref<10240x128xf32, #tpu.memory_space<vmem_shared>>, %arg10: memref<!tpu.dma_semaphore, #tpu.memory_space<semaphore_mem>>) attributes {dimension_semantics = [#tpu.dimension_semantics<core_parallel>, #tpu.dimension_semantics<subcore_parallel>], iteration_bounds = array<i64: 2, 16>, scalar_prefetch = 0 : i64, scratch_operands = 5 : i64, tpu.core_type = #tpu.core_type<sc_vector_subcore>, window_params = [{transform_indices = #map}, {transform_indices = #map}, {transform_indices = #map}, {transform_indices = #map}]} {
    %mul3A = arith.constant 16 : i32
    %mul3A_0 = arith.muli %arg0, %mul3A : i32
    %add3A = arith.addi %mul3A_0, %arg1 : i32
    %broadcast_in_dim3A = arith.constant 0.000000e+00 : f32
    %broadcast_in_dim3A_1 = vector.broadcast %broadcast_in_dim3A : f32 to vector<16xf32>
    %scan3A = arith.constant 0 : i32
    %scan3A_2 = arith.constant 0 : i32
    %scan3A_3 = arith.constant 1024 : i32
    %scan3A_4 = arith.addi %scan3A_2, %scan3A_3 : i32
    %scan3A_5 = arith.constant 1 : i32
    scf.for %scan3A_47 = %scan3A_2 to %scan3A_4 step %scan3A_5  : i32 {
      %jit3A = arith.constant 8 : i32
      %div3A = arith.divsi %scan3A_47, %jit3A : i32
      %sign3A = arith.constant 0 : i32
      %sign3A_48 = arith.cmpi sgt, %scan3A_47, %sign3A : i32
      %sign3A_49 = arith.extui %sign3A_48 : i1 to i32
      %sign3A_50 = arith.constant 0 : i32
      %sign3A_51 = arith.cmpi slt, %scan3A_47, %sign3A_50 : i32
      %sign3A_52 = arith.extui %sign3A_51 : i1 to i32
      %sign3A_53 = arith.subi %sign3A_49, %sign3A_52 : i32
      %sign3A_54 = arith.constant 0 : i32
      %sign3A_55 = arith.cmpi sgt, %jit3A, %sign3A_54 : i32
      %sign3A_56 = arith.extui %sign3A_55 : i1 to i32
      %sign3A_57 = arith.constant 0 : i32
      %sign3A_58 = arith.cmpi slt, %jit3A, %sign3A_57 : i32
      %sign3A_59 = arith.extui %sign3A_58 : i1 to i32
      %sign3A_60 = arith.subi %sign3A_56, %sign3A_59 : i32
      %ne3A = arith.cmpi ne, %sign3A_53, %sign3A_60 : i32
      %rem3A = arith.remsi %scan3A_47, %jit3A : i32
      %ne3A_61 = arith.constant 0 : i32
      %ne3A_62 = arith.cmpi ne, %rem3A, %ne3A_61 : i32
      %and3A = arith.andi %ne3A, %ne3A_62 : i1
      %sub3A = arith.constant 1 : i32
      %sub3A_63 = arith.subi %div3A, %sub3A : i32
      %select_n3A = arith.select %and3A, %sub3A_63, %div3A : i32
      %jit3A_64 = arith.constant 8 : i32
      %eq3A_65 = arith.constant 0 : i32
      %eq3A_66 = arith.cmpi eq, %jit3A_64, %eq3A_65 : i32
      %jit3A_67 = arith.constant 1 : i32
      %select_n3A_68 = arith.select %eq3A_66, %jit3A_67, %jit3A_64 : i32
      %rem3A_69 = arith.remsi %scan3A_47, %select_n3A_68 : i32
      %ne3A_70 = arith.constant 0 : i32
      %ne3A_71 = arith.cmpi ne, %rem3A_69, %ne3A_70 : i32
      %lt3A = arith.constant 0 : i32
      %lt3A_72 = arith.cmpi slt, %rem3A_69, %lt3A : i32
      %lt3A_73 = arith.constant 0 : i32
      %lt3A_74 = arith.cmpi slt, %select_n3A_68, %lt3A_73 : i32
      %ne3A_75 = arith.xori %lt3A_72, %lt3A_74 : i1
      %and3A_76 = arith.andi %ne3A_75, %ne3A_71 : i1
      %add3A_77 = arith.addi %rem3A_69, %select_n3A_68 : i32
      %select_n3A_78 = arith.select %and3A_76, %add3A_77, %rem3A_69 : i32
      %mul3A_79 = arith.constant 16 : i32
      %mul3A_80 = arith.muli %select_n3A_78, %mul3A_79 : i32
      %swap3A = arith.index_cast %select_n3A : i32 to index
      %swap3A_81 = arith.index_cast %mul3A_80 : i32 to index
      %swap3A_82 = tpu.vector_load %arg8[%swap3A, %swap3A_81] {strides = array<i32>} : memref<128x128xf32, #tpu.memory_space<vmem>>, vector<1x16xf32>,
      %swap3A_83 = vector.shape_cast %swap3A_82 : vector<1x16xf32> to vector<16xf32>
      %swap3A_84 = vector.shape_cast %broadcast_in_dim3A_1 : vector<16xf32> to vector<1x16xf32>
      tpu.vector_store %arg8[%swap3A, %swap3A_81], %swap3A_84 {strides = array<i32>} : memref<128x128xf32, #tpu.memory_space<vmem>>, vector<1x16xf32>,
    }
    %scan3A_6 = arith.constant 1024 : i32
    %mul3A_7 = arith.constant 640 : i32
    %mul3A_8 = arith.muli %arg1, %mul3A_7 : i32
    %add3A_9 = arith.constant 0 : i32
    %add3A_10 = arith.addi %mul3A_8, %add3A_9 : i32
    "tpu.region"() ({
      %run_scoped3A = tpu.sem_alloc : memref<!tpu.dma_semaphore, #tpu.memory_space<semaphore_mem>>
      %dma_start3A = arith.constant 0 : i32
      %dma_start3A_47 = tpu.memref_slice %arg9[%add3A_10, %dma_start3A] : memref<10240x128xf32, #tpu.memory_space<vmem_shared>> -> memref<128x128xf32, #tpu.memory_space<vmem_shared>>
      %dma_start3A_48 = arith.constant 0 : i32
      %dma_start3A_49 = tpu.memref_slice %arg9[%add3A_10, %dma_start3A_48] : memref<10240x128xf32, #tpu.memory_space<vmem_shared>> -> memref<128x128xf32, #tpu.memory_space<vmem_shared>>
      tpu.enqueue_dma source(%arg8 : memref<128x128xf32, #tpu.memory_space<vmem>>) target(%dma_start3A_49 : memref<128x128xf32, #tpu.memory_space<vmem_shared>>) target_semaphore(%run_scoped3A : memref<!tpu.dma_semaphore, #tpu.memory_space<semaphore_mem>>)
      %dma_wait3A = arith.constant 0 : i32
      %dma_wait3A_50 = tpu.memref_slice %arg9[%add3A_10, %dma_wait3A] : memref<10240x128xf32, #tpu.memory_space<vmem_shared>> -> memref<128x128xf32, #tpu.memory_space<vmem_shared>>
      %dma_wait3A_51 = arith.constant 0 : i32
      %dma_wait3A_52 = tpu.memref_slice %arg9[%add3A_10, %dma_wait3A_51] : memref<10240x128xf32, #tpu.memory_space<vmem_shared>> -> memref<128x128xf32, #tpu.memory_space<vmem_shared>>
      tpu.wait_dma2 semaphore(%run_scoped3A : memref<!tpu.dma_semaphore, #tpu.memory_space<semaphore_mem>>) src(%arg8 : memref<128x128xf32, #tpu.memory_space<vmem>>) dst(%dma_wait3A_52 : memref<128x128xf32, #tpu.memory_space<vmem_shared>>)
      tpu.yield
    }) : () -> ()
    %mul3A_11 = arith.constant 640 : i32
    %mul3A_12 = arith.muli %arg1, %mul3A_11 : i32
    %add3A_13 = arith.constant 128 : i32
    %add3A_14 = arith.addi %mul3A_12, %add3A_13 : i32
    "tpu.region"() ({
      %run_scoped3A = tpu.sem_alloc : memref<!tpu.dma_semaphore, #tpu.memory_space<semaphore_mem>>
      %dma_start3A = arith.constant 0 : i32
      %dma_start3A_47 = tpu.memref_slice %arg9[%add3A_14, %dma_start3A] : memref<10240x128xf32, #tpu.memory_space<vmem_shared>> -> memref<128x128xf32, #tpu.memory_space<vmem_shared>>
      %dma_start3A_48 = arith.constant 0 : i32
      %dma_start3A_49 = tpu.memref_slice %arg9[%add3A_14, %dma_start3A_48] : memref<10240x128xf32, #tpu.memory_space<vmem_shared>> -> memref<128x128xf32, #tpu.memory_space<vmem_shared>>
      tpu.enqueue_dma source(%arg8 : memref<128x128xf32, #tpu.memory_space<vmem>>) target(%dma_start3A_49 : memref<128x128xf32, #tpu.memory_space<vmem_shared>>) target_semaphore(%run_scoped3A : memref<!tpu.dma_semaphore, #tpu.memory_space<semaphore_mem>>)
      %dma_wait3A = arith.constant 0 : i32
      %dma_wait3A_50 = tpu.memref_slice %arg9[%add3A_14, %dma_wait3A] : memref<10240x128xf32, #tpu.memory_space<vmem_shared>> -> memref<128x128xf32, #tpu.memory_space<vmem_shared>>
      %dma_wait3A_51 = arith.constant 0 : i32
      %dma_wait3A_52 = tpu.memref_slice %arg9[%add3A_14, %dma_wait3A_51] : memref<10240x128xf32, #tpu.memory_space<vmem_shared>> -> memref<128x128xf32, #tpu.memory_space<vmem_shared>>
      tpu.wait_dma2 semaphore(%run_scoped3A : memref<!tpu.dma_semaphore, #tpu.memory_space<semaphore_mem>>) src(%arg8 : memref<128x128xf32, #tpu.memory_space<vmem>>) dst(%dma_wait3A_52 : memref<128x128xf32, #tpu.memory_space<vmem_shared>>)
      tpu.yield
    }) : () -> ()
    %mul3A_15 = arith.constant 640 : i32
    %mul3A_16 = arith.muli %arg1, %mul3A_15 : i32
    %add3A_17 = arith.constant 256 : i32
    %add3A_18 = arith.addi %mul3A_16, %add3A_17 : i32
    "tpu.region"() ({
      %run_scoped3A = tpu.sem_alloc : memref<!tpu.dma_semaphore, #tpu.memory_space<semaphore_mem>>
      %dma_start3A = arith.constant 0 : i32
      %dma_start3A_47 = tpu.memref_slice %arg9[%add3A_18, %dma_start3A] : memref<10240x128xf32, #tpu.memory_space<vmem_shared>> -> memref<128x128xf32, #tpu.memory_space<vmem_shared>>
      %dma_start3A_48 = arith.constant 0 : i32
      %dma_start3A_49 = tpu.memref_slice %arg9[%add3A_18, %dma_start3A_48] : memref<10240x128xf32, #tpu.memory_space<vmem_shared>> -> memref<128x128xf32, #tpu.memory_space<vmem_shared>>
      tpu.enqueue_dma source(%arg8 : memref<128x128xf32, #tpu.memory_space<vmem>>) target(%dma_start3A_49 : memref<128x128xf32, #tpu.memory_space<vmem_shared>>) target_semaphore(%run_scoped3A : memref<!tpu.dma_semaphore, #tpu.memory_space<semaphore_mem>>)
      %dma_wait3A = arith.constant 0 : i32
      %dma_wait3A_50 = tpu.memref_slice %arg9[%add3A_18, %dma_wait3A] : memref<10240x128xf32, #tpu.memory_space<vmem_shared>> -> memref<128x128xf32, #tpu.memory_space<vmem_shared>>
      %dma_wait3A_51 = arith.constant 0 : i32
      %dma_wait3A_52 = tpu.memref_slice %arg9[%add3A_18, %dma_wait3A_51] : memref<10240x128xf32, #tpu.memory_space<vmem_shared>> -> memref<128x128xf32, #tpu.memory_space<vmem_shared>>
      tpu.wait_dma2 semaphore(%run_scoped3A : memref<!tpu.dma_semaphore, #tpu.memory_space<semaphore_mem>>) src(%arg8 : memref<128x128xf32, #tpu.memory_space<vmem>>) dst(%dma_wait3A_52 : memref<128x128xf32, #tpu.memory_space<vmem_shared>>)
      tpu.yield
    }) : () -> ()
    %mul3A_19 = arith.constant 640 : i32
    %mul3A_20 = arith.muli %arg1, %mul3A_19 : i32
    %add3A_21 = arith.constant 384 : i32
    %add3A_22 = arith.addi %mul3A_20, %add3A_21 : i32
    "tpu.region"() ({
      %run_scoped3A = tpu.sem_alloc : memref<!tpu.dma_semaphore, #tpu.memory_space<semaphore_mem>>
      %dma_start3A = arith.constant 0 : i32
      %dma_start3A_47 = tpu.memref_slice %arg9[%add3A_22, %dma_start3A] : memref<10240x128xf32, #tpu.memory_space<vmem_shared>> -> memref<128x128xf32, #tpu.memory_space<vmem_shared>>
      %dma_start3A_48 = arith.constant 0 : i32
      %dma_start3A_49 = tpu.memref_slice %arg9[%add3A_22, %dma_start3A_48] : memref<10240x128xf32, #tpu.memory_space<vmem_shared>> -> memref<128x128xf32, #tpu.memory_space<vmem_shared>>
      tpu.enqueue_dma source(%arg8 : memref<128x128xf32, #tpu.memory_space<vmem>>) target(%dma_start3A_49 : memref<128x128xf32, #tpu.memory_space<vmem_shared>>) target_semaphore(%run_scoped3A : memref<!tpu.dma_semaphore, #tpu.memory_space<semaphore_mem>>)
      %dma_wait3A = arith.constant 0 : i32
      %dma_wait3A_50 = tpu.memref_slice %arg9[%add3A_22, %dma_wait3A] : memref<10240x128xf32, #tpu.memory_space<vmem_shared>> -> memref<128x128xf32, #tpu.memory_space<vmem_shared>>
      %dma_wait3A_51 = arith.constant 0 : i32
      %dma_wait3A_52 = tpu.memref_slice %arg9[%add3A_22, %dma_wait3A_51] : memref<10240x128xf32, #tpu.memory_space<vmem_shared>> -> memref<128x128xf32, #tpu.memory_space<vmem_shared>>
      tpu.wait_dma2 semaphore(%run_scoped3A : memref<!tpu.dma_semaphore, #tpu.memory_space<semaphore_mem>>) src(%arg8 : memref<128x128xf32, #tpu.memory_space<vmem>>) dst(%dma_wait3A_52 : memref<128x128xf32, #tpu.memory_space<vmem_shared>>)
      tpu.yield
    }) : () -> ()
    %mul3A_23 = arith.constant 640 : i32
    %mul3A_24 = arith.muli %arg1, %mul3A_23 : i32
    %add3A_25 = arith.constant 512 : i32
    %add3A_26 = arith.addi %mul3A_24, %add3A_25 : i32
    "tpu.region"() ({
      %run_scoped3A = tpu.sem_alloc : memref<!tpu.dma_semaphore, #tpu.memory_space<semaphore_mem>>
      %dma_start3A = arith.constant 0 : i32
      %dma_start3A_47 = tpu.memref_slice %arg9[%add3A_26, %dma_start3A] : memref<10240x128xf32, #tpu.memory_space<vmem_shared>> -> memref<128x128xf32, #tpu.memory_space<vmem_shared>>
      %dma_start3A_48 = arith.constant 0 : i32
      %dma_start3A_49 = tpu.memref_slice %arg9[%add3A_26, %dma_start3A_48] : memref<10240x128xf32, #tpu.memory_space<vmem_shared>> -> memref<128x128xf32, #tpu.memory_space<vmem_shared>>
      tpu.enqueue_dma source(%arg8 : memref<128x128xf32, #tpu.memory_space<vmem>>) target(%dma_start3A_49 : memref<128x128xf32, #tpu.memory_space<vmem_shared>>) target_semaphore(%run_scoped3A : memref<!tpu.dma_semaphore, #tpu.memory_space<semaphore_mem>>)
      %dma_wait3A = arith.constant 0 : i32
      %dma_wait3A_50 = tpu.memref_slice %arg9[%add3A_26, %dma_wait3A] : memref<10240x128xf32, #tpu.memory_space<vmem_shared>> -> memref<128x128xf32, #tpu.memory_space<vmem_shared>>
      %dma_wait3A_51 = arith.constant 0 : i32
      %dma_wait3A_52 = tpu.memref_slice %arg9[%add3A_26, %dma_wait3A_51] : memref<10240x128xf32, #tpu.memory_space<vmem_shared>> -> memref<128x128xf32, #tpu.memory_space<vmem_shared>>
      tpu.wait_dma2 semaphore(%run_scoped3A : memref<!tpu.dma_semaphore, #tpu.memory_space<semaphore_mem>>) src(%arg8 : memref<128x128xf32, #tpu.memory_space<vmem>>) dst(%dma_wait3A_52 : memref<128x128xf32, #tpu.memory_space<vmem_shared>>)
      tpu.yield
    }) : () -> ()
    %mul3A_27 = arith.constant 80 : i32
    %mul3A_28 = arith.muli %add3A, %mul3A_27 : i32
    "tpu.region"() ({
      %run_scoped3A = tpu.sem_alloc : memref<!tpu.dma_semaphore, #tpu.memory_space<semaphore_mem>>
      %dma_start3A = arith.constant 0 : i32
      %dma_start3A_47 = tpu.memref_slice %arg3[%mul3A_28, %dma_start3A] : memref<2560x128xi32, #tpu.memory_space<hbm>> -> memref<80x128xi32, #tpu.memory_space<hbm>>
      %dma_start3A_48 = arith.constant 0 : i32
      %dma_start3A_49 = tpu.memref_slice %arg3[%mul3A_28, %dma_start3A_48] : memref<2560x128xi32, #tpu.memory_space<hbm>> -> memref<80x128xi32, #tpu.memory_space<hbm>>
      tpu.enqueue_dma source(%dma_start3A_49 : memref<80x128xi32, #tpu.memory_space<hbm>>) target(%arg6 : memref<80x128xi32, #tpu.memory_space<vmem>>) target_semaphore(%run_scoped3A : memref<!tpu.dma_semaphore, #tpu.memory_space<semaphore_mem>>)
      %dma_wait3A = arith.constant 0 : i32
      %dma_wait3A_50 = tpu.memref_slice %arg3[%mul3A_28, %dma_wait3A] : memref<2560x128xi32, #tpu.memory_space<hbm>> -> memref<80x128xi32, #tpu.memory_space<hbm>>
      %dma_wait3A_51 = arith.constant 0 : i32
      %dma_wait3A_52 = tpu.memref_slice %arg3[%mul3A_28, %dma_wait3A_51] : memref<2560x128xi32, #tpu.memory_space<hbm>> -> memref<80x128xi32, #tpu.memory_space<hbm>>
      tpu.wait_dma2 semaphore(%run_scoped3A : memref<!tpu.dma_semaphore, #tpu.memory_space<semaphore_mem>>) src(%dma_wait3A_52 : memref<80x128xi32, #tpu.memory_space<hbm>>) dst(%arg6 : memref<80x128xi32, #tpu.memory_space<vmem>>)
      tpu.yield
    }) : () -> ()
    %mul3A_29 = arith.constant 80 : i32
    %mul3A_30 = arith.muli %add3A, %mul3A_29 : i32
    "tpu.region"() ({
      %run_scoped3A = tpu.sem_alloc : memref<!tpu.dma_semaphore, #tpu.memory_space<semaphore_mem>>
      %dma_start3A = arith.constant 0 : i32
      %dma_start3A_47 = tpu.memref_slice %arg4[%mul3A_30, %dma_start3A] : memref<2560x128xi32, #tpu.memory_space<hbm>> -> memref<80x128xi32, #tpu.memory_space<hbm>>
      %dma_start3A_48 = arith.constant 0 : i32
      %dma_start3A_49 = tpu.memref_slice %arg4[%mul3A_30, %dma_start3A_48] : memref<2560x128xi32, #tpu.memory_space<hbm>> -> memref<80x128xi32, #tpu.memory_space<hbm>>
      tpu.enqueue_dma source(%dma_start3A_49 : memref<80x128xi32, #tpu.memory_space<hbm>>) target(%arg7 : memref<80x128xi32, #tpu.memory_space<vmem>>) target_semaphore(%run_scoped3A : memref<!tpu.dma_semaphore, #tpu.memory_space<semaphore_mem>>)
      %dma_wait3A = arith.constant 0 : i32
      %dma_wait3A_50 = tpu.memref_slice %arg4[%mul3A_30, %dma_wait3A] : memref<2560x128xi32, #tpu.memory_space<hbm>> -> memref<80x128xi32, #tpu.memory_space<hbm>>
      %dma_wait3A_51 = arith.constant 0 : i32
      %dma_wait3A_52 = tpu.memref_slice %arg4[%mul3A_30, %dma_wait3A_51] : memref<2560x128xi32, #tpu.memory_space<hbm>> -> memref<80x128xi32, #tpu.memory_space<hbm>>
      tpu.wait_dma2 semaphore(%run_scoped3A : memref<!tpu.dma_semaphore, #tpu.memory_space<semaphore_mem>>) src(%dma_wait3A_52 : memref<80x128xi32, #tpu.memory_space<hbm>>) dst(%arg7 : memref<80x128xi32, #tpu.memory_space<vmem>>)
      tpu.yield
    }) : () -> ()
    %barrier3A = arith.constant 0 : index
    tpu.barrier barrier_id(%barrier3A)
    %scan3A_31 = arith.constant 0 : i32
    %scan3A_32 = arith.constant 0 : i32
    %scan3A_33 = arith.constant 80 : i32
    %scan3A_34 = arith.addi %scan3A_32, %scan3A_33 : i32
    %scan3A_35 = arith.constant 1 : i32
    scf.for %scan3A_47 = %scan3A_32 to %scan3A_34 step %scan3A_35  : i32 {
      %dma_start3A = arith.constant 0 : i32
      %dma_start3A_48 = tpu.memref_slice %arg6[%scan3A_47, %dma_start3A] : memref<80x128xi32, #tpu.memory_space<vmem>> -> memref<1x128xi32, #tpu.memory_space<vmem>>
      %dma_start3A_49 = tpu.memref_squeeze %dma_start3A_48 : memref<1x128xi32, #tpu.memory_space<vmem>> -> memref<128xi32, #tpu.memory_space<vmem>>
      %dma_start3A_50 = arith.constant 0 : i32
      %dma_start3A_51 = arith.constant 0 : i32
      %dma_start3A_52 = tpu.memref_slice %arg2[%dma_start3A_50, %dma_start3A_51] : memref<10000x128xf32, #tpu.memory_space<hbm>> -> memref<10000x128xf32, #tpu.memory_space<hbm>>
      tpu.enqueue_indirect_dma source(%dma_start3A_52 : memref<10000x128xf32, #tpu.memory_space<hbm>>) target(%arg8 : memref<128x128xf32, #tpu.memory_space<vmem>>) offsets(%dma_start3A_49 : memref<128xi32, #tpu.memory_space<vmem>>) semaphore(%arg10 : memref<!tpu.dma_semaphore, #tpu.memory_space<semaphore_mem>>)
      %dma_wait3A = arith.constant 0 : i32
      %dma_wait3A_53 = tpu.memref_slice %arg6[%scan3A_47, %dma_wait3A] : memref<80x128xi32, #tpu.memory_space<vmem>> -> memref<1x128xi32, #tpu.memory_space<vmem>>
      %dma_wait3A_54 = tpu.memref_squeeze %dma_wait3A_53 : memref<1x128xi32, #tpu.memory_space<vmem>> -> memref<128xi32, #tpu.memory_space<vmem>>
      %dma_wait3A_55 = arith.constant 0 : i32
      %dma_wait3A_56 = arith.constant 0 : i32
      %dma_wait3A_57 = tpu.memref_slice %arg2[%dma_wait3A_55, %dma_wait3A_56] : memref<10000x128xf32, #tpu.memory_space<hbm>> -> memref<10000x128xf32, #tpu.memory_space<hbm>>
      tpu.wait_indirect_dma semaphore(%arg10 : memref<!tpu.dma_semaphore, #tpu.memory_space<semaphore_mem>>) src(%dma_wait3A_57 : memref<10000x128xf32, #tpu.memory_space<hbm>>) dst(%arg8 : memref<128x128xf32, #tpu.memory_space<vmem>>)
      "tpu.region"() ({
        %run_scoped3A = tpu.sem_alloc : memref<!tpu.dma_semaphore, #tpu.memory_space<semaphore_mem>>
        %dma_start3A_58 = arith.constant 0 : i32
        %dma_start3A_59 = tpu.memref_slice %arg7[%scan3A_47, %dma_start3A_58] : memref<80x128xi32, #tpu.memory_space<vmem>> -> memref<1x128xi32, #tpu.memory_space<vmem>>
        %dma_start3A_60 = tpu.memref_squeeze %dma_start3A_59 : memref<1x128xi32, #tpu.memory_space<vmem>> -> memref<128xi32, #tpu.memory_space<vmem>>
        %dma_start3A_61 = arith.constant 0 : i32
        %dma_start3A_62 = arith.constant 0 : i32
        %dma_start3A_63 = tpu.memref_slice %arg9[%dma_start3A_61, %dma_start3A_62] : memref<10240x128xf32, #tpu.memory_space<vmem_shared>> -> memref<10240x128xf32, #tpu.memory_space<vmem_shared>>
        tpu.enqueue_indirect_dma source(%arg8 : memref<128x128xf32, #tpu.memory_space<vmem>>) target(%dma_start3A_63 : memref<10240x128xf32, #tpu.memory_space<vmem_shared>>) offsets(%dma_start3A_60 : memref<128xi32, #tpu.memory_space<vmem>>) semaphore(%run_scoped3A : memref<!tpu.dma_semaphore, #tpu.memory_space<semaphore_mem>>) {add = true}
        %dma_wait3A_64 = arith.constant 0 : i32
        %dma_wait3A_65 = tpu.memref_slice %arg7[%scan3A_47, %dma_wait3A_64] : memref<80x128xi32, #tpu.memory_space<vmem>> -> memref<1x128xi32, #tpu.memory_space<vmem>>
        %dma_wait3A_66 = tpu.memref_squeeze %dma_wait3A_65 : memref<1x128xi32, #tpu.memory_space<vmem>> -> memref<128xi32, #tpu.memory_space<vmem>>
        %dma_wait3A_67 = arith.constant 0 : i32
        %dma_wait3A_68 = arith.constant 0 : i32
        %dma_wait3A_69 = tpu.memref_slice %arg9[%dma_wait3A_67, %dma_wait3A_68] : memref<10240x128xf32, #tpu.memory_space<vmem_shared>> -> memref<10240x128xf32, #tpu.memory_space<vmem_shared>>
        tpu.wait_indirect_dma semaphore(%run_scoped3A : memref<!tpu.dma_semaphore, #tpu.memory_space<semaphore_mem>>) src(%arg8 : memref<128x128xf32, #tpu.memory_space<vmem>>) dst(%dma_wait3A_69 : memref<10240x128xf32, #tpu.memory_space<vmem_shared>>)
        tpu.yield
      }) : () -> ()
    }
    %scan3A_36 = arith.constant 80 : i32
    %barrier3A_37 = arith.constant 0 : index
    tpu.barrier barrier_id(%barrier3A_37)
    %mul3A_38 = arith.constant 624 : i32
    %mul3A_39 = arith.muli %arg1, %mul3A_38 : i32
    %mul3A_40 = arith.constant 10000 : i32
    %mul3A_41 = arith.muli %arg0, %mul3A_40 : i32
    %mul3A_42 = arith.constant 624 : i32
    %mul3A_43 = arith.muli %arg1, %mul3A_42 : i32
    %add3A_44 = arith.addi %mul3A_41, %mul3A_43 : i32
    "tpu.region"() ({
      %run_scoped3A = tpu.sem_alloc : memref<!tpu.dma_semaphore, #tpu.memory_space<semaphore_mem>>
      %dma_start3A = arith.constant 0 : i32
      %dma_start3A_47 = tpu.memref_slice %arg5[%add3A_44, %dma_start3A] : memref<20000x128xf32, #tpu.memory_space<hbm>> -> memref<624x128xf32, #tpu.memory_space<hbm>>
      %dma_start3A_48 = arith.constant 0 : i32
      %dma_start3A_49 = tpu.memref_slice %arg9[%mul3A_39, %dma_start3A_48] : memref<10240x128xf32, #tpu.memory_space<vmem_shared>> -> memref<624x128xf32, #tpu.memory_space<vmem_shared>>
      tpu.enqueue_dma source(%dma_start3A_49 : memref<624x128xf32, #tpu.memory_space<vmem_shared>>) target(%dma_start3A_47 : memref<624x128xf32, #tpu.memory_space<hbm>>) target_semaphore(%run_scoped3A : memref<!tpu.dma_semaphore, #tpu.memory_space<semaphore_mem>>)
      %dma_wait3A = arith.constant 0 : i32
      %dma_wait3A_50 = tpu.memref_slice %arg5[%add3A_44, %dma_wait3A] : memref<20000x128xf32, #tpu.memory_space<hbm>> -> memref<624x128xf32, #tpu.memory_space<hbm>>
      %dma_wait3A_51 = arith.constant 0 : i32
      %dma_wait3A_52 = tpu.memref_slice %arg9[%mul3A_39, %dma_wait3A_51] : memref<10240x128xf32, #tpu.memory_space<vmem_shared>> -> memref<624x128xf32, #tpu.memory_space<vmem_shared>>
      tpu.wait_dma2 semaphore(%run_scoped3A : memref<!tpu.dma_semaphore, #tpu.memory_space<semaphore_mem>>) src(%dma_wait3A_52 : memref<624x128xf32, #tpu.memory_space<vmem_shared>>) dst(%dma_wait3A_50 : memref<624x128xf32, #tpu.memory_space<hbm>>)
      tpu.yield
    }) : () -> ()
    %eq3A = arith.constant 0 : i32
    %eq3A_45 = arith.cmpi eq, %arg1, %eq3A : i32
    %convert_element_type3A = arith.extui %eq3A_45 : i1 to i32
    %cond3A = arith.constant 0 : i32
    %cond3A_46 = arith.cmpi ne, %convert_element_type3A, %cond3A : i32
    scf.if %cond3A_46 {
      %mul3A_47 = arith.constant 10000 : i32
      %mul3A_48 = arith.muli %arg0, %mul3A_47 : i32
      %add3A_49 = arith.constant 9984 : i32
      %add3A_50 = arith.addi %mul3A_48, %add3A_49 : i32
      "tpu.region"() ({
        %run_scoped3A = tpu.sem_alloc : memref<!tpu.dma_semaphore, #tpu.memory_space<semaphore_mem>>
        %dma_start3A = arith.constant 0 : i32
        %dma_start3A_51 = tpu.memref_slice %arg5[%add3A_50, %dma_start3A] : memref<20000x128xf32, #tpu.memory_space<hbm>> -> memref<16x128xf32, #tpu.memory_space<hbm>>
        %dma_start3A_52 = arith.constant 9984 : i32
        %dma_start3A_53 = arith.constant 0 : i32
        %dma_start3A_54 = tpu.memref_slice %arg9[%dma_start3A_52, %dma_start3A_53] : memref<10240x128xf32, #tpu.memory_space<vmem_shared>> -> memref<16x128xf32, #tpu.memory_space<vmem_shared>>
        tpu.enqueue_dma source(%dma_start3A_54 : memref<16x128xf32, #tpu.memory_space<vmem_shared>>) target(%dma_start3A_51 : memref<16x128xf32, #tpu.memory_space<hbm>>) target_semaphore(%run_scoped3A : memref<!tpu.dma_semaphore, #tpu.memory_space<semaphore_mem>>)
        %dma_wait3A = arith.constant 0 : i32
        %dma_wait3A_55 = tpu.memref_slice %arg5[%add3A_50, %dma_wait3A] : memref<20000x128xf32, #tpu.memory_space<hbm>> -> memref<16x128xf32, #tpu.memory_space<hbm>>
        %dma_wait3A_56 = arith.constant 9984 : i32
        %dma_wait3A_57 = arith.constant 0 : i32
        %dma_wait3A_58 = tpu.memref_slice %arg9[%dma_wait3A_56, %dma_wait3A_57] : memref<10240x128xf32, #tpu.memory_space<vmem_shared>> -> memref<16x128xf32, #tpu.memory_space<vmem_shared>>
        tpu.wait_dma2 semaphore(%run_scoped3A : memref<!tpu.dma_semaphore, #tpu.memory_space<semaphore_mem>>) src(%dma_wait3A_58 : memref<16x128xf32, #tpu.memory_space<vmem_shared>>) dst(%dma_wait3A_55 : memref<16x128xf32, #tpu.memory_space<hbm>>)
        tpu.yield
      }) : () -> ()
    } else {
    }
    return
  }
}

#map = affine_map<(d0, d1) -> (0, 0)>
module attributes {stable_mosaic.version = 14 : i64} {
  func.func @_sc_body(%arg0: i32, %arg1: i32, %arg2: memref<10000x128xf32, #tpu.memory_space<hbm>>, %arg3: memref<2560x128xi32, #tpu.memory_space<hbm>>, %arg4: memref<2560x128xi32, #tpu.memory_space<hbm>>, %arg5: memref<20000x128xf32, #tpu.memory_space<hbm>>, %arg6: memref<80x128xi32, #tpu.memory_space<vmem>>, %arg7: memref<80x128xi32, #tpu.memory_space<vmem>>, %arg8: memref<128x128xf32, #tpu.memory_space<vmem>>, %arg9: memref<10240x128xf32, #tpu.memory_space<vmem_shared>>, %arg10: memref<!tpu.dma_semaphore, #tpu.memory_space<semaphore_mem>>) attributes {dimension_semantics = [#tpu.dimension_semantics<core_parallel>, #tpu.dimension_semantics<subcore_parallel>], iteration_bounds = array<i64: 2, 16>, scalar_prefetch = 0 : i64, scratch_operands = 5 : i64, tpu.core_type = #tpu.core_type<sc_vector_subcore>, window_params = [{transform_indices = #map}, {transform_indices = #map}, {transform_indices = #map}, {transform_indices = #map}]} {
    %mul3A = arith.constant 16 : i32
    %mul3A_0 = arith.muli %arg0, %mul3A : i32
    %add3A = arith.addi %mul3A_0, %arg1 : i32
    %broadcast_in_dim3A = arith.constant 0.000000e+00 : f32
    %broadcast_in_dim3A_1 = vector.broadcast %broadcast_in_dim3A : f32 to vector<16xf32>
    %scan3A = arith.constant 0 : i32
    %scan3A_2 = arith.constant 0 : i32
    %scan3A_3 = arith.constant 1024 : i32
    %scan3A_4 = arith.addi %scan3A_2, %scan3A_3 : i32
    %scan3A_5 = arith.constant 1 : i32
    scf.for %scan3A_47 = %scan3A_2 to %scan3A_4 step %scan3A_5  : i32 {
      %jit3A = arith.constant 8 : i32
      %div3A = arith.divsi %scan3A_47, %jit3A : i32
      %sign3A = arith.constant 0 : i32
      %sign3A_48 = arith.cmpi sgt, %scan3A_47, %sign3A : i32
      %sign3A_49 = arith.extui %sign3A_48 : i1 to i32
      %sign3A_50 = arith.constant 0 : i32
      %sign3A_51 = arith.cmpi slt, %scan3A_47, %sign3A_50 : i32
      %sign3A_52 = arith.extui %sign3A_51 : i1 to i32
      %sign3A_53 = arith.subi %sign3A_49, %sign3A_52 : i32
      %sign3A_54 = arith.constant 0 : i32
      %sign3A_55 = arith.cmpi sgt, %jit3A, %sign3A_54 : i32
      %sign3A_56 = arith.extui %sign3A_55 : i1 to i32
      %sign3A_57 = arith.constant 0 : i32
      %sign3A_58 = arith.cmpi slt, %jit3A, %sign3A_57 : i32
      %sign3A_59 = arith.extui %sign3A_58 : i1 to i32
      %sign3A_60 = arith.subi %sign3A_56, %sign3A_59 : i32
      %ne3A = arith.cmpi ne, %sign3A_53, %sign3A_60 : i32
      %rem3A = arith.remsi %scan3A_47, %jit3A : i32
      %ne3A_61 = arith.constant 0 : i32
      %ne3A_62 = arith.cmpi ne, %rem3A, %ne3A_61 : i32
      %and3A = arith.andi %ne3A, %ne3A_62 : i1
      %sub3A = arith.constant 1 : i32
      %sub3A_63 = arith.subi %div3A, %sub3A : i32
      %select_n3A = arith.select %and3A, %sub3A_63, %div3A : i32
      %jit3A_64 = arith.constant 8 : i32
      %eq3A_65 = arith.constant 0 : i32
      %eq3A_66 = arith.cmpi eq, %jit3A_64, %eq3A_65 : i32
      %jit3A_67 = arith.constant 1 : i32
      %select_n3A_68 = arith.select %eq3A_66, %jit3A_67, %jit3A_64 : i32
      %rem3A_69 = arith.remsi %scan3A_47, %select_n3A_68 : i32
      %ne3A_70 = arith.constant 0 : i32
      %ne3A_71 = arith.cmpi ne, %rem3A_69, %ne3A_70 : i32
      %lt3A = arith.constant 0 : i32
      %lt3A_72 = arith.cmpi slt, %rem3A_69, %lt3A : i32
      %lt3A_73 = arith.constant 0 : i32
      %lt3A_74 = arith.cmpi slt, %select_n3A_68, %lt3A_73 : i32
      %ne3A_75 = arith.xori %lt3A_72, %lt3A_74 : i1
      %and3A_76 = arith.andi %ne3A_75, %ne3A_71 : i1
      %add3A_77 = arith.addi %rem3A_69, %select_n3A_68 : i32
      %select_n3A_78 = arith.select %and3A_76, %add3A_77, %rem3A_69 : i32
      %mul3A_79 = arith.constant 16 : i32
      %mul3A_80 = arith.muli %select_n3A_78, %mul3A_79 : i32
      %swap3A = arith.index_cast %select_n3A : i32 to index
      %swap3A_81 = arith.index_cast %mul3A_80 : i32 to index
      %swap3A_82 = tpu.vector_load %arg8[%swap3A, %swap3A_81] {strides = array<i32>} : memref<128x128xf32, #tpu.memory_space<vmem>>, vector<1x16xf32>,
      %swap3A_83 = vector.shape_cast %swap3A_82 : vector<1x16xf32> to vector<16xf32>
      %swap3A_84 = vector.shape_cast %broadcast_in_dim3A_1 : vector<16xf32> to vector<1x16xf32>
      tpu.vector_store %arg8[%swap3A, %swap3A_81], %swap3A_84 {strides = array<i32>} : memref<128x128xf32, #tpu.memory_space<vmem>>, vector<1x16xf32>,
    }
    %scan3A_6 = arith.constant 1024 : i32
    %mul3A_7 = arith.constant 640 : i32
    %mul3A_8 = arith.muli %arg1, %mul3A_7 : i32
    %add3A_9 = arith.constant 0 : i32
    %add3A_10 = arith.addi %mul3A_8, %add3A_9 : i32
    "tpu.region"() ({
      %run_scoped3A = tpu.sem_alloc : memref<!tpu.dma_semaphore, #tpu.memory_space<semaphore_mem>>
      %dma_start3A = arith.constant 0 : i32
      %dma_start3A_47 = tpu.memref_slice %arg9[%add3A_10, %dma_start3A] : memref<10240x128xf32, #tpu.memory_space<vmem_shared>> -> memref<128x128xf32, #tpu.memory_space<vmem_shared>>
      %dma_start3A_48 = arith.constant 0 : i32
      %dma_start3A_49 = tpu.memref_slice %arg9[%add3A_10, %dma_start3A_48] : memref<10240x128xf32, #tpu.memory_space<vmem_shared>> -> memref<128x128xf32, #tpu.memory_space<vmem_shared>>
      tpu.enqueue_dma source(%arg8 : memref<128x128xf32, #tpu.memory_space<vmem>>) target(%dma_start3A_49 : memref<128x128xf32, #tpu.memory_space<vmem_shared>>) target_semaphore(%run_scoped3A : memref<!tpu.dma_semaphore, #tpu.memory_space<semaphore_mem>>)
      %dma_wait3A = arith.constant 0 : i32
      %dma_wait3A_50 = tpu.memref_slice %arg9[%add3A_10, %dma_wait3A] : memref<10240x128xf32, #tpu.memory_space<vmem_shared>> -> memref<128x128xf32, #tpu.memory_space<vmem_shared>>
      %dma_wait3A_51 = arith.constant 0 : i32
      %dma_wait3A_52 = tpu.memref_slice %arg9[%add3A_10, %dma_wait3A_51] : memref<10240x128xf32, #tpu.memory_space<vmem_shared>> -> memref<128x128xf32, #tpu.memory_space<vmem_shared>>
      tpu.wait_dma2 semaphore(%run_scoped3A : memref<!tpu.dma_semaphore, #tpu.memory_space<semaphore_mem>>) src(%arg8 : memref<128x128xf32, #tpu.memory_space<vmem>>) dst(%dma_wait3A_52 : memref<128x128xf32, #tpu.memory_space<vmem_shared>>)
      tpu.yield
    }) : () -> ()
    %mul3A_11 = arith.constant 640 : i32
    %mul3A_12 = arith.muli %arg1, %mul3A_11 : i32
    %add3A_13 = arith.constant 128 : i32
    %add3A_14 = arith.addi %mul3A_12, %add3A_13 : i32
    "tpu.region"() ({
      %run_scoped3A = tpu.sem_alloc : memref<!tpu.dma_semaphore, #tpu.memory_space<semaphore_mem>>
      %dma_start3A = arith.constant 0 : i32
      %dma_start3A_47 = tpu.memref_slice %arg9[%add3A_14, %dma_start3A] : memref<10240x128xf32, #tpu.memory_space<vmem_shared>> -> memref<128x128xf32, #tpu.memory_space<vmem_shared>>
      %dma_start3A_48 = arith.constant 0 : i32
      %dma_start3A_49 = tpu.memref_slice %arg9[%add3A_14, %dma_start3A_48] : memref<10240x128xf32, #tpu.memory_space<vmem_shared>> -> memref<128x128xf32, #tpu.memory_space<vmem_shared>>
      tpu.enqueue_dma source(%arg8 : memref<128x128xf32, #tpu.memory_space<vmem>>) target(%dma_start3A_49 : memref<128x128xf32, #tpu.memory_space<vmem_shared>>) target_semaphore(%run_scoped3A : memref<!tpu.dma_semaphore, #tpu.memory_space<semaphore_mem>>)
      %dma_wait3A = arith.constant 0 : i32
      %dma_wait3A_50 = tpu.memref_slice %arg9[%add3A_14, %dma_wait3A] : memref<10240x128xf32, #tpu.memory_space<vmem_shared>> -> memref<128x128xf32, #tpu.memory_space<vmem_shared>>
      %dma_wait3A_51 = arith.constant 0 : i32
      %dma_wait3A_52 = tpu.memref_slice %arg9[%add3A_14, %dma_wait3A_51] : memref<10240x128xf32, #tpu.memory_space<vmem_shared>> -> memref<128x128xf32, #tpu.memory_space<vmem_shared>>
      tpu.wait_dma2 semaphore(%run_scoped3A : memref<!tpu.dma_semaphore, #tpu.memory_space<semaphore_mem>>) src(%arg8 : memref<128x128xf32, #tpu.memory_space<vmem>>) dst(%dma_wait3A_52 : memref<128x128xf32, #tpu.memory_space<vmem_shared>>)
      tpu.yield
    }) : () -> ()
    %mul3A_15 = arith.constant 640 : i32
    %mul3A_16 = arith.muli %arg1, %mul3A_15 : i32
    %add3A_17 = arith.constant 256 : i32
    %add3A_18 = arith.addi %mul3A_16, %add3A_17 : i32
    "tpu.region"() ({
      %run_scoped3A = tpu.sem_alloc : memref<!tpu.dma_semaphore, #tpu.memory_space<semaphore_mem>>
      %dma_start3A = arith.constant 0 : i32
      %dma_start3A_47 = tpu.memref_slice %arg9[%add3A_18, %dma_start3A] : memref<10240x128xf32, #tpu.memory_space<vmem_shared>> -> memref<128x128xf32, #tpu.memory_space<vmem_shared>>
      %dma_start3A_48 = arith.constant 0 : i32
      %dma_start3A_49 = tpu.memref_slice %arg9[%add3A_18, %dma_start3A_48] : memref<10240x128xf32, #tpu.memory_space<vmem_shared>> -> memref<128x128xf32, #tpu.memory_space<vmem_shared>>
      tpu.enqueue_dma source(%arg8 : memref<128x128xf32, #tpu.memory_space<vmem>>) target(%dma_start3A_49 : memref<128x128xf32, #tpu.memory_space<vmem_shared>>) target_semaphore(%run_scoped3A : memref<!tpu.dma_semaphore, #tpu.memory_space<semaphore_mem>>)
      %dma_wait3A = arith.constant 0 : i32
      %dma_wait3A_50 = tpu.memref_slice %arg9[%add3A_18, %dma_wait3A] : memref<10240x128xf32, #tpu.memory_space<vmem_shared>> -> memref<128x128xf32, #tpu.memory_space<vmem_shared>>
      %dma_wait3A_51 = arith.constant 0 : i32
      %dma_wait3A_52 = tpu.memref_slice %arg9[%add3A_18, %dma_wait3A_51] : memref<10240x128xf32, #tpu.memory_space<vmem_shared>> -> memref<128x128xf32, #tpu.memory_space<vmem_shared>>
      tpu.wait_dma2 semaphore(%run_scoped3A : memref<!tpu.dma_semaphore, #tpu.memory_space<semaphore_mem>>) src(%arg8 : memref<128x128xf32, #tpu.memory_space<vmem>>) dst(%dma_wait3A_52 : memref<128x128xf32, #tpu.memory_space<vmem_shared>>)
      tpu.yield
    }) : () -> ()
    %mul3A_19 = arith.constant 640 : i32
    %mul3A_20 = arith.muli %arg1, %mul3A_19 : i32
    %add3A_21 = arith.constant 384 : i32
    %add3A_22 = arith.addi %mul3A_20, %add3A_21 : i32
    "tpu.region"() ({
      %run_scoped3A = tpu.sem_alloc : memref<!tpu.dma_semaphore, #tpu.memory_space<semaphore_mem>>
      %dma_start3A = arith.constant 0 : i32
      %dma_start3A_47 = tpu.memref_slice %arg9[%add3A_22, %dma_start3A] : memref<10240x128xf32, #tpu.memory_space<vmem_shared>> -> memref<128x128xf32, #tpu.memory_space<vmem_shared>>
      %dma_start3A_48 = arith.constant 0 : i32
      %dma_start3A_49 = tpu.memref_slice %arg9[%add3A_22, %dma_start3A_48] : memref<10240x128xf32, #tpu.memory_space<vmem_shared>> -> memref<128x128xf32, #tpu.memory_space<vmem_shared>>
      tpu.enqueue_dma source(%arg8 : memref<128x128xf32, #tpu.memory_space<vmem>>) target(%dma_start3A_49 : memref<128x128xf32, #tpu.memory_space<vmem_shared>>) target_semaphore(%run_scoped3A : memref<!tpu.dma_semaphore, #tpu.memory_space<semaphore_mem>>)
      %dma_wait3A = arith.constant 0 : i32
      %dma_wait3A_50 = tpu.memref_slice %arg9[%add3A_22, %dma_wait3A] : memref<10240x128xf32, #tpu.memory_space<vmem_shared>> -> memref<128x128xf32, #tpu.memory_space<vmem_shared>>
      %dma_wait3A_51 = arith.constant 0 : i32
      %dma_wait3A_52 = tpu.memref_slice %arg9[%add3A_22, %dma_wait3A_51] : memref<10240x128xf32, #tpu.memory_space<vmem_shared>> -> memref<128x128xf32, #tpu.memory_space<vmem_shared>>
      tpu.wait_dma2 semaphore(%run_scoped3A : memref<!tpu.dma_semaphore, #tpu.memory_space<semaphore_mem>>) src(%arg8 : memref<128x128xf32, #tpu.memory_space<vmem>>) dst(%dma_wait3A_52 : memref<128x128xf32, #tpu.memory_space<vmem_shared>>)
      tpu.yield
    }) : () -> ()
    %mul3A_23 = arith.constant 640 : i32
    %mul3A_24 = arith.muli %arg1, %mul3A_23 : i32
    %add3A_25 = arith.constant 512 : i32
    %add3A_26 = arith.addi %mul3A_24, %add3A_25 : i32
    "tpu.region"() ({
      %run_scoped3A = tpu.sem_alloc : memref<!tpu.dma_semaphore, #tpu.memory_space<semaphore_mem>>
      %dma_start3A = arith.constant 0 : i32
      %dma_start3A_47 = tpu.memref_slice %arg9[%add3A_26, %dma_start3A] : memref<10240x128xf32, #tpu.memory_space<vmem_shared>> -> memref<128x128xf32, #tpu.memory_space<vmem_shared>>
      %dma_start3A_48 = arith.constant 0 : i32
      %dma_start3A_49 = tpu.memref_slice %arg9[%add3A_26, %dma_start3A_48] : memref<10240x128xf32, #tpu.memory_space<vmem_shared>> -> memref<128x128xf32, #tpu.memory_space<vmem_shared>>
      tpu.enqueue_dma source(%arg8 : memref<128x128xf32, #tpu.memory_space<vmem>>) target(%dma_start3A_49 : memref<128x128xf32, #tpu.memory_space<vmem_shared>>) target_semaphore(%run_scoped3A : memref<!tpu.dma_semaphore, #tpu.memory_space<semaphore_mem>>)
      %dma_wait3A = arith.constant 0 : i32
      %dma_wait3A_50 = tpu.memref_slice %arg9[%add3A_26, %dma_wait3A] : memref<10240x128xf32, #tpu.memory_space<vmem_shared>> -> memref<128x128xf32, #tpu.memory_space<vmem_shared>>
      %dma_wait3A_51 = arith.constant 0 : i32
      %dma_wait3A_52 = tpu.memref_slice %arg9[%add3A_26, %dma_wait3A_51] : memref<10240x128xf32, #tpu.memory_space<vmem_shared>> -> memref<128x128xf32, #tpu.memory_space<vmem_shared>>
      tpu.wait_dma2 semaphore(%run_scoped3A : memref<!tpu.dma_semaphore, #tpu.memory_space<semaphore_mem>>) src(%arg8 : memref<128x128xf32, #tpu.memory_space<vmem>>) dst(%dma_wait3A_52 : memref<128x128xf32, #tpu.memory_space<vmem_shared>>)
      tpu.yield
    }) : () -> ()
    %mul3A_27 = arith.constant 80 : i32
    %mul3A_28 = arith.muli %add3A, %mul3A_27 : i32
    "tpu.region"() ({
      %run_scoped3A = tpu.sem_alloc : memref<!tpu.dma_semaphore, #tpu.memory_space<semaphore_mem>>
      %dma_start3A = arith.constant 0 : i32
      %dma_start3A_47 = tpu.memref_slice %arg3[%mul3A_28, %dma_start3A] : memref<2560x128xi32, #tpu.memory_space<hbm>> -> memref<80x128xi32, #tpu.memory_space<hbm>>
      %dma_start3A_48 = arith.constant 0 : i32
      %dma_start3A_49 = tpu.memref_slice %arg3[%mul3A_28, %dma_start3A_48] : memref<2560x128xi32, #tpu.memory_space<hbm>> -> memref<80x128xi32, #tpu.memory_space<hbm>>
      tpu.enqueue_dma source(%dma_start3A_49 : memref<80x128xi32, #tpu.memory_space<hbm>>) target(%arg6 : memref<80x128xi32, #tpu.memory_space<vmem>>) target_semaphore(%run_scoped3A : memref<!tpu.dma_semaphore, #tpu.memory_space<semaphore_mem>>)
      %dma_wait3A = arith.constant 0 : i32
      %dma_wait3A_50 = tpu.memref_slice %arg3[%mul3A_28, %dma_wait3A] : memref<2560x128xi32, #tpu.memory_space<hbm>> -> memref<80x128xi32, #tpu.memory_space<hbm>>
      %dma_wait3A_51 = arith.constant 0 : i32
      %dma_wait3A_52 = tpu.memref_slice %arg3[%mul3A_28, %dma_wait3A_51] : memref<2560x128xi32, #tpu.memory_space<hbm>> -> memref<80x128xi32, #tpu.memory_space<hbm>>
      tpu.wait_dma2 semaphore(%run_scoped3A : memref<!tpu.dma_semaphore, #tpu.memory_space<semaphore_mem>>) src(%dma_wait3A_52 : memref<80x128xi32, #tpu.memory_space<hbm>>) dst(%arg6 : memref<80x128xi32, #tpu.memory_space<vmem>>)
      tpu.yield
    }) : () -> ()
    %mul3A_29 = arith.constant 80 : i32
    %mul3A_30 = arith.muli %add3A, %mul3A_29 : i32
    "tpu.region"() ({
      %run_scoped3A = tpu.sem_alloc : memref<!tpu.dma_semaphore, #tpu.memory_space<semaphore_mem>>
      %dma_start3A = arith.constant 0 : i32
      %dma_start3A_47 = tpu.memref_slice %arg4[%mul3A_30, %dma_start3A] : memref<2560x128xi32, #tpu.memory_space<hbm>> -> memref<80x128xi32, #tpu.memory_space<hbm>>
      %dma_start3A_48 = arith.constant 0 : i32
      %dma_start3A_49 = tpu.memref_slice %arg4[%mul3A_30, %dma_start3A_48] : memref<2560x128xi32, #tpu.memory_space<hbm>> -> memref<80x128xi32, #tpu.memory_space<hbm>>
      tpu.enqueue_dma source(%dma_start3A_49 : memref<80x128xi32, #tpu.memory_space<hbm>>) target(%arg7 : memref<80x128xi32, #tpu.memory_space<vmem>>) target_semaphore(%run_scoped3A : memref<!tpu.dma_semaphore, #tpu.memory_space<semaphore_mem>>)
      %dma_wait3A = arith.constant 0 : i32
      %dma_wait3A_50 = tpu.memref_slice %arg4[%mul3A_30, %dma_wait3A] : memref<2560x128xi32, #tpu.memory_space<hbm>> -> memref<80x128xi32, #tpu.memory_space<hbm>>
      %dma_wait3A_51 = arith.constant 0 : i32
      %dma_wait3A_52 = tpu.memref_slice %arg4[%mul3A_30, %dma_wait3A_51] : memref<2560x128xi32, #tpu.memory_space<hbm>> -> memref<80x128xi32, #tpu.memory_space<hbm>>
      tpu.wait_dma2 semaphore(%run_scoped3A : memref<!tpu.dma_semaphore, #tpu.memory_space<semaphore_mem>>) src(%dma_wait3A_52 : memref<80x128xi32, #tpu.memory_space<hbm>>) dst(%arg7 : memref<80x128xi32, #tpu.memory_space<vmem>>)
      tpu.yield
    }) : () -> ()
    %barrier3A = arith.constant 0 : index
    tpu.barrier barrier_id(%barrier3A)
    %scan3A_31 = arith.constant 0 : i32
    %scan3A_32 = arith.constant 0 : i32
    %scan3A_33 = arith.constant 80 : i32
    %scan3A_34 = arith.addi %scan3A_32, %scan3A_33 : i32
    %scan3A_35 = arith.constant 1 : i32
    scf.for %scan3A_47 = %scan3A_32 to %scan3A_34 step %scan3A_35  : i32 {
      %dma_start3A = arith.constant 0 : i32
      %dma_start3A_48 = tpu.memref_slice %arg6[%scan3A_47, %dma_start3A] : memref<80x128xi32, #tpu.memory_space<vmem>> -> memref<1x128xi32, #tpu.memory_space<vmem>>
      %dma_start3A_49 = tpu.memref_squeeze %dma_start3A_48 : memref<1x128xi32, #tpu.memory_space<vmem>> -> memref<128xi32, #tpu.memory_space<vmem>>
      %dma_start3A_50 = arith.constant 0 : i32
      %dma_start3A_51 = arith.constant 0 : i32
      %dma_start3A_52 = tpu.memref_slice %arg2[%dma_start3A_50, %dma_start3A_51] : memref<10000x128xf32, #tpu.memory_space<hbm>> -> memref<10000x128xf32, #tpu.memory_space<hbm>>
      tpu.enqueue_indirect_dma source(%dma_start3A_52 : memref<10000x128xf32, #tpu.memory_space<hbm>>) target(%arg8 : memref<128x128xf32, #tpu.memory_space<vmem>>) offsets(%dma_start3A_49 : memref<128xi32, #tpu.memory_space<vmem>>) semaphore(%arg10 : memref<!tpu.dma_semaphore, #tpu.memory_space<semaphore_mem>>)
      %dma_wait3A = arith.constant 0 : i32
      %dma_wait3A_53 = tpu.memref_slice %arg6[%scan3A_47, %dma_wait3A] : memref<80x128xi32, #tpu.memory_space<vmem>> -> memref<1x128xi32, #tpu.memory_space<vmem>>
      %dma_wait3A_54 = tpu.memref_squeeze %dma_wait3A_53 : memref<1x128xi32, #tpu.memory_space<vmem>> -> memref<128xi32, #tpu.memory_space<vmem>>
      %dma_wait3A_55 = arith.constant 0 : i32
      %dma_wait3A_56 = arith.constant 0 : i32
      %dma_wait3A_57 = tpu.memref_slice %arg2[%dma_wait3A_55, %dma_wait3A_56] : memref<10000x128xf32, #tpu.memory_space<hbm>> -> memref<10000x128xf32, #tpu.memory_space<hbm>>
      tpu.wait_indirect_dma semaphore(%arg10 : memref<!tpu.dma_semaphore, #tpu.memory_space<semaphore_mem>>) src(%dma_wait3A_57 : memref<10000x128xf32, #tpu.memory_space<hbm>>) dst(%arg8 : memref<128x128xf32, #tpu.memory_space<vmem>>)
      "tpu.region"() ({
        %run_scoped3A = tpu.sem_alloc : memref<!tpu.dma_semaphore, #tpu.memory_space<semaphore_mem>>
        %dma_start3A_58 = arith.constant 0 : i32
        %dma_start3A_59 = tpu.memref_slice %arg7[%scan3A_47, %dma_start3A_58] : memref<80x128xi32, #tpu.memory_space<vmem>> -> memref<1x128xi32, #tpu.memory_space<vmem>>
        %dma_start3A_60 = tpu.memref_squeeze %dma_start3A_59 : memref<1x128xi32, #tpu.memory_space<vmem>> -> memref<128xi32, #tpu.memory_space<vmem>>
        %dma_start3A_61 = arith.constant 0 : i32
        %dma_start3A_62 = arith.constant 0 : i32
        %dma_start3A_63 = tpu.memref_slice %arg9[%dma_start3A_61, %dma_start3A_62] : memref<10240x128xf32, #tpu.memory_space<vmem_shared>> -> memref<10240x128xf32, #tpu.memory_space<vmem_shared>>
        tpu.enqueue_indirect_dma source(%arg8 : memref<128x128xf32, #tpu.memory_space<vmem>>) target(%dma_start3A_63 : memref<10240x128xf32, #tpu.memory_space<vmem_shared>>) offsets(%dma_start3A_60 : memref<128xi32, #tpu.memory_space<vmem>>) semaphore(%run_scoped3A : memref<!tpu.dma_semaphore, #tpu.memory_space<semaphore_mem>>) {add = true}
        %dma_wait3A_64 = arith.constant 0 : i32
        %dma_wait3A_65 = tpu.memref_slice %arg7[%scan3A_47, %dma_wait3A_64] : memref<80x128xi32, #tpu.memory_space<vmem>> -> memref<1x128xi32, #tpu.memory_space<vmem>>
        %dma_wait3A_66 = tpu.memref_squeeze %dma_wait3A_65 : memref<1x128xi32, #tpu.memory_space<vmem>> -> memref<128xi32, #tpu.memory_space<vmem>>
        %dma_wait3A_67 = arith.constant 0 : i32
        %dma_wait3A_68 = arith.constant 0 : i32
        %dma_wait3A_69 = tpu.memref_slice %arg9[%dma_wait3A_67, %dma_wait3A_68] : memref<10240x128xf32, #tpu.memory_space<vmem_shared>> -> memref<10240x128xf32, #tpu.memory_space<vmem_shared>>
        tpu.wait_indirect_dma semaphore(%run_scoped3A : memref<!tpu.dma_semaphore, #tpu.memory_space<semaphore_mem>>) src(%arg8 : memref<128x128xf32, #tpu.memory_space<vmem>>) dst(%dma_wait3A_69 : memref<10240x128xf32, #tpu.memory_space<vmem_shared>>)
        tpu.yield
      }) : () -> ()
    }
    %scan3A_36 = arith.constant 80 : i32
    %barrier3A_37 = arith.constant 0 : index
    tpu.barrier barrier_id(%barrier3A_37)
    %mul3A_38 = arith.constant 624 : i32
    %mul3A_39 = arith.muli %arg1, %mul3A_38 : i32
    %mul3A_40 = arith.constant 10000 : i32
    %mul3A_41 = arith.muli %arg0, %mul3A_40 : i32
    %mul3A_42 = arith.constant 624 : i32
    %mul3A_43 = arith.muli %arg1, %mul3A_42 : i32
    %add3A_44 = arith.addi %mul3A_41, %mul3A_43 : i32
    "tpu.region"() ({
      %run_scoped3A = tpu.sem_alloc : memref<!tpu.dma_semaphore, #tpu.memory_space<semaphore_mem>>
      %dma_start3A = arith.constant 0 : i32
      %dma_start3A_47 = tpu.memref_slice %arg5[%add3A_44, %dma_start3A] : memref<20000x128xf32, #tpu.memory_space<hbm>> -> memref<624x128xf32, #tpu.memory_space<hbm>>
      %dma_start3A_48 = arith.constant 0 : i32
      %dma_start3A_49 = tpu.memref_slice %arg9[%mul3A_39, %dma_start3A_48] : memref<10240x128xf32, #tpu.memory_space<vmem_shared>> -> memref<624x128xf32, #tpu.memory_space<vmem_shared>>
      tpu.enqueue_dma source(%dma_start3A_49 : memref<624x128xf32, #tpu.memory_space<vmem_shared>>) target(%dma_start3A_47 : memref<624x128xf32, #tpu.memory_space<hbm>>) target_semaphore(%run_scoped3A : memref<!tpu.dma_semaphore, #tpu.memory_space<semaphore_mem>>)
      %dma_wait3A = arith.constant 0 : i32
      %dma_wait3A_50 = tpu.memref_slice %arg5[%add3A_44, %dma_wait3A] : memref<20000x128xf32, #tpu.memory_space<hbm>> -> memref<624x128xf32, #tpu.memory_space<hbm>>
      %dma_wait3A_51 = arith.constant 0 : i32
      %dma_wait3A_52 = tpu.memref_slice %arg9[%mul3A_39, %dma_wait3A_51] : memref<10240x128xf32, #tpu.memory_space<vmem_shared>> -> memref<624x128xf32, #tpu.memory_space<vmem_shared>>
      tpu.wait_dma2 semaphore(%run_scoped3A : memref<!tpu.dma_semaphore, #tpu.memory_space<semaphore_mem>>) src(%dma_wait3A_52 : memref<624x128xf32, #tpu.memory_space<vmem_shared>>) dst(%dma_wait3A_50 : memref<624x128xf32, #tpu.memory_space<hbm>>)
      tpu.yield
    }) : () -> ()
    %eq3A = arith.constant 0 : i32
    %eq3A_45 = arith.cmpi eq, %arg1, %eq3A : i32
    %convert_element_type3A = arith.extui %eq3A_45 : i1 to i32
    %cond3A = arith.constant 0 : i32
    %cond3A_46 = arith.cmpi ne, %convert_element_type3A, %cond3A : i32
    scf.if %cond3A_46 {
      %mul3A_47 = arith.constant 10000 : i32
      %mul3A_48 = arith.muli %arg0, %mul3A_47 : i32
      %add3A_49 = arith.constant 9984 : i32
      %add3A_50 = arith.addi %mul3A_48, %add3A_49 : i32
      "tpu.region"() ({
        %run_scoped3A = tpu.sem_alloc : memref<!tpu.dma_semaphore, #tpu.memory_space<semaphore_mem>>
        %dma_start3A = arith.constant 0 : i32
        %dma_start3A_51 = tpu.memref_slice %arg5[%add3A_50, %dma_start3A] : memref<20000x128xf32, #tpu.memory_space<hbm>> -> memref<16x128xf32, #tpu.memory_space<hbm>>
        %dma_start3A_52 = arith.constant 9984 : i32
        %dma_start3A_53 = arith.constant 0 : i32
        %dma_start3A_54 = tpu.memref_slice %arg9[%dma_start3A_52, %dma_start3A_53] : memref<10240x128xf32, #tpu.memory_space<vmem_shared>> -> memref<16x128xf32, #tpu.memory_space<vmem_shared>>
        tpu.enqueue_dma source(%dma_start3A_54 : memref<16x128xf32, #tpu.memory_space<vmem_shared>>) target(%dma_start3A_51 : memref<16x128xf32, #tpu.memory_space<hbm>>) target_semaphore(%run_scoped3A : memref<!tpu.dma_semaphore, #tpu.memory_space<semaphore_mem>>)
        %dma_wait3A = arith.constant 0 : i32
        %dma_wait3A_55 = tpu.memref_slice %arg5[%add3A_50, %dma_wait3A] : memref<20000x128xf32, #tpu.memory_space<hbm>> -> memref<16x128xf32, #tpu.memory_space<hbm>>
        %dma_wait3A_56 = arith.constant 9984 : i32
        %dma_wait3A_57 = arith.constant 0 : i32
        %dma_wait3A_58 = tpu.memref_slice %arg9[%dma_wait3A_56, %dma_wait3A_57] : memref<10240x128xf32, #tpu.memory_space<vmem_shared>> -> memref<16x128xf32, #tpu.memory_space<vmem_shared>>
        tpu.wait_dma2 semaphore(%run_scoped3A : memref<!tpu.dma_semaphore, #tpu.memory_space<semaphore_mem>>) src(%dma_wait3A_58 : memref<16x128xf32, #tpu.memory_space<vmem_shared>>) dst(%dma_wait3A_55 : memref<16x128xf32, #tpu.memory_space<hbm>>)
        tpu.yield
      }) : () -> ()
    } else {
    }
    return
  }
}

#map = affine_map<(d0, d1) -> (0, 0)>
module attributes {stable_mosaic.version = 14 : i64} {
  func.func @_sc_body(%arg0: i32, %arg1: i32, %arg2: memref<10000x128xf32, #tpu.memory_space<hbm>>, %arg3: memref<2560x128xi32, #tpu.memory_space<hbm>>, %arg4: memref<2560x128xi32, #tpu.memory_space<hbm>>, %arg5: memref<20000x128xf32, #tpu.memory_space<hbm>>, %arg6: memref<80x128xi32, #tpu.memory_space<vmem>>, %arg7: memref<80x128xi32, #tpu.memory_space<vmem>>, %arg8: memref<128x128xf32, #tpu.memory_space<vmem>>, %arg9: memref<10240x128xf32, #tpu.memory_space<vmem_shared>>, %arg10: memref<!tpu.dma_semaphore, #tpu.memory_space<semaphore_mem>>) attributes {dimension_semantics = [#tpu.dimension_semantics<core_parallel>, #tpu.dimension_semantics<subcore_parallel>], iteration_bounds = array<i64: 2, 16>, scalar_prefetch = 0 : i64, scratch_operands = 5 : i64, tpu.core_type = #tpu.core_type<sc_vector_subcore>, window_params = [{transform_indices = #map}, {transform_indices = #map}, {transform_indices = #map}, {transform_indices = #map}]} {
    %mul3A = arith.constant 16 : i32
    %mul3A_0 = arith.muli %arg0, %mul3A : i32
    %add3A = arith.addi %mul3A_0, %arg1 : i32
    %broadcast_in_dim3A = arith.constant 0.000000e+00 : f32
    %broadcast_in_dim3A_1 = vector.broadcast %broadcast_in_dim3A : f32 to vector<16xf32>
    %scan3A = arith.constant 0 : i32
    %scan3A_2 = arith.constant 0 : i32
    %scan3A_3 = arith.constant 1024 : i32
    %scan3A_4 = arith.addi %scan3A_2, %scan3A_3 : i32
    %scan3A_5 = arith.constant 1 : i32
    scf.for %scan3A_47 = %scan3A_2 to %scan3A_4 step %scan3A_5  : i32 {
      %jit3A = arith.constant 8 : i32
      %div3A = arith.divsi %scan3A_47, %jit3A : i32
      %sign3A = arith.constant 0 : i32
      %sign3A_48 = arith.cmpi sgt, %scan3A_47, %sign3A : i32
      %sign3A_49 = arith.extui %sign3A_48 : i1 to i32
      %sign3A_50 = arith.constant 0 : i32
      %sign3A_51 = arith.cmpi slt, %scan3A_47, %sign3A_50 : i32
      %sign3A_52 = arith.extui %sign3A_51 : i1 to i32
      %sign3A_53 = arith.subi %sign3A_49, %sign3A_52 : i32
      %sign3A_54 = arith.constant 0 : i32
      %sign3A_55 = arith.cmpi sgt, %jit3A, %sign3A_54 : i32
      %sign3A_56 = arith.extui %sign3A_55 : i1 to i32
      %sign3A_57 = arith.constant 0 : i32
      %sign3A_58 = arith.cmpi slt, %jit3A, %sign3A_57 : i32
      %sign3A_59 = arith.extui %sign3A_58 : i1 to i32
      %sign3A_60 = arith.subi %sign3A_56, %sign3A_59 : i32
      %ne3A = arith.cmpi ne, %sign3A_53, %sign3A_60 : i32
      %rem3A = arith.remsi %scan3A_47, %jit3A : i32
      %ne3A_61 = arith.constant 0 : i32
      %ne3A_62 = arith.cmpi ne, %rem3A, %ne3A_61 : i32
      %and3A = arith.andi %ne3A, %ne3A_62 : i1
      %sub3A = arith.constant 1 : i32
      %sub3A_63 = arith.subi %div3A, %sub3A : i32
      %select_n3A = arith.select %and3A, %sub3A_63, %div3A : i32
      %jit3A_64 = arith.constant 8 : i32
      %eq3A_65 = arith.constant 0 : i32
      %eq3A_66 = arith.cmpi eq, %jit3A_64, %eq3A_65 : i32
      %jit3A_67 = arith.constant 1 : i32
      %select_n3A_68 = arith.select %eq3A_66, %jit3A_67, %jit3A_64 : i32
      %rem3A_69 = arith.remsi %scan3A_47, %select_n3A_68 : i32
      %ne3A_70 = arith.constant 0 : i32
      %ne3A_71 = arith.cmpi ne, %rem3A_69, %ne3A_70 : i32
      %lt3A = arith.constant 0 : i32
      %lt3A_72 = arith.cmpi slt, %rem3A_69, %lt3A : i32
      %lt3A_73 = arith.constant 0 : i32
      %lt3A_74 = arith.cmpi slt, %select_n3A_68, %lt3A_73 : i32
      %ne3A_75 = arith.xori %lt3A_72, %lt3A_74 : i1
      %and3A_76 = arith.andi %ne3A_75, %ne3A_71 : i1
      %add3A_77 = arith.addi %rem3A_69, %select_n3A_68 : i32
      %select_n3A_78 = arith.select %and3A_76, %add3A_77, %rem3A_69 : i32
      %mul3A_79 = arith.constant 16 : i32
      %mul3A_80 = arith.muli %select_n3A_78, %mul3A_79 : i32
      %swap3A = arith.index_cast %select_n3A : i32 to index
      %swap3A_81 = arith.index_cast %mul3A_80 : i32 to index
      %swap3A_82 = tpu.vector_load %arg8[%swap3A, %swap3A_81] {strides = array<i32>} : memref<128x128xf32, #tpu.memory_space<vmem>>, vector<1x16xf32>,
      %swap3A_83 = vector.shape_cast %swap3A_82 : vector<1x16xf32> to vector<16xf32>
      %swap3A_84 = vector.shape_cast %broadcast_in_dim3A_1 : vector<16xf32> to vector<1x16xf32>
      tpu.vector_store %arg8[%swap3A, %swap3A_81], %swap3A_84 {strides = array<i32>} : memref<128x128xf32, #tpu.memory_space<vmem>>, vector<1x16xf32>,
    }
    %scan3A_6 = arith.constant 1024 : i32
    %mul3A_7 = arith.constant 640 : i32
    %mul3A_8 = arith.muli %arg1, %mul3A_7 : i32
    %add3A_9 = arith.constant 0 : i32
    %add3A_10 = arith.addi %mul3A_8, %add3A_9 : i32
    "tpu.region"() ({
      %run_scoped3A = tpu.sem_alloc : memref<!tpu.dma_semaphore, #tpu.memory_space<semaphore_mem>>
      %dma_start3A = arith.constant 0 : i32
      %dma_start3A_47 = tpu.memref_slice %arg9[%add3A_10, %dma_start3A] : memref<10240x128xf32, #tpu.memory_space<vmem_shared>> -> memref<128x128xf32, #tpu.memory_space<vmem_shared>>
      %dma_start3A_48 = arith.constant 0 : i32
      %dma_start3A_49 = tpu.memref_slice %arg9[%add3A_10, %dma_start3A_48] : memref<10240x128xf32, #tpu.memory_space<vmem_shared>> -> memref<128x128xf32, #tpu.memory_space<vmem_shared>>
      tpu.enqueue_dma source(%arg8 : memref<128x128xf32, #tpu.memory_space<vmem>>) target(%dma_start3A_49 : memref<128x128xf32, #tpu.memory_space<vmem_shared>>) target_semaphore(%run_scoped3A : memref<!tpu.dma_semaphore, #tpu.memory_space<semaphore_mem>>)
      %dma_wait3A = arith.constant 0 : i32
      %dma_wait3A_50 = tpu.memref_slice %arg9[%add3A_10, %dma_wait3A] : memref<10240x128xf32, #tpu.memory_space<vmem_shared>> -> memref<128x128xf32, #tpu.memory_space<vmem_shared>>
      %dma_wait3A_51 = arith.constant 0 : i32
      %dma_wait3A_52 = tpu.memref_slice %arg9[%add3A_10, %dma_wait3A_51] : memref<10240x128xf32, #tpu.memory_space<vmem_shared>> -> memref<128x128xf32, #tpu.memory_space<vmem_shared>>
      tpu.wait_dma2 semaphore(%run_scoped3A : memref<!tpu.dma_semaphore, #tpu.memory_space<semaphore_mem>>) src(%arg8 : memref<128x128xf32, #tpu.memory_space<vmem>>) dst(%dma_wait3A_52 : memref<128x128xf32, #tpu.memory_space<vmem_shared>>)
      tpu.yield
    }) : () -> ()
    %mul3A_11 = arith.constant 640 : i32
    %mul3A_12 = arith.muli %arg1, %mul3A_11 : i32
    %add3A_13 = arith.constant 128 : i32
    %add3A_14 = arith.addi %mul3A_12, %add3A_13 : i32
    "tpu.region"() ({
      %run_scoped3A = tpu.sem_alloc : memref<!tpu.dma_semaphore, #tpu.memory_space<semaphore_mem>>
      %dma_start3A = arith.constant 0 : i32
      %dma_start3A_47 = tpu.memref_slice %arg9[%add3A_14, %dma_start3A] : memref<10240x128xf32, #tpu.memory_space<vmem_shared>> -> memref<128x128xf32, #tpu.memory_space<vmem_shared>>
      %dma_start3A_48 = arith.constant 0 : i32
      %dma_start3A_49 = tpu.memref_slice %arg9[%add3A_14, %dma_start3A_48] : memref<10240x128xf32, #tpu.memory_space<vmem_shared>> -> memref<128x128xf32, #tpu.memory_space<vmem_shared>>
      tpu.enqueue_dma source(%arg8 : memref<128x128xf32, #tpu.memory_space<vmem>>) target(%dma_start3A_49 : memref<128x128xf32, #tpu.memory_space<vmem_shared>>) target_semaphore(%run_scoped3A : memref<!tpu.dma_semaphore, #tpu.memory_space<semaphore_mem>>)
      %dma_wait3A = arith.constant 0 : i32
      %dma_wait3A_50 = tpu.memref_slice %arg9[%add3A_14, %dma_wait3A] : memref<10240x128xf32, #tpu.memory_space<vmem_shared>> -> memref<128x128xf32, #tpu.memory_space<vmem_shared>>
      %dma_wait3A_51 = arith.constant 0 : i32
      %dma_wait3A_52 = tpu.memref_slice %arg9[%add3A_14, %dma_wait3A_51] : memref<10240x128xf32, #tpu.memory_space<vmem_shared>> -> memref<128x128xf32, #tpu.memory_space<vmem_shared>>
      tpu.wait_dma2 semaphore(%run_scoped3A : memref<!tpu.dma_semaphore, #tpu.memory_space<semaphore_mem>>) src(%arg8 : memref<128x128xf32, #tpu.memory_space<vmem>>) dst(%dma_wait3A_52 : memref<128x128xf32, #tpu.memory_space<vmem_shared>>)
      tpu.yield
    }) : () -> ()
    %mul3A_15 = arith.constant 640 : i32
    %mul3A_16 = arith.muli %arg1, %mul3A_15 : i32
    %add3A_17 = arith.constant 256 : i32
    %add3A_18 = arith.addi %mul3A_16, %add3A_17 : i32
    "tpu.region"() ({
      %run_scoped3A = tpu.sem_alloc : memref<!tpu.dma_semaphore, #tpu.memory_space<semaphore_mem>>
      %dma_start3A = arith.constant 0 : i32
      %dma_start3A_47 = tpu.memref_slice %arg9[%add3A_18, %dma_start3A] : memref<10240x128xf32, #tpu.memory_space<vmem_shared>> -> memref<128x128xf32, #tpu.memory_space<vmem_shared>>
      %dma_start3A_48 = arith.constant 0 : i32
      %dma_start3A_49 = tpu.memref_slice %arg9[%add3A_18, %dma_start3A_48] : memref<10240x128xf32, #tpu.memory_space<vmem_shared>> -> memref<128x128xf32, #tpu.memory_space<vmem_shared>>
      tpu.enqueue_dma source(%arg8 : memref<128x128xf32, #tpu.memory_space<vmem>>) target(%dma_start3A_49 : memref<128x128xf32, #tpu.memory_space<vmem_shared>>) target_semaphore(%run_scoped3A : memref<!tpu.dma_semaphore, #tpu.memory_space<semaphore_mem>>)
      %dma_wait3A = arith.constant 0 : i32
      %dma_wait3A_50 = tpu.memref_slice %arg9[%add3A_18, %dma_wait3A] : memref<10240x128xf32, #tpu.memory_space<vmem_shared>> -> memref<128x128xf32, #tpu.memory_space<vmem_shared>>
      %dma_wait3A_51 = arith.constant 0 : i32
      %dma_wait3A_52 = tpu.memref_slice %arg9[%add3A_18, %dma_wait3A_51] : memref<10240x128xf32, #tpu.memory_space<vmem_shared>> -> memref<128x128xf32, #tpu.memory_space<vmem_shared>>
      tpu.wait_dma2 semaphore(%run_scoped3A : memref<!tpu.dma_semaphore, #tpu.memory_space<semaphore_mem>>) src(%arg8 : memref<128x128xf32, #tpu.memory_space<vmem>>) dst(%dma_wait3A_52 : memref<128x128xf32, #tpu.memory_space<vmem_shared>>)
      tpu.yield
    }) : () -> ()
    %mul3A_19 = arith.constant 640 : i32
    %mul3A_20 = arith.muli %arg1, %mul3A_19 : i32
    %add3A_21 = arith.constant 384 : i32
    %add3A_22 = arith.addi %mul3A_20, %add3A_21 : i32
    "tpu.region"() ({
      %run_scoped3A = tpu.sem_alloc : memref<!tpu.dma_semaphore, #tpu.memory_space<semaphore_mem>>
      %dma_start3A = arith.constant 0 : i32
      %dma_start3A_47 = tpu.memref_slice %arg9[%add3A_22, %dma_start3A] : memref<10240x128xf32, #tpu.memory_space<vmem_shared>> -> memref<128x128xf32, #tpu.memory_space<vmem_shared>>
      %dma_start3A_48 = arith.constant 0 : i32
      %dma_start3A_49 = tpu.memref_slice %arg9[%add3A_22, %dma_start3A_48] : memref<10240x128xf32, #tpu.memory_space<vmem_shared>> -> memref<128x128xf32, #tpu.memory_space<vmem_shared>>
      tpu.enqueue_dma source(%arg8 : memref<128x128xf32, #tpu.memory_space<vmem>>) target(%dma_start3A_49 : memref<128x128xf32, #tpu.memory_space<vmem_shared>>) target_semaphore(%run_scoped3A : memref<!tpu.dma_semaphore, #tpu.memory_space<semaphore_mem>>)
      %dma_wait3A = arith.constant 0 : i32
      %dma_wait3A_50 = tpu.memref_slice %arg9[%add3A_22, %dma_wait3A] : memref<10240x128xf32, #tpu.memory_space<vmem_shared>> -> memref<128x128xf32, #tpu.memory_space<vmem_shared>>
      %dma_wait3A_51 = arith.constant 0 : i32
      %dma_wait3A_52 = tpu.memref_slice %arg9[%add3A_22, %dma_wait3A_51] : memref<10240x128xf32, #tpu.memory_space<vmem_shared>> -> memref<128x128xf32, #tpu.memory_space<vmem_shared>>
      tpu.wait_dma2 semaphore(%run_scoped3A : memref<!tpu.dma_semaphore, #tpu.memory_space<semaphore_mem>>) src(%arg8 : memref<128x128xf32, #tpu.memory_space<vmem>>) dst(%dma_wait3A_52 : memref<128x128xf32, #tpu.memory_space<vmem_shared>>)
      tpu.yield
    }) : () -> ()
    %mul3A_23 = arith.constant 640 : i32
    %mul3A_24 = arith.muli %arg1, %mul3A_23 : i32
    %add3A_25 = arith.constant 512 : i32
    %add3A_26 = arith.addi %mul3A_24, %add3A_25 : i32
    "tpu.region"() ({
      %run_scoped3A = tpu.sem_alloc : memref<!tpu.dma_semaphore, #tpu.memory_space<semaphore_mem>>
      %dma_start3A = arith.constant 0 : i32
      %dma_start3A_47 = tpu.memref_slice %arg9[%add3A_26, %dma_start3A] : memref<10240x128xf32, #tpu.memory_space<vmem_shared>> -> memref<128x128xf32, #tpu.memory_space<vmem_shared>>
      %dma_start3A_48 = arith.constant 0 : i32
      %dma_start3A_49 = tpu.memref_slice %arg9[%add3A_26, %dma_start3A_48] : memref<10240x128xf32, #tpu.memory_space<vmem_shared>> -> memref<128x128xf32, #tpu.memory_space<vmem_shared>>
      tpu.enqueue_dma source(%arg8 : memref<128x128xf32, #tpu.memory_space<vmem>>) target(%dma_start3A_49 : memref<128x128xf32, #tpu.memory_space<vmem_shared>>) target_semaphore(%run_scoped3A : memref<!tpu.dma_semaphore, #tpu.memory_space<semaphore_mem>>)
      %dma_wait3A = arith.constant 0 : i32
      %dma_wait3A_50 = tpu.memref_slice %arg9[%add3A_26, %dma_wait3A] : memref<10240x128xf32, #tpu.memory_space<vmem_shared>> -> memref<128x128xf32, #tpu.memory_space<vmem_shared>>
      %dma_wait3A_51 = arith.constant 0 : i32
      %dma_wait3A_52 = tpu.memref_slice %arg9[%add3A_26, %dma_wait3A_51] : memref<10240x128xf32, #tpu.memory_space<vmem_shared>> -> memref<128x128xf32, #tpu.memory_space<vmem_shared>>
      tpu.wait_dma2 semaphore(%run_scoped3A : memref<!tpu.dma_semaphore, #tpu.memory_space<semaphore_mem>>) src(%arg8 : memref<128x128xf32, #tpu.memory_space<vmem>>) dst(%dma_wait3A_52 : memref<128x128xf32, #tpu.memory_space<vmem_shared>>)
      tpu.yield
    }) : () -> ()
    %mul3A_27 = arith.constant 80 : i32
    %mul3A_28 = arith.muli %add3A, %mul3A_27 : i32
    "tpu.region"() ({
      %run_scoped3A = tpu.sem_alloc : memref<!tpu.dma_semaphore, #tpu.memory_space<semaphore_mem>>
      %dma_start3A = arith.constant 0 : i32
      %dma_start3A_47 = tpu.memref_slice %arg3[%mul3A_28, %dma_start3A] : memref<2560x128xi32, #tpu.memory_space<hbm>> -> memref<80x128xi32, #tpu.memory_space<hbm>>
      %dma_start3A_48 = arith.constant 0 : i32
      %dma_start3A_49 = tpu.memref_slice %arg3[%mul3A_28, %dma_start3A_48] : memref<2560x128xi32, #tpu.memory_space<hbm>> -> memref<80x128xi32, #tpu.memory_space<hbm>>
      tpu.enqueue_dma source(%dma_start3A_49 : memref<80x128xi32, #tpu.memory_space<hbm>>) target(%arg6 : memref<80x128xi32, #tpu.memory_space<vmem>>) target_semaphore(%run_scoped3A : memref<!tpu.dma_semaphore, #tpu.memory_space<semaphore_mem>>)
      %dma_wait3A = arith.constant 0 : i32
      %dma_wait3A_50 = tpu.memref_slice %arg3[%mul3A_28, %dma_wait3A] : memref<2560x128xi32, #tpu.memory_space<hbm>> -> memref<80x128xi32, #tpu.memory_space<hbm>>
      %dma_wait3A_51 = arith.constant 0 : i32
      %dma_wait3A_52 = tpu.memref_slice %arg3[%mul3A_28, %dma_wait3A_51] : memref<2560x128xi32, #tpu.memory_space<hbm>> -> memref<80x128xi32, #tpu.memory_space<hbm>>
      tpu.wait_dma2 semaphore(%run_scoped3A : memref<!tpu.dma_semaphore, #tpu.memory_space<semaphore_mem>>) src(%dma_wait3A_52 : memref<80x128xi32, #tpu.memory_space<hbm>>) dst(%arg6 : memref<80x128xi32, #tpu.memory_space<vmem>>)
      tpu.yield
    }) : () -> ()
    %mul3A_29 = arith.constant 80 : i32
    %mul3A_30 = arith.muli %add3A, %mul3A_29 : i32
    "tpu.region"() ({
      %run_scoped3A = tpu.sem_alloc : memref<!tpu.dma_semaphore, #tpu.memory_space<semaphore_mem>>
      %dma_start3A = arith.constant 0 : i32
      %dma_start3A_47 = tpu.memref_slice %arg4[%mul3A_30, %dma_start3A] : memref<2560x128xi32, #tpu.memory_space<hbm>> -> memref<80x128xi32, #tpu.memory_space<hbm>>
      %dma_start3A_48 = arith.constant 0 : i32
      %dma_start3A_49 = tpu.memref_slice %arg4[%mul3A_30, %dma_start3A_48] : memref<2560x128xi32, #tpu.memory_space<hbm>> -> memref<80x128xi32, #tpu.memory_space<hbm>>
      tpu.enqueue_dma source(%dma_start3A_49 : memref<80x128xi32, #tpu.memory_space<hbm>>) target(%arg7 : memref<80x128xi32, #tpu.memory_space<vmem>>) target_semaphore(%run_scoped3A : memref<!tpu.dma_semaphore, #tpu.memory_space<semaphore_mem>>)
      %dma_wait3A = arith.constant 0 : i32
      %dma_wait3A_50 = tpu.memref_slice %arg4[%mul3A_30, %dma_wait3A] : memref<2560x128xi32, #tpu.memory_space<hbm>> -> memref<80x128xi32, #tpu.memory_space<hbm>>
      %dma_wait3A_51 = arith.constant 0 : i32
      %dma_wait3A_52 = tpu.memref_slice %arg4[%mul3A_30, %dma_wait3A_51] : memref<2560x128xi32, #tpu.memory_space<hbm>> -> memref<80x128xi32, #tpu.memory_space<hbm>>
      tpu.wait_dma2 semaphore(%run_scoped3A : memref<!tpu.dma_semaphore, #tpu.memory_space<semaphore_mem>>) src(%dma_wait3A_52 : memref<80x128xi32, #tpu.memory_space<hbm>>) dst(%arg7 : memref<80x128xi32, #tpu.memory_space<vmem>>)
      tpu.yield
    }) : () -> ()
    %barrier3A = arith.constant 0 : index
    tpu.barrier barrier_id(%barrier3A)
    %scan3A_31 = arith.constant 0 : i32
    %scan3A_32 = arith.constant 0 : i32
    %scan3A_33 = arith.constant 80 : i32
    %scan3A_34 = arith.addi %scan3A_32, %scan3A_33 : i32
    %scan3A_35 = arith.constant 1 : i32
    scf.for %scan3A_47 = %scan3A_32 to %scan3A_34 step %scan3A_35  : i32 {
      %dma_start3A = arith.constant 0 : i32
      %dma_start3A_48 = tpu.memref_slice %arg6[%scan3A_47, %dma_start3A] : memref<80x128xi32, #tpu.memory_space<vmem>> -> memref<1x128xi32, #tpu.memory_space<vmem>>
      %dma_start3A_49 = tpu.memref_squeeze %dma_start3A_48 : memref<1x128xi32, #tpu.memory_space<vmem>> -> memref<128xi32, #tpu.memory_space<vmem>>
      %dma_start3A_50 = arith.constant 0 : i32
      %dma_start3A_51 = arith.constant 0 : i32
      %dma_start3A_52 = tpu.memref_slice %arg2[%dma_start3A_50, %dma_start3A_51] : memref<10000x128xf32, #tpu.memory_space<hbm>> -> memref<10000x128xf32, #tpu.memory_space<hbm>>
      tpu.enqueue_indirect_dma source(%dma_start3A_52 : memref<10000x128xf32, #tpu.memory_space<hbm>>) target(%arg8 : memref<128x128xf32, #tpu.memory_space<vmem>>) offsets(%dma_start3A_49 : memref<128xi32, #tpu.memory_space<vmem>>) semaphore(%arg10 : memref<!tpu.dma_semaphore, #tpu.memory_space<semaphore_mem>>)
      %dma_wait3A = arith.constant 0 : i32
      %dma_wait3A_53 = tpu.memref_slice %arg6[%scan3A_47, %dma_wait3A] : memref<80x128xi32, #tpu.memory_space<vmem>> -> memref<1x128xi32, #tpu.memory_space<vmem>>
      %dma_wait3A_54 = tpu.memref_squeeze %dma_wait3A_53 : memref<1x128xi32, #tpu.memory_space<vmem>> -> memref<128xi32, #tpu.memory_space<vmem>>
      %dma_wait3A_55 = arith.constant 0 : i32
      %dma_wait3A_56 = arith.constant 0 : i32
      %dma_wait3A_57 = tpu.memref_slice %arg2[%dma_wait3A_55, %dma_wait3A_56] : memref<10000x128xf32, #tpu.memory_space<hbm>> -> memref<10000x128xf32, #tpu.memory_space<hbm>>
      tpu.wait_indirect_dma semaphore(%arg10 : memref<!tpu.dma_semaphore, #tpu.memory_space<semaphore_mem>>) src(%dma_wait3A_57 : memref<10000x128xf32, #tpu.memory_space<hbm>>) dst(%arg8 : memref<128x128xf32, #tpu.memory_space<vmem>>)
      "tpu.region"() ({
        %run_scoped3A = tpu.sem_alloc : memref<!tpu.dma_semaphore, #tpu.memory_space<semaphore_mem>>
        %dma_start3A_58 = arith.constant 0 : i32
        %dma_start3A_59 = tpu.memref_slice %arg7[%scan3A_47, %dma_start3A_58] : memref<80x128xi32, #tpu.memory_space<vmem>> -> memref<1x128xi32, #tpu.memory_space<vmem>>
        %dma_start3A_60 = tpu.memref_squeeze %dma_start3A_59 : memref<1x128xi32, #tpu.memory_space<vmem>> -> memref<128xi32, #tpu.memory_space<vmem>>
        %dma_start3A_61 = arith.constant 0 : i32
        %dma_start3A_62 = arith.constant 0 : i32
        %dma_start3A_63 = tpu.memref_slice %arg9[%dma_start3A_61, %dma_start3A_62] : memref<10240x128xf32, #tpu.memory_space<vmem_shared>> -> memref<10240x128xf32, #tpu.memory_space<vmem_shared>>
        tpu.enqueue_indirect_dma source(%arg8 : memref<128x128xf32, #tpu.memory_space<vmem>>) target(%dma_start3A_63 : memref<10240x128xf32, #tpu.memory_space<vmem_shared>>) offsets(%dma_start3A_60 : memref<128xi32, #tpu.memory_space<vmem>>) semaphore(%run_scoped3A : memref<!tpu.dma_semaphore, #tpu.memory_space<semaphore_mem>>) {add = true}
        %dma_wait3A_64 = arith.constant 0 : i32
        %dma_wait3A_65 = tpu.memref_slice %arg7[%scan3A_47, %dma_wait3A_64] : memref<80x128xi32, #tpu.memory_space<vmem>> -> memref<1x128xi32, #tpu.memory_space<vmem>>
        %dma_wait3A_66 = tpu.memref_squeeze %dma_wait3A_65 : memref<1x128xi32, #tpu.memory_space<vmem>> -> memref<128xi32, #tpu.memory_space<vmem>>
        %dma_wait3A_67 = arith.constant 0 : i32
        %dma_wait3A_68 = arith.constant 0 : i32
        %dma_wait3A_69 = tpu.memref_slice %arg9[%dma_wait3A_67, %dma_wait3A_68] : memref<10240x128xf32, #tpu.memory_space<vmem_shared>> -> memref<10240x128xf32, #tpu.memory_space<vmem_shared>>
        tpu.wait_indirect_dma semaphore(%run_scoped3A : memref<!tpu.dma_semaphore, #tpu.memory_space<semaphore_mem>>) src(%arg8 : memref<128x128xf32, #tpu.memory_space<vmem>>) dst(%dma_wait3A_69 : memref<10240x128xf32, #tpu.memory_space<vmem_shared>>)
        tpu.yield
      }) : () -> ()
    }
    %scan3A_36 = arith.constant 80 : i32
    %barrier3A_37 = arith.constant 0 : index
    tpu.barrier barrier_id(%barrier3A_37)
    %mul3A_38 = arith.constant 624 : i32
    %mul3A_39 = arith.muli %arg1, %mul3A_38 : i32
    %mul3A_40 = arith.constant 10000 : i32
    %mul3A_41 = arith.muli %arg0, %mul3A_40 : i32
    %mul3A_42 = arith.constant 624 : i32
    %mul3A_43 = arith.muli %arg1, %mul3A_42 : i32
    %add3A_44 = arith.addi %mul3A_41, %mul3A_43 : i32
    "tpu.region"() ({
      %run_scoped3A = tpu.sem_alloc : memref<!tpu.dma_semaphore, #tpu.memory_space<semaphore_mem>>
      %dma_start3A = arith.constant 0 : i32
      %dma_start3A_47 = tpu.memref_slice %arg5[%add3A_44, %dma_start3A] : memref<20000x128xf32, #tpu.memory_space<hbm>> -> memref<624x128xf32, #tpu.memory_space<hbm>>
      %dma_start3A_48 = arith.constant 0 : i32
      %dma_start3A_49 = tpu.memref_slice %arg9[%mul3A_39, %dma_start3A_48] : memref<10240x128xf32, #tpu.memory_space<vmem_shared>> -> memref<624x128xf32, #tpu.memory_space<vmem_shared>>
      tpu.enqueue_dma source(%dma_start3A_49 : memref<624x128xf32, #tpu.memory_space<vmem_shared>>) target(%dma_start3A_47 : memref<624x128xf32, #tpu.memory_space<hbm>>) target_semaphore(%run_scoped3A : memref<!tpu.dma_semaphore, #tpu.memory_space<semaphore_mem>>)
      %dma_wait3A = arith.constant 0 : i32
      %dma_wait3A_50 = tpu.memref_slice %arg5[%add3A_44, %dma_wait3A] : memref<20000x128xf32, #tpu.memory_space<hbm>> -> memref<624x128xf32, #tpu.memory_space<hbm>>
      %dma_wait3A_51 = arith.constant 0 : i32
      %dma_wait3A_52 = tpu.memref_slice %arg9[%mul3A_39, %dma_wait3A_51] : memref<10240x128xf32, #tpu.memory_space<vmem_shared>> -> memref<624x128xf32, #tpu.memory_space<vmem_shared>>
      tpu.wait_dma2 semaphore(%run_scoped3A : memref<!tpu.dma_semaphore, #tpu.memory_space<semaphore_mem>>) src(%dma_wait3A_52 : memref<624x128xf32, #tpu.memory_space<vmem_shared>>) dst(%dma_wait3A_50 : memref<624x128xf32, #tpu.memory_space<hbm>>)
      tpu.yield
    }) : () -> ()
    %eq3A = arith.constant 0 : i32
    %eq3A_45 = arith.cmpi eq, %arg1, %eq3A : i32
    %convert_element_type3A = arith.extui %eq3A_45 : i1 to i32
    %cond3A = arith.constant 0 : i32
    %cond3A_46 = arith.cmpi ne, %convert_element_type3A, %cond3A : i32
    scf.if %cond3A_46 {
      %mul3A_47 = arith.constant 10000 : i32
      %mul3A_48 = arith.muli %arg0, %mul3A_47 : i32
      %add3A_49 = arith.constant 9984 : i32
      %add3A_50 = arith.addi %mul3A_48, %add3A_49 : i32
      "tpu.region"() ({
        %run_scoped3A = tpu.sem_alloc : memref<!tpu.dma_semaphore, #tpu.memory_space<semaphore_mem>>
        %dma_start3A = arith.constant 0 : i32
        %dma_start3A_51 = tpu.memref_slice %arg5[%add3A_50, %dma_start3A] : memref<20000x128xf32, #tpu.memory_space<hbm>> -> memref<16x128xf32, #tpu.memory_space<hbm>>
        %dma_start3A_52 = arith.constant 9984 : i32
        %dma_start3A_53 = arith.constant 0 : i32
        %dma_start3A_54 = tpu.memref_slice %arg9[%dma_start3A_52, %dma_start3A_53] : memref<10240x128xf32, #tpu.memory_space<vmem_shared>> -> memref<16x128xf32, #tpu.memory_space<vmem_shared>>
        tpu.enqueue_dma source(%dma_start3A_54 : memref<16x128xf32, #tpu.memory_space<vmem_shared>>) target(%dma_start3A_51 : memref<16x128xf32, #tpu.memory_space<hbm>>) target_semaphore(%run_scoped3A : memref<!tpu.dma_semaphore, #tpu.memory_space<semaphore_mem>>)
        %dma_wait3A = arith.constant 0 : i32
        %dma_wait3A_55 = tpu.memref_slice %arg5[%add3A_50, %dma_wait3A] : memref<20000x128xf32, #tpu.memory_space<hbm>> -> memref<16x128xf32, #tpu.memory_space<hbm>>
        %dma_wait3A_56 = arith.constant 9984 : i32
        %dma_wait3A_57 = arith.constant 0 : i32
        %dma_wait3A_58 = tpu.memref_slice %arg9[%dma_wait3A_56, %dma_wait3A_57] : memref<10240x128xf32, #tpu.memory_space<vmem_shared>> -> memref<16x128xf32, #tpu.memory_space<vmem_shared>>
        tpu.wait_dma2 semaphore(%run_scoped3A : memref<!tpu.dma_semaphore, #tpu.memory_space<semaphore_mem>>) src(%dma_wait3A_58 : memref<16x128xf32, #tpu.memory_space<vmem_shared>>) dst(%dma_wait3A_55 : memref<16x128xf32, #tpu.memory_space<hbm>>)
        tpu.yield
      }) : () -> ()
    } else {
    }
    return
  }
}

#map = affine_map<(d0, d1) -> (0, 0)>
module attributes {stable_mosaic.version = 14 : i64} {
  func.func @_sc_body(%arg0: i32, %arg1: i32, %arg2: memref<10000x128xf32, #tpu.memory_space<hbm>>, %arg3: memref<2560x128xi32, #tpu.memory_space<hbm>>, %arg4: memref<2560x128xi32, #tpu.memory_space<hbm>>, %arg5: memref<20000x128xf32, #tpu.memory_space<hbm>>, %arg6: memref<80x128xi32, #tpu.memory_space<vmem>>, %arg7: memref<80x128xi32, #tpu.memory_space<vmem>>, %arg8: memref<128x128xf32, #tpu.memory_space<vmem>>, %arg9: memref<10240x128xf32, #tpu.memory_space<vmem_shared>>, %arg10: memref<!tpu.dma_semaphore, #tpu.memory_space<semaphore_mem>>) attributes {dimension_semantics = [#tpu.dimension_semantics<core_parallel>, #tpu.dimension_semantics<subcore_parallel>], iteration_bounds = array<i64: 2, 16>, scalar_prefetch = 0 : i64, scratch_operands = 5 : i64, tpu.core_type = #tpu.core_type<sc_vector_subcore>, window_params = [{transform_indices = #map}, {transform_indices = #map}, {transform_indices = #map}, {transform_indices = #map}]} {
    %mul3A = arith.constant 16 : i32
    %mul3A_0 = arith.muli %arg0, %mul3A : i32
    %add3A = arith.addi %mul3A_0, %arg1 : i32
    %broadcast_in_dim3A = arith.constant 0.000000e+00 : f32
    %broadcast_in_dim3A_1 = vector.broadcast %broadcast_in_dim3A : f32 to vector<16xf32>
    %scan3A = arith.constant 0 : i32
    %scan3A_2 = arith.constant 0 : i32
    %scan3A_3 = arith.constant 1024 : i32
    %scan3A_4 = arith.addi %scan3A_2, %scan3A_3 : i32
    %scan3A_5 = arith.constant 1 : i32
    scf.for %scan3A_47 = %scan3A_2 to %scan3A_4 step %scan3A_5  : i32 {
      %jit3A = arith.constant 8 : i32
      %div3A = arith.divsi %scan3A_47, %jit3A : i32
      %sign3A = arith.constant 0 : i32
      %sign3A_48 = arith.cmpi sgt, %scan3A_47, %sign3A : i32
      %sign3A_49 = arith.extui %sign3A_48 : i1 to i32
      %sign3A_50 = arith.constant 0 : i32
      %sign3A_51 = arith.cmpi slt, %scan3A_47, %sign3A_50 : i32
      %sign3A_52 = arith.extui %sign3A_51 : i1 to i32
      %sign3A_53 = arith.subi %sign3A_49, %sign3A_52 : i32
      %sign3A_54 = arith.constant 0 : i32
      %sign3A_55 = arith.cmpi sgt, %jit3A, %sign3A_54 : i32
      %sign3A_56 = arith.extui %sign3A_55 : i1 to i32
      %sign3A_57 = arith.constant 0 : i32
      %sign3A_58 = arith.cmpi slt, %jit3A, %sign3A_57 : i32
      %sign3A_59 = arith.extui %sign3A_58 : i1 to i32
      %sign3A_60 = arith.subi %sign3A_56, %sign3A_59 : i32
      %ne3A = arith.cmpi ne, %sign3A_53, %sign3A_60 : i32
      %rem3A = arith.remsi %scan3A_47, %jit3A : i32
      %ne3A_61 = arith.constant 0 : i32
      %ne3A_62 = arith.cmpi ne, %rem3A, %ne3A_61 : i32
      %and3A = arith.andi %ne3A, %ne3A_62 : i1
      %sub3A = arith.constant 1 : i32
      %sub3A_63 = arith.subi %div3A, %sub3A : i32
      %select_n3A = arith.select %and3A, %sub3A_63, %div3A : i32
      %jit3A_64 = arith.constant 8 : i32
      %eq3A_65 = arith.constant 0 : i32
      %eq3A_66 = arith.cmpi eq, %jit3A_64, %eq3A_65 : i32
      %jit3A_67 = arith.constant 1 : i32
      %select_n3A_68 = arith.select %eq3A_66, %jit3A_67, %jit3A_64 : i32
      %rem3A_69 = arith.remsi %scan3A_47, %select_n3A_68 : i32
      %ne3A_70 = arith.constant 0 : i32
      %ne3A_71 = arith.cmpi ne, %rem3A_69, %ne3A_70 : i32
      %lt3A = arith.constant 0 : i32
      %lt3A_72 = arith.cmpi slt, %rem3A_69, %lt3A : i32
      %lt3A_73 = arith.constant 0 : i32
      %lt3A_74 = arith.cmpi slt, %select_n3A_68, %lt3A_73 : i32
      %ne3A_75 = arith.xori %lt3A_72, %lt3A_74 : i1
      %and3A_76 = arith.andi %ne3A_75, %ne3A_71 : i1
      %add3A_77 = arith.addi %rem3A_69, %select_n3A_68 : i32
      %select_n3A_78 = arith.select %and3A_76, %add3A_77, %rem3A_69 : i32
      %mul3A_79 = arith.constant 16 : i32
      %mul3A_80 = arith.muli %select_n3A_78, %mul3A_79 : i32
      %swap3A = arith.index_cast %select_n3A : i32 to index
      %swap3A_81 = arith.index_cast %mul3A_80 : i32 to index
      %swap3A_82 = tpu.vector_load %arg8[%swap3A, %swap3A_81] {strides = array<i32>} : memref<128x128xf32, #tpu.memory_space<vmem>>, vector<1x16xf32>,
      %swap3A_83 = vector.shape_cast %swap3A_82 : vector<1x16xf32> to vector<16xf32>
      %swap3A_84 = vector.shape_cast %broadcast_in_dim3A_1 : vector<16xf32> to vector<1x16xf32>
      tpu.vector_store %arg8[%swap3A, %swap3A_81], %swap3A_84 {strides = array<i32>} : memref<128x128xf32, #tpu.memory_space<vmem>>, vector<1x16xf32>,
    }
    %scan3A_6 = arith.constant 1024 : i32
    %mul3A_7 = arith.constant 640 : i32
    %mul3A_8 = arith.muli %arg1, %mul3A_7 : i32
    %add3A_9 = arith.constant 0 : i32
    %add3A_10 = arith.addi %mul3A_8, %add3A_9 : i32
    "tpu.region"() ({
      %run_scoped3A = tpu.sem_alloc : memref<!tpu.dma_semaphore, #tpu.memory_space<semaphore_mem>>
      %dma_start3A = arith.constant 0 : i32
      %dma_start3A_47 = tpu.memref_slice %arg9[%add3A_10, %dma_start3A] : memref<10240x128xf32, #tpu.memory_space<vmem_shared>> -> memref<128x128xf32, #tpu.memory_space<vmem_shared>>
      %dma_start3A_48 = arith.constant 0 : i32
      %dma_start3A_49 = tpu.memref_slice %arg9[%add3A_10, %dma_start3A_48] : memref<10240x128xf32, #tpu.memory_space<vmem_shared>> -> memref<128x128xf32, #tpu.memory_space<vmem_shared>>
      tpu.enqueue_dma source(%arg8 : memref<128x128xf32, #tpu.memory_space<vmem>>) target(%dma_start3A_49 : memref<128x128xf32, #tpu.memory_space<vmem_shared>>) target_semaphore(%run_scoped3A : memref<!tpu.dma_semaphore, #tpu.memory_space<semaphore_mem>>)
      %dma_wait3A = arith.constant 0 : i32
      %dma_wait3A_50 = tpu.memref_slice %arg9[%add3A_10, %dma_wait3A] : memref<10240x128xf32, #tpu.memory_space<vmem_shared>> -> memref<128x128xf32, #tpu.memory_space<vmem_shared>>
      %dma_wait3A_51 = arith.constant 0 : i32
      %dma_wait3A_52 = tpu.memref_slice %arg9[%add3A_10, %dma_wait3A_51] : memref<10240x128xf32, #tpu.memory_space<vmem_shared>> -> memref<128x128xf32, #tpu.memory_space<vmem_shared>>
      tpu.wait_dma2 semaphore(%run_scoped3A : memref<!tpu.dma_semaphore, #tpu.memory_space<semaphore_mem>>) src(%arg8 : memref<128x128xf32, #tpu.memory_space<vmem>>) dst(%dma_wait3A_52 : memref<128x128xf32, #tpu.memory_space<vmem_shared>>)
      tpu.yield
    }) : () -> ()
    %mul3A_11 = arith.constant 640 : i32
    %mul3A_12 = arith.muli %arg1, %mul3A_11 : i32
    %add3A_13 = arith.constant 128 : i32
    %add3A_14 = arith.addi %mul3A_12, %add3A_13 : i32
    "tpu.region"() ({
      %run_scoped3A = tpu.sem_alloc : memref<!tpu.dma_semaphore, #tpu.memory_space<semaphore_mem>>
      %dma_start3A = arith.constant 0 : i32
      %dma_start3A_47 = tpu.memref_slice %arg9[%add3A_14, %dma_start3A] : memref<10240x128xf32, #tpu.memory_space<vmem_shared>> -> memref<128x128xf32, #tpu.memory_space<vmem_shared>>
      %dma_start3A_48 = arith.constant 0 : i32
      %dma_start3A_49 = tpu.memref_slice %arg9[%add3A_14, %dma_start3A_48] : memref<10240x128xf32, #tpu.memory_space<vmem_shared>> -> memref<128x128xf32, #tpu.memory_space<vmem_shared>>
      tpu.enqueue_dma source(%arg8 : memref<128x128xf32, #tpu.memory_space<vmem>>) target(%dma_start3A_49 : memref<128x128xf32, #tpu.memory_space<vmem_shared>>) target_semaphore(%run_scoped3A : memref<!tpu.dma_semaphore, #tpu.memory_space<semaphore_mem>>)
      %dma_wait3A = arith.constant 0 : i32
      %dma_wait3A_50 = tpu.memref_slice %arg9[%add3A_14, %dma_wait3A] : memref<10240x128xf32, #tpu.memory_space<vmem_shared>> -> memref<128x128xf32, #tpu.memory_space<vmem_shared>>
      %dma_wait3A_51 = arith.constant 0 : i32
      %dma_wait3A_52 = tpu.memref_slice %arg9[%add3A_14, %dma_wait3A_51] : memref<10240x128xf32, #tpu.memory_space<vmem_shared>> -> memref<128x128xf32, #tpu.memory_space<vmem_shared>>
      tpu.wait_dma2 semaphore(%run_scoped3A : memref<!tpu.dma_semaphore, #tpu.memory_space<semaphore_mem>>) src(%arg8 : memref<128x128xf32, #tpu.memory_space<vmem>>) dst(%dma_wait3A_52 : memref<128x128xf32, #tpu.memory_space<vmem_shared>>)
      tpu.yield
    }) : () -> ()
    %mul3A_15 = arith.constant 640 : i32
    %mul3A_16 = arith.muli %arg1, %mul3A_15 : i32
    %add3A_17 = arith.constant 256 : i32
    %add3A_18 = arith.addi %mul3A_16, %add3A_17 : i32
    "tpu.region"() ({
      %run_scoped3A = tpu.sem_alloc : memref<!tpu.dma_semaphore, #tpu.memory_space<semaphore_mem>>
      %dma_start3A = arith.constant 0 : i32
      %dma_start3A_47 = tpu.memref_slice %arg9[%add3A_18, %dma_start3A] : memref<10240x128xf32, #tpu.memory_space<vmem_shared>> -> memref<128x128xf32, #tpu.memory_space<vmem_shared>>
      %dma_start3A_48 = arith.constant 0 : i32
      %dma_start3A_49 = tpu.memref_slice %arg9[%add3A_18, %dma_start3A_48] : memref<10240x128xf32, #tpu.memory_space<vmem_shared>> -> memref<128x128xf32, #tpu.memory_space<vmem_shared>>
      tpu.enqueue_dma source(%arg8 : memref<128x128xf32, #tpu.memory_space<vmem>>) target(%dma_start3A_49 : memref<128x128xf32, #tpu.memory_space<vmem_shared>>) target_semaphore(%run_scoped3A : memref<!tpu.dma_semaphore, #tpu.memory_space<semaphore_mem>>)
      %dma_wait3A = arith.constant 0 : i32
      %dma_wait3A_50 = tpu.memref_slice %arg9[%add3A_18, %dma_wait3A] : memref<10240x128xf32, #tpu.memory_space<vmem_shared>> -> memref<128x128xf32, #tpu.memory_space<vmem_shared>>
      %dma_wait3A_51 = arith.constant 0 : i32
      %dma_wait3A_52 = tpu.memref_slice %arg9[%add3A_18, %dma_wait3A_51] : memref<10240x128xf32, #tpu.memory_space<vmem_shared>> -> memref<128x128xf32, #tpu.memory_space<vmem_shared>>
      tpu.wait_dma2 semaphore(%run_scoped3A : memref<!tpu.dma_semaphore, #tpu.memory_space<semaphore_mem>>) src(%arg8 : memref<128x128xf32, #tpu.memory_space<vmem>>) dst(%dma_wait3A_52 : memref<128x128xf32, #tpu.memory_space<vmem_shared>>)
      tpu.yield
    }) : () -> ()
    %mul3A_19 = arith.constant 640 : i32
    %mul3A_20 = arith.muli %arg1, %mul3A_19 : i32
    %add3A_21 = arith.constant 384 : i32
    %add3A_22 = arith.addi %mul3A_20, %add3A_21 : i32
    "tpu.region"() ({
      %run_scoped3A = tpu.sem_alloc : memref<!tpu.dma_semaphore, #tpu.memory_space<semaphore_mem>>
      %dma_start3A = arith.constant 0 : i32
      %dma_start3A_47 = tpu.memref_slice %arg9[%add3A_22, %dma_start3A] : memref<10240x128xf32, #tpu.memory_space<vmem_shared>> -> memref<128x128xf32, #tpu.memory_space<vmem_shared>>
      %dma_start3A_48 = arith.constant 0 : i32
      %dma_start3A_49 = tpu.memref_slice %arg9[%add3A_22, %dma_start3A_48] : memref<10240x128xf32, #tpu.memory_space<vmem_shared>> -> memref<128x128xf32, #tpu.memory_space<vmem_shared>>
      tpu.enqueue_dma source(%arg8 : memref<128x128xf32, #tpu.memory_space<vmem>>) target(%dma_start3A_49 : memref<128x128xf32, #tpu.memory_space<vmem_shared>>) target_semaphore(%run_scoped3A : memref<!tpu.dma_semaphore, #tpu.memory_space<semaphore_mem>>)
      %dma_wait3A = arith.constant 0 : i32
      %dma_wait3A_50 = tpu.memref_slice %arg9[%add3A_22, %dma_wait3A] : memref<10240x128xf32, #tpu.memory_space<vmem_shared>> -> memref<128x128xf32, #tpu.memory_space<vmem_shared>>
      %dma_wait3A_51 = arith.constant 0 : i32
      %dma_wait3A_52 = tpu.memref_slice %arg9[%add3A_22, %dma_wait3A_51] : memref<10240x128xf32, #tpu.memory_space<vmem_shared>> -> memref<128x128xf32, #tpu.memory_space<vmem_shared>>
      tpu.wait_dma2 semaphore(%run_scoped3A : memref<!tpu.dma_semaphore, #tpu.memory_space<semaphore_mem>>) src(%arg8 : memref<128x128xf32, #tpu.memory_space<vmem>>) dst(%dma_wait3A_52 : memref<128x128xf32, #tpu.memory_space<vmem_shared>>)
      tpu.yield
    }) : () -> ()
    %mul3A_23 = arith.constant 640 : i32
    %mul3A_24 = arith.muli %arg1, %mul3A_23 : i32
    %add3A_25 = arith.constant 512 : i32
    %add3A_26 = arith.addi %mul3A_24, %add3A_25 : i32
    "tpu.region"() ({
      %run_scoped3A = tpu.sem_alloc : memref<!tpu.dma_semaphore, #tpu.memory_space<semaphore_mem>>
      %dma_start3A = arith.constant 0 : i32
      %dma_start3A_47 = tpu.memref_slice %arg9[%add3A_26, %dma_start3A] : memref<10240x128xf32, #tpu.memory_space<vmem_shared>> -> memref<128x128xf32, #tpu.memory_space<vmem_shared>>
      %dma_start3A_48 = arith.constant 0 : i32
      %dma_start3A_49 = tpu.memref_slice %arg9[%add3A_26, %dma_start3A_48] : memref<10240x128xf32, #tpu.memory_space<vmem_shared>> -> memref<128x128xf32, #tpu.memory_space<vmem_shared>>
      tpu.enqueue_dma source(%arg8 : memref<128x128xf32, #tpu.memory_space<vmem>>) target(%dma_start3A_49 : memref<128x128xf32, #tpu.memory_space<vmem_shared>>) target_semaphore(%run_scoped3A : memref<!tpu.dma_semaphore, #tpu.memory_space<semaphore_mem>>)
      %dma_wait3A = arith.constant 0 : i32
      %dma_wait3A_50 = tpu.memref_slice %arg9[%add3A_26, %dma_wait3A] : memref<10240x128xf32, #tpu.memory_space<vmem_shared>> -> memref<128x128xf32, #tpu.memory_space<vmem_shared>>
      %dma_wait3A_51 = arith.constant 0 : i32
      %dma_wait3A_52 = tpu.memref_slice %arg9[%add3A_26, %dma_wait3A_51] : memref<10240x128xf32, #tpu.memory_space<vmem_shared>> -> memref<128x128xf32, #tpu.memory_space<vmem_shared>>
      tpu.wait_dma2 semaphore(%run_scoped3A : memref<!tpu.dma_semaphore, #tpu.memory_space<semaphore_mem>>) src(%arg8 : memref<128x128xf32, #tpu.memory_space<vmem>>) dst(%dma_wait3A_52 : memref<128x128xf32, #tpu.memory_space<vmem_shared>>)
      tpu.yield
    }) : () -> ()
    %mul3A_27 = arith.constant 80 : i32
    %mul3A_28 = arith.muli %add3A, %mul3A_27 : i32
    "tpu.region"() ({
      %run_scoped3A = tpu.sem_alloc : memref<!tpu.dma_semaphore, #tpu.memory_space<semaphore_mem>>
      %dma_start3A = arith.constant 0 : i32
      %dma_start3A_47 = tpu.memref_slice %arg3[%mul3A_28, %dma_start3A] : memref<2560x128xi32, #tpu.memory_space<hbm>> -> memref<80x128xi32, #tpu.memory_space<hbm>>
      %dma_start3A_48 = arith.constant 0 : i32
      %dma_start3A_49 = tpu.memref_slice %arg3[%mul3A_28, %dma_start3A_48] : memref<2560x128xi32, #tpu.memory_space<hbm>> -> memref<80x128xi32, #tpu.memory_space<hbm>>
      tpu.enqueue_dma source(%dma_start3A_49 : memref<80x128xi32, #tpu.memory_space<hbm>>) target(%arg6 : memref<80x128xi32, #tpu.memory_space<vmem>>) target_semaphore(%run_scoped3A : memref<!tpu.dma_semaphore, #tpu.memory_space<semaphore_mem>>)
      %dma_wait3A = arith.constant 0 : i32
      %dma_wait3A_50 = tpu.memref_slice %arg3[%mul3A_28, %dma_wait3A] : memref<2560x128xi32, #tpu.memory_space<hbm>> -> memref<80x128xi32, #tpu.memory_space<hbm>>
      %dma_wait3A_51 = arith.constant 0 : i32
      %dma_wait3A_52 = tpu.memref_slice %arg3[%mul3A_28, %dma_wait3A_51] : memref<2560x128xi32, #tpu.memory_space<hbm>> -> memref<80x128xi32, #tpu.memory_space<hbm>>
      tpu.wait_dma2 semaphore(%run_scoped3A : memref<!tpu.dma_semaphore, #tpu.memory_space<semaphore_mem>>) src(%dma_wait3A_52 : memref<80x128xi32, #tpu.memory_space<hbm>>) dst(%arg6 : memref<80x128xi32, #tpu.memory_space<vmem>>)
      tpu.yield
    }) : () -> ()
    %mul3A_29 = arith.constant 80 : i32
    %mul3A_30 = arith.muli %add3A, %mul3A_29 : i32
    "tpu.region"() ({
      %run_scoped3A = tpu.sem_alloc : memref<!tpu.dma_semaphore, #tpu.memory_space<semaphore_mem>>
      %dma_start3A = arith.constant 0 : i32
      %dma_start3A_47 = tpu.memref_slice %arg4[%mul3A_30, %dma_start3A] : memref<2560x128xi32, #tpu.memory_space<hbm>> -> memref<80x128xi32, #tpu.memory_space<hbm>>
      %dma_start3A_48 = arith.constant 0 : i32
      %dma_start3A_49 = tpu.memref_slice %arg4[%mul3A_30, %dma_start3A_48] : memref<2560x128xi32, #tpu.memory_space<hbm>> -> memref<80x128xi32, #tpu.memory_space<hbm>>
      tpu.enqueue_dma source(%dma_start3A_49 : memref<80x128xi32, #tpu.memory_space<hbm>>) target(%arg7 : memref<80x128xi32, #tpu.memory_space<vmem>>) target_semaphore(%run_scoped3A : memref<!tpu.dma_semaphore, #tpu.memory_space<semaphore_mem>>)
      %dma_wait3A = arith.constant 0 : i32
      %dma_wait3A_50 = tpu.memref_slice %arg4[%mul3A_30, %dma_wait3A] : memref<2560x128xi32, #tpu.memory_space<hbm>> -> memref<80x128xi32, #tpu.memory_space<hbm>>
      %dma_wait3A_51 = arith.constant 0 : i32
      %dma_wait3A_52 = tpu.memref_slice %arg4[%mul3A_30, %dma_wait3A_51] : memref<2560x128xi32, #tpu.memory_space<hbm>> -> memref<80x128xi32, #tpu.memory_space<hbm>>
      tpu.wait_dma2 semaphore(%run_scoped3A : memref<!tpu.dma_semaphore, #tpu.memory_space<semaphore_mem>>) src(%dma_wait3A_52 : memref<80x128xi32, #tpu.memory_space<hbm>>) dst(%arg7 : memref<80x128xi32, #tpu.memory_space<vmem>>)
      tpu.yield
    }) : () -> ()
    %barrier3A = arith.constant 0 : index
    tpu.barrier barrier_id(%barrier3A)
    %scan3A_31 = arith.constant 0 : i32
    %scan3A_32 = arith.constant 0 : i32
    %scan3A_33 = arith.constant 80 : i32
    %scan3A_34 = arith.addi %scan3A_32, %scan3A_33 : i32
    %scan3A_35 = arith.constant 1 : i32
    scf.for %scan3A_47 = %scan3A_32 to %scan3A_34 step %scan3A_35  : i32 {
      %dma_start3A = arith.constant 0 : i32
      %dma_start3A_48 = tpu.memref_slice %arg6[%scan3A_47, %dma_start3A] : memref<80x128xi32, #tpu.memory_space<vmem>> -> memref<1x128xi32, #tpu.memory_space<vmem>>
      %dma_start3A_49 = tpu.memref_squeeze %dma_start3A_48 : memref<1x128xi32, #tpu.memory_space<vmem>> -> memref<128xi32, #tpu.memory_space<vmem>>
      %dma_start3A_50 = arith.constant 0 : i32
      %dma_start3A_51 = arith.constant 0 : i32
      %dma_start3A_52 = tpu.memref_slice %arg2[%dma_start3A_50, %dma_start3A_51] : memref<10000x128xf32, #tpu.memory_space<hbm>> -> memref<10000x128xf32, #tpu.memory_space<hbm>>
      tpu.enqueue_indirect_dma source(%dma_start3A_52 : memref<10000x128xf32, #tpu.memory_space<hbm>>) target(%arg8 : memref<128x128xf32, #tpu.memory_space<vmem>>) offsets(%dma_start3A_49 : memref<128xi32, #tpu.memory_space<vmem>>) semaphore(%arg10 : memref<!tpu.dma_semaphore, #tpu.memory_space<semaphore_mem>>)
      %dma_wait3A = arith.constant 0 : i32
      %dma_wait3A_53 = tpu.memref_slice %arg6[%scan3A_47, %dma_wait3A] : memref<80x128xi32, #tpu.memory_space<vmem>> -> memref<1x128xi32, #tpu.memory_space<vmem>>
      %dma_wait3A_54 = tpu.memref_squeeze %dma_wait3A_53 : memref<1x128xi32, #tpu.memory_space<vmem>> -> memref<128xi32, #tpu.memory_space<vmem>>
      %dma_wait3A_55 = arith.constant 0 : i32
      %dma_wait3A_56 = arith.constant 0 : i32
      %dma_wait3A_57 = tpu.memref_slice %arg2[%dma_wait3A_55, %dma_wait3A_56] : memref<10000x128xf32, #tpu.memory_space<hbm>> -> memref<10000x128xf32, #tpu.memory_space<hbm>>
      tpu.wait_indirect_dma semaphore(%arg10 : memref<!tpu.dma_semaphore, #tpu.memory_space<semaphore_mem>>) src(%dma_wait3A_57 : memref<10000x128xf32, #tpu.memory_space<hbm>>) dst(%arg8 : memref<128x128xf32, #tpu.memory_space<vmem>>)
      "tpu.region"() ({
        %run_scoped3A = tpu.sem_alloc : memref<!tpu.dma_semaphore, #tpu.memory_space<semaphore_mem>>
        %dma_start3A_58 = arith.constant 0 : i32
        %dma_start3A_59 = tpu.memref_slice %arg7[%scan3A_47, %dma_start3A_58] : memref<80x128xi32, #tpu.memory_space<vmem>> -> memref<1x128xi32, #tpu.memory_space<vmem>>
        %dma_start3A_60 = tpu.memref_squeeze %dma_start3A_59 : memref<1x128xi32, #tpu.memory_space<vmem>> -> memref<128xi32, #tpu.memory_space<vmem>>
        %dma_start3A_61 = arith.constant 0 : i32
        %dma_start3A_62 = arith.constant 0 : i32
        %dma_start3A_63 = tpu.memref_slice %arg9[%dma_start3A_61, %dma_start3A_62] : memref<10240x128xf32, #tpu.memory_space<vmem_shared>> -> memref<10240x128xf32, #tpu.memory_space<vmem_shared>>
        tpu.enqueue_indirect_dma source(%arg8 : memref<128x128xf32, #tpu.memory_space<vmem>>) target(%dma_start3A_63 : memref<10240x128xf32, #tpu.memory_space<vmem_shared>>) offsets(%dma_start3A_60 : memref<128xi32, #tpu.memory_space<vmem>>) semaphore(%run_scoped3A : memref<!tpu.dma_semaphore, #tpu.memory_space<semaphore_mem>>) {add = true}
        %dma_wait3A_64 = arith.constant 0 : i32
        %dma_wait3A_65 = tpu.memref_slice %arg7[%scan3A_47, %dma_wait3A_64] : memref<80x128xi32, #tpu.memory_space<vmem>> -> memref<1x128xi32, #tpu.memory_space<vmem>>
        %dma_wait3A_66 = tpu.memref_squeeze %dma_wait3A_65 : memref<1x128xi32, #tpu.memory_space<vmem>> -> memref<128xi32, #tpu.memory_space<vmem>>
        %dma_wait3A_67 = arith.constant 0 : i32
        %dma_wait3A_68 = arith.constant 0 : i32
        %dma_wait3A_69 = tpu.memref_slice %arg9[%dma_wait3A_67, %dma_wait3A_68] : memref<10240x128xf32, #tpu.memory_space<vmem_shared>> -> memref<10240x128xf32, #tpu.memory_space<vmem_shared>>
        tpu.wait_indirect_dma semaphore(%run_scoped3A : memref<!tpu.dma_semaphore, #tpu.memory_space<semaphore_mem>>) src(%arg8 : memref<128x128xf32, #tpu.memory_space<vmem>>) dst(%dma_wait3A_69 : memref<10240x128xf32, #tpu.memory_space<vmem_shared>>)
        tpu.yield
      }) : () -> ()
    }
    %scan3A_36 = arith.constant 80 : i32
    %barrier3A_37 = arith.constant 0 : index
    tpu.barrier barrier_id(%barrier3A_37)
    %mul3A_38 = arith.constant 624 : i32
    %mul3A_39 = arith.muli %arg1, %mul3A_38 : i32
    %mul3A_40 = arith.constant 10000 : i32
    %mul3A_41 = arith.muli %arg0, %mul3A_40 : i32
    %mul3A_42 = arith.constant 624 : i32
    %mul3A_43 = arith.muli %arg1, %mul3A_42 : i32
    %add3A_44 = arith.addi %mul3A_41, %mul3A_43 : i32
    "tpu.region"() ({
      %run_scoped3A = tpu.sem_alloc : memref<!tpu.dma_semaphore, #tpu.memory_space<semaphore_mem>>
      %dma_start3A = arith.constant 0 : i32
      %dma_start3A_47 = tpu.memref_slice %arg5[%add3A_44, %dma_start3A] : memref<20000x128xf32, #tpu.memory_space<hbm>> -> memref<624x128xf32, #tpu.memory_space<hbm>>
      %dma_start3A_48 = arith.constant 0 : i32
      %dma_start3A_49 = tpu.memref_slice %arg9[%mul3A_39, %dma_start3A_48] : memref<10240x128xf32, #tpu.memory_space<vmem_shared>> -> memref<624x128xf32, #tpu.memory_space<vmem_shared>>
      tpu.enqueue_dma source(%dma_start3A_49 : memref<624x128xf32, #tpu.memory_space<vmem_shared>>) target(%dma_start3A_47 : memref<624x128xf32, #tpu.memory_space<hbm>>) target_semaphore(%run_scoped3A : memref<!tpu.dma_semaphore, #tpu.memory_space<semaphore_mem>>)
      %dma_wait3A = arith.constant 0 : i32
      %dma_wait3A_50 = tpu.memref_slice %arg5[%add3A_44, %dma_wait3A] : memref<20000x128xf32, #tpu.memory_space<hbm>> -> memref<624x128xf32, #tpu.memory_space<hbm>>
      %dma_wait3A_51 = arith.constant 0 : i32
      %dma_wait3A_52 = tpu.memref_slice %arg9[%mul3A_39, %dma_wait3A_51] : memref<10240x128xf32, #tpu.memory_space<vmem_shared>> -> memref<624x128xf32, #tpu.memory_space<vmem_shared>>
      tpu.wait_dma2 semaphore(%run_scoped3A : memref<!tpu.dma_semaphore, #tpu.memory_space<semaphore_mem>>) src(%dma_wait3A_52 : memref<624x128xf32, #tpu.memory_space<vmem_shared>>) dst(%dma_wait3A_50 : memref<624x128xf32, #tpu.memory_space<hbm>>)
      tpu.yield
    }) : () -> ()
    %eq3A = arith.constant 0 : i32
    %eq3A_45 = arith.cmpi eq, %arg1, %eq3A : i32
    %convert_element_type3A = arith.extui %eq3A_45 : i1 to i32
    %cond3A = arith.constant 0 : i32
    %cond3A_46 = arith.cmpi ne, %convert_element_type3A, %cond3A : i32
    scf.if %cond3A_46 {
      %mul3A_47 = arith.constant 10000 : i32
      %mul3A_48 = arith.muli %arg0, %mul3A_47 : i32
      %add3A_49 = arith.constant 9984 : i32
      %add3A_50 = arith.addi %mul3A_48, %add3A_49 : i32
      "tpu.region"() ({
        %run_scoped3A = tpu.sem_alloc : memref<!tpu.dma_semaphore, #tpu.memory_space<semaphore_mem>>
        %dma_start3A = arith.constant 0 : i32
        %dma_start3A_51 = tpu.memref_slice %arg5[%add3A_50, %dma_start3A] : memref<20000x128xf32, #tpu.memory_space<hbm>> -> memref<16x128xf32, #tpu.memory_space<hbm>>
        %dma_start3A_52 = arith.constant 9984 : i32
        %dma_start3A_53 = arith.constant 0 : i32
        %dma_start3A_54 = tpu.memref_slice %arg9[%dma_start3A_52, %dma_start3A_53] : memref<10240x128xf32, #tpu.memory_space<vmem_shared>> -> memref<16x128xf32, #tpu.memory_space<vmem_shared>>
        tpu.enqueue_dma source(%dma_start3A_54 : memref<16x128xf32, #tpu.memory_space<vmem_shared>>) target(%dma_start3A_51 : memref<16x128xf32, #tpu.memory_space<hbm>>) target_semaphore(%run_scoped3A : memref<!tpu.dma_semaphore, #tpu.memory_space<semaphore_mem>>)
        %dma_wait3A = arith.constant 0 : i32
        %dma_wait3A_55 = tpu.memref_slice %arg5[%add3A_50, %dma_wait3A] : memref<20000x128xf32, #tpu.memory_space<hbm>> -> memref<16x128xf32, #tpu.memory_space<hbm>>
        %dma_wait3A_56 = arith.constant 9984 : i32
        %dma_wait3A_57 = arith.constant 0 : i32
        %dma_wait3A_58 = tpu.memref_slice %arg9[%dma_wait3A_56, %dma_wait3A_57] : memref<10240x128xf32, #tpu.memory_space<vmem_shared>> -> memref<16x128xf32, #tpu.memory_space<vmem_shared>>
        tpu.wait_dma2 semaphore(%run_scoped3A : memref<!tpu.dma_semaphore, #tpu.memory_space<semaphore_mem>>) src(%dma_wait3A_58 : memref<16x128xf32, #tpu.memory_space<vmem_shared>>) dst(%dma_wait3A_55 : memref<16x128xf32, #tpu.memory_space<hbm>>)
        tpu.yield
      }) : () -> ()
    } else {
    }
    return
  }
}

#map = affine_map<(d0, d1) -> (0, 0)>
module attributes {stable_mosaic.version = 14 : i64} {
  func.func @_sc_body(%arg0: i32, %arg1: i32, %arg2: memref<10000x128xf32, #tpu.memory_space<hbm>>, %arg3: memref<2560x128xi32, #tpu.memory_space<hbm>>, %arg4: memref<2560x128xi32, #tpu.memory_space<hbm>>, %arg5: memref<20000x128xf32, #tpu.memory_space<hbm>>, %arg6: memref<80x128xi32, #tpu.memory_space<vmem>>, %arg7: memref<80x128xi32, #tpu.memory_space<vmem>>, %arg8: memref<128x128xf32, #tpu.memory_space<vmem>>, %arg9: memref<10240x128xf32, #tpu.memory_space<vmem_shared>>, %arg10: memref<!tpu.dma_semaphore, #tpu.memory_space<semaphore_mem>>) attributes {dimension_semantics = [#tpu.dimension_semantics<core_parallel>, #tpu.dimension_semantics<subcore_parallel>], iteration_bounds = array<i64: 2, 16>, scalar_prefetch = 0 : i64, scratch_operands = 5 : i64, tpu.core_type = #tpu.core_type<sc_vector_subcore>, window_params = [{transform_indices = #map}, {transform_indices = #map}, {transform_indices = #map}, {transform_indices = #map}]} {
    %mul3A = arith.constant 16 : i32
    %mul3A_0 = arith.muli %arg0, %mul3A : i32
    %add3A = arith.addi %mul3A_0, %arg1 : i32
    %broadcast_in_dim3A = arith.constant 0.000000e+00 : f32
    %broadcast_in_dim3A_1 = vector.broadcast %broadcast_in_dim3A : f32 to vector<16xf32>
    %scan3A = arith.constant 0 : i32
    %scan3A_2 = arith.constant 0 : i32
    %scan3A_3 = arith.constant 1024 : i32
    %scan3A_4 = arith.addi %scan3A_2, %scan3A_3 : i32
    %scan3A_5 = arith.constant 1 : i32
    scf.for %scan3A_47 = %scan3A_2 to %scan3A_4 step %scan3A_5  : i32 {
      %jit3A = arith.constant 8 : i32
      %div3A = arith.divsi %scan3A_47, %jit3A : i32
      %sign3A = arith.constant 0 : i32
      %sign3A_48 = arith.cmpi sgt, %scan3A_47, %sign3A : i32
      %sign3A_49 = arith.extui %sign3A_48 : i1 to i32
      %sign3A_50 = arith.constant 0 : i32
      %sign3A_51 = arith.cmpi slt, %scan3A_47, %sign3A_50 : i32
      %sign3A_52 = arith.extui %sign3A_51 : i1 to i32
      %sign3A_53 = arith.subi %sign3A_49, %sign3A_52 : i32
      %sign3A_54 = arith.constant 0 : i32
      %sign3A_55 = arith.cmpi sgt, %jit3A, %sign3A_54 : i32
      %sign3A_56 = arith.extui %sign3A_55 : i1 to i32
      %sign3A_57 = arith.constant 0 : i32
      %sign3A_58 = arith.cmpi slt, %jit3A, %sign3A_57 : i32
      %sign3A_59 = arith.extui %sign3A_58 : i1 to i32
      %sign3A_60 = arith.subi %sign3A_56, %sign3A_59 : i32
      %ne3A = arith.cmpi ne, %sign3A_53, %sign3A_60 : i32
      %rem3A = arith.remsi %scan3A_47, %jit3A : i32
      %ne3A_61 = arith.constant 0 : i32
      %ne3A_62 = arith.cmpi ne, %rem3A, %ne3A_61 : i32
      %and3A = arith.andi %ne3A, %ne3A_62 : i1
      %sub3A = arith.constant 1 : i32
      %sub3A_63 = arith.subi %div3A, %sub3A : i32
      %select_n3A = arith.select %and3A, %sub3A_63, %div3A : i32
      %jit3A_64 = arith.constant 8 : i32
      %eq3A_65 = arith.constant 0 : i32
      %eq3A_66 = arith.cmpi eq, %jit3A_64, %eq3A_65 : i32
      %jit3A_67 = arith.constant 1 : i32
      %select_n3A_68 = arith.select %eq3A_66, %jit3A_67, %jit3A_64 : i32
      %rem3A_69 = arith.remsi %scan3A_47, %select_n3A_68 : i32
      %ne3A_70 = arith.constant 0 : i32
      %ne3A_71 = arith.cmpi ne, %rem3A_69, %ne3A_70 : i32
      %lt3A = arith.constant 0 : i32
      %lt3A_72 = arith.cmpi slt, %rem3A_69, %lt3A : i32
      %lt3A_73 = arith.constant 0 : i32
      %lt3A_74 = arith.cmpi slt, %select_n3A_68, %lt3A_73 : i32
      %ne3A_75 = arith.xori %lt3A_72, %lt3A_74 : i1
      %and3A_76 = arith.andi %ne3A_75, %ne3A_71 : i1
      %add3A_77 = arith.addi %rem3A_69, %select_n3A_68 : i32
      %select_n3A_78 = arith.select %and3A_76, %add3A_77, %rem3A_69 : i32
      %mul3A_79 = arith.constant 16 : i32
      %mul3A_80 = arith.muli %select_n3A_78, %mul3A_79 : i32
      %swap3A = arith.index_cast %select_n3A : i32 to index
      %swap3A_81 = arith.index_cast %mul3A_80 : i32 to index
      %swap3A_82 = tpu.vector_load %arg8[%swap3A, %swap3A_81] {strides = array<i32>} : memref<128x128xf32, #tpu.memory_space<vmem>>, vector<1x16xf32>,
      %swap3A_83 = vector.shape_cast %swap3A_82 : vector<1x16xf32> to vector<16xf32>
      %swap3A_84 = vector.shape_cast %broadcast_in_dim3A_1 : vector<16xf32> to vector<1x16xf32>
      tpu.vector_store %arg8[%swap3A, %swap3A_81], %swap3A_84 {strides = array<i32>} : memref<128x128xf32, #tpu.memory_space<vmem>>, vector<1x16xf32>,
    }
    %scan3A_6 = arith.constant 1024 : i32
    %mul3A_7 = arith.constant 640 : i32
    %mul3A_8 = arith.muli %arg1, %mul3A_7 : i32
    %add3A_9 = arith.constant 0 : i32
    %add3A_10 = arith.addi %mul3A_8, %add3A_9 : i32
    "tpu.region"() ({
      %run_scoped3A = tpu.sem_alloc : memref<!tpu.dma_semaphore, #tpu.memory_space<semaphore_mem>>
      %dma_start3A = arith.constant 0 : i32
      %dma_start3A_47 = tpu.memref_slice %arg9[%add3A_10, %dma_start3A] : memref<10240x128xf32, #tpu.memory_space<vmem_shared>> -> memref<128x128xf32, #tpu.memory_space<vmem_shared>>
      %dma_start3A_48 = arith.constant 0 : i32
      %dma_start3A_49 = tpu.memref_slice %arg9[%add3A_10, %dma_start3A_48] : memref<10240x128xf32, #tpu.memory_space<vmem_shared>> -> memref<128x128xf32, #tpu.memory_space<vmem_shared>>
      tpu.enqueue_dma source(%arg8 : memref<128x128xf32, #tpu.memory_space<vmem>>) target(%dma_start3A_49 : memref<128x128xf32, #tpu.memory_space<vmem_shared>>) target_semaphore(%run_scoped3A : memref<!tpu.dma_semaphore, #tpu.memory_space<semaphore_mem>>)
      %dma_wait3A = arith.constant 0 : i32
      %dma_wait3A_50 = tpu.memref_slice %arg9[%add3A_10, %dma_wait3A] : memref<10240x128xf32, #tpu.memory_space<vmem_shared>> -> memref<128x128xf32, #tpu.memory_space<vmem_shared>>
      %dma_wait3A_51 = arith.constant 0 : i32
      %dma_wait3A_52 = tpu.memref_slice %arg9[%add3A_10, %dma_wait3A_51] : memref<10240x128xf32, #tpu.memory_space<vmem_shared>> -> memref<128x128xf32, #tpu.memory_space<vmem_shared>>
      tpu.wait_dma2 semaphore(%run_scoped3A : memref<!tpu.dma_semaphore, #tpu.memory_space<semaphore_mem>>) src(%arg8 : memref<128x128xf32, #tpu.memory_space<vmem>>) dst(%dma_wait3A_52 : memref<128x128xf32, #tpu.memory_space<vmem_shared>>)
      tpu.yield
    }) : () -> ()
    %mul3A_11 = arith.constant 640 : i32
    %mul3A_12 = arith.muli %arg1, %mul3A_11 : i32
    %add3A_13 = arith.constant 128 : i32
    %add3A_14 = arith.addi %mul3A_12, %add3A_13 : i32
    "tpu.region"() ({
      %run_scoped3A = tpu.sem_alloc : memref<!tpu.dma_semaphore, #tpu.memory_space<semaphore_mem>>
      %dma_start3A = arith.constant 0 : i32
      %dma_start3A_47 = tpu.memref_slice %arg9[%add3A_14, %dma_start3A] : memref<10240x128xf32, #tpu.memory_space<vmem_shared>> -> memref<128x128xf32, #tpu.memory_space<vmem_shared>>
      %dma_start3A_48 = arith.constant 0 : i32
      %dma_start3A_49 = tpu.memref_slice %arg9[%add3A_14, %dma_start3A_48] : memref<10240x128xf32, #tpu.memory_space<vmem_shared>> -> memref<128x128xf32, #tpu.memory_space<vmem_shared>>
      tpu.enqueue_dma source(%arg8 : memref<128x128xf32, #tpu.memory_space<vmem>>) target(%dma_start3A_49 : memref<128x128xf32, #tpu.memory_space<vmem_shared>>) target_semaphore(%run_scoped3A : memref<!tpu.dma_semaphore, #tpu.memory_space<semaphore_mem>>)
      %dma_wait3A = arith.constant 0 : i32
      %dma_wait3A_50 = tpu.memref_slice %arg9[%add3A_14, %dma_wait3A] : memref<10240x128xf32, #tpu.memory_space<vmem_shared>> -> memref<128x128xf32, #tpu.memory_space<vmem_shared>>
      %dma_wait3A_51 = arith.constant 0 : i32
      %dma_wait3A_52 = tpu.memref_slice %arg9[%add3A_14, %dma_wait3A_51] : memref<10240x128xf32, #tpu.memory_space<vmem_shared>> -> memref<128x128xf32, #tpu.memory_space<vmem_shared>>
      tpu.wait_dma2 semaphore(%run_scoped3A : memref<!tpu.dma_semaphore, #tpu.memory_space<semaphore_mem>>) src(%arg8 : memref<128x128xf32, #tpu.memory_space<vmem>>) dst(%dma_wait3A_52 : memref<128x128xf32, #tpu.memory_space<vmem_shared>>)
      tpu.yield
    }) : () -> ()
    %mul3A_15 = arith.constant 640 : i32
    %mul3A_16 = arith.muli %arg1, %mul3A_15 : i32
    %add3A_17 = arith.constant 256 : i32
    %add3A_18 = arith.addi %mul3A_16, %add3A_17 : i32
    "tpu.region"() ({
      %run_scoped3A = tpu.sem_alloc : memref<!tpu.dma_semaphore, #tpu.memory_space<semaphore_mem>>
      %dma_start3A = arith.constant 0 : i32
      %dma_start3A_47 = tpu.memref_slice %arg9[%add3A_18, %dma_start3A] : memref<10240x128xf32, #tpu.memory_space<vmem_shared>> -> memref<128x128xf32, #tpu.memory_space<vmem_shared>>
      %dma_start3A_48 = arith.constant 0 : i32
      %dma_start3A_49 = tpu.memref_slice %arg9[%add3A_18, %dma_start3A_48] : memref<10240x128xf32, #tpu.memory_space<vmem_shared>> -> memref<128x128xf32, #tpu.memory_space<vmem_shared>>
      tpu.enqueue_dma source(%arg8 : memref<128x128xf32, #tpu.memory_space<vmem>>) target(%dma_start3A_49 : memref<128x128xf32, #tpu.memory_space<vmem_shared>>) target_semaphore(%run_scoped3A : memref<!tpu.dma_semaphore, #tpu.memory_space<semaphore_mem>>)
      %dma_wait3A = arith.constant 0 : i32
      %dma_wait3A_50 = tpu.memref_slice %arg9[%add3A_18, %dma_wait3A] : memref<10240x128xf32, #tpu.memory_space<vmem_shared>> -> memref<128x128xf32, #tpu.memory_space<vmem_shared>>
      %dma_wait3A_51 = arith.constant 0 : i32
      %dma_wait3A_52 = tpu.memref_slice %arg9[%add3A_18, %dma_wait3A_51] : memref<10240x128xf32, #tpu.memory_space<vmem_shared>> -> memref<128x128xf32, #tpu.memory_space<vmem_shared>>
      tpu.wait_dma2 semaphore(%run_scoped3A : memref<!tpu.dma_semaphore, #tpu.memory_space<semaphore_mem>>) src(%arg8 : memref<128x128xf32, #tpu.memory_space<vmem>>) dst(%dma_wait3A_52 : memref<128x128xf32, #tpu.memory_space<vmem_shared>>)
      tpu.yield
    }) : () -> ()
    %mul3A_19 = arith.constant 640 : i32
    %mul3A_20 = arith.muli %arg1, %mul3A_19 : i32
    %add3A_21 = arith.constant 384 : i32
    %add3A_22 = arith.addi %mul3A_20, %add3A_21 : i32
    "tpu.region"() ({
      %run_scoped3A = tpu.sem_alloc : memref<!tpu.dma_semaphore, #tpu.memory_space<semaphore_mem>>
      %dma_start3A = arith.constant 0 : i32
      %dma_start3A_47 = tpu.memref_slice %arg9[%add3A_22, %dma_start3A] : memref<10240x128xf32, #tpu.memory_space<vmem_shared>> -> memref<128x128xf32, #tpu.memory_space<vmem_shared>>
      %dma_start3A_48 = arith.constant 0 : i32
      %dma_start3A_49 = tpu.memref_slice %arg9[%add3A_22, %dma_start3A_48] : memref<10240x128xf32, #tpu.memory_space<vmem_shared>> -> memref<128x128xf32, #tpu.memory_space<vmem_shared>>
      tpu.enqueue_dma source(%arg8 : memref<128x128xf32, #tpu.memory_space<vmem>>) target(%dma_start3A_49 : memref<128x128xf32, #tpu.memory_space<vmem_shared>>) target_semaphore(%run_scoped3A : memref<!tpu.dma_semaphore, #tpu.memory_space<semaphore_mem>>)
      %dma_wait3A = arith.constant 0 : i32
      %dma_wait3A_50 = tpu.memref_slice %arg9[%add3A_22, %dma_wait3A] : memref<10240x128xf32, #tpu.memory_space<vmem_shared>> -> memref<128x128xf32, #tpu.memory_space<vmem_shared>>
      %dma_wait3A_51 = arith.constant 0 : i32
      %dma_wait3A_52 = tpu.memref_slice %arg9[%add3A_22, %dma_wait3A_51] : memref<10240x128xf32, #tpu.memory_space<vmem_shared>> -> memref<128x128xf32, #tpu.memory_space<vmem_shared>>
      tpu.wait_dma2 semaphore(%run_scoped3A : memref<!tpu.dma_semaphore, #tpu.memory_space<semaphore_mem>>) src(%arg8 : memref<128x128xf32, #tpu.memory_space<vmem>>) dst(%dma_wait3A_52 : memref<128x128xf32, #tpu.memory_space<vmem_shared>>)
      tpu.yield
    }) : () -> ()
    %mul3A_23 = arith.constant 640 : i32
    %mul3A_24 = arith.muli %arg1, %mul3A_23 : i32
    %add3A_25 = arith.constant 512 : i32
    %add3A_26 = arith.addi %mul3A_24, %add3A_25 : i32
    "tpu.region"() ({
      %run_scoped3A = tpu.sem_alloc : memref<!tpu.dma_semaphore, #tpu.memory_space<semaphore_mem>>
      %dma_start3A = arith.constant 0 : i32
      %dma_start3A_47 = tpu.memref_slice %arg9[%add3A_26, %dma_start3A] : memref<10240x128xf32, #tpu.memory_space<vmem_shared>> -> memref<128x128xf32, #tpu.memory_space<vmem_shared>>
      %dma_start3A_48 = arith.constant 0 : i32
      %dma_start3A_49 = tpu.memref_slice %arg9[%add3A_26, %dma_start3A_48] : memref<10240x128xf32, #tpu.memory_space<vmem_shared>> -> memref<128x128xf32, #tpu.memory_space<vmem_shared>>
      tpu.enqueue_dma source(%arg8 : memref<128x128xf32, #tpu.memory_space<vmem>>) target(%dma_start3A_49 : memref<128x128xf32, #tpu.memory_space<vmem_shared>>) target_semaphore(%run_scoped3A : memref<!tpu.dma_semaphore, #tpu.memory_space<semaphore_mem>>)
      %dma_wait3A = arith.constant 0 : i32
      %dma_wait3A_50 = tpu.memref_slice %arg9[%add3A_26, %dma_wait3A] : memref<10240x128xf32, #tpu.memory_space<vmem_shared>> -> memref<128x128xf32, #tpu.memory_space<vmem_shared>>
      %dma_wait3A_51 = arith.constant 0 : i32
      %dma_wait3A_52 = tpu.memref_slice %arg9[%add3A_26, %dma_wait3A_51] : memref<10240x128xf32, #tpu.memory_space<vmem_shared>> -> memref<128x128xf32, #tpu.memory_space<vmem_shared>>
      tpu.wait_dma2 semaphore(%run_scoped3A : memref<!tpu.dma_semaphore, #tpu.memory_space<semaphore_mem>>) src(%arg8 : memref<128x128xf32, #tpu.memory_space<vmem>>) dst(%dma_wait3A_52 : memref<128x128xf32, #tpu.memory_space<vmem_shared>>)
      tpu.yield
    }) : () -> ()
    %mul3A_27 = arith.constant 80 : i32
    %mul3A_28 = arith.muli %add3A, %mul3A_27 : i32
    "tpu.region"() ({
      %run_scoped3A = tpu.sem_alloc : memref<!tpu.dma_semaphore, #tpu.memory_space<semaphore_mem>>
      %dma_start3A = arith.constant 0 : i32
      %dma_start3A_47 = tpu.memref_slice %arg3[%mul3A_28, %dma_start3A] : memref<2560x128xi32, #tpu.memory_space<hbm>> -> memref<80x128xi32, #tpu.memory_space<hbm>>
      %dma_start3A_48 = arith.constant 0 : i32
      %dma_start3A_49 = tpu.memref_slice %arg3[%mul3A_28, %dma_start3A_48] : memref<2560x128xi32, #tpu.memory_space<hbm>> -> memref<80x128xi32, #tpu.memory_space<hbm>>
      tpu.enqueue_dma source(%dma_start3A_49 : memref<80x128xi32, #tpu.memory_space<hbm>>) target(%arg6 : memref<80x128xi32, #tpu.memory_space<vmem>>) target_semaphore(%run_scoped3A : memref<!tpu.dma_semaphore, #tpu.memory_space<semaphore_mem>>)
      %dma_wait3A = arith.constant 0 : i32
      %dma_wait3A_50 = tpu.memref_slice %arg3[%mul3A_28, %dma_wait3A] : memref<2560x128xi32, #tpu.memory_space<hbm>> -> memref<80x128xi32, #tpu.memory_space<hbm>>
      %dma_wait3A_51 = arith.constant 0 : i32
      %dma_wait3A_52 = tpu.memref_slice %arg3[%mul3A_28, %dma_wait3A_51] : memref<2560x128xi32, #tpu.memory_space<hbm>> -> memref<80x128xi32, #tpu.memory_space<hbm>>
      tpu.wait_dma2 semaphore(%run_scoped3A : memref<!tpu.dma_semaphore, #tpu.memory_space<semaphore_mem>>) src(%dma_wait3A_52 : memref<80x128xi32, #tpu.memory_space<hbm>>) dst(%arg6 : memref<80x128xi32, #tpu.memory_space<vmem>>)
      tpu.yield
    }) : () -> ()
    %mul3A_29 = arith.constant 80 : i32
    %mul3A_30 = arith.muli %add3A, %mul3A_29 : i32
    "tpu.region"() ({
      %run_scoped3A = tpu.sem_alloc : memref<!tpu.dma_semaphore, #tpu.memory_space<semaphore_mem>>
      %dma_start3A = arith.constant 0 : i32
      %dma_start3A_47 = tpu.memref_slice %arg4[%mul3A_30, %dma_start3A] : memref<2560x128xi32, #tpu.memory_space<hbm>> -> memref<80x128xi32, #tpu.memory_space<hbm>>
      %dma_start3A_48 = arith.constant 0 : i32
      %dma_start3A_49 = tpu.memref_slice %arg4[%mul3A_30, %dma_start3A_48] : memref<2560x128xi32, #tpu.memory_space<hbm>> -> memref<80x128xi32, #tpu.memory_space<hbm>>
      tpu.enqueue_dma source(%dma_start3A_49 : memref<80x128xi32, #tpu.memory_space<hbm>>) target(%arg7 : memref<80x128xi32, #tpu.memory_space<vmem>>) target_semaphore(%run_scoped3A : memref<!tpu.dma_semaphore, #tpu.memory_space<semaphore_mem>>)
      %dma_wait3A = arith.constant 0 : i32
      %dma_wait3A_50 = tpu.memref_slice %arg4[%mul3A_30, %dma_wait3A] : memref<2560x128xi32, #tpu.memory_space<hbm>> -> memref<80x128xi32, #tpu.memory_space<hbm>>
      %dma_wait3A_51 = arith.constant 0 : i32
      %dma_wait3A_52 = tpu.memref_slice %arg4[%mul3A_30, %dma_wait3A_51] : memref<2560x128xi32, #tpu.memory_space<hbm>> -> memref<80x128xi32, #tpu.memory_space<hbm>>
      tpu.wait_dma2 semaphore(%run_scoped3A : memref<!tpu.dma_semaphore, #tpu.memory_space<semaphore_mem>>) src(%dma_wait3A_52 : memref<80x128xi32, #tpu.memory_space<hbm>>) dst(%arg7 : memref<80x128xi32, #tpu.memory_space<vmem>>)
      tpu.yield
    }) : () -> ()
    %barrier3A = arith.constant 0 : index
    tpu.barrier barrier_id(%barrier3A)
    %scan3A_31 = arith.constant 0 : i32
    %scan3A_32 = arith.constant 0 : i32
    %scan3A_33 = arith.constant 80 : i32
    %scan3A_34 = arith.addi %scan3A_32, %scan3A_33 : i32
    %scan3A_35 = arith.constant 1 : i32
    scf.for %scan3A_47 = %scan3A_32 to %scan3A_34 step %scan3A_35  : i32 {
      %dma_start3A = arith.constant 0 : i32
      %dma_start3A_48 = tpu.memref_slice %arg6[%scan3A_47, %dma_start3A] : memref<80x128xi32, #tpu.memory_space<vmem>> -> memref<1x128xi32, #tpu.memory_space<vmem>>
      %dma_start3A_49 = tpu.memref_squeeze %dma_start3A_48 : memref<1x128xi32, #tpu.memory_space<vmem>> -> memref<128xi32, #tpu.memory_space<vmem>>
      %dma_start3A_50 = arith.constant 0 : i32
      %dma_start3A_51 = arith.constant 0 : i32
      %dma_start3A_52 = tpu.memref_slice %arg2[%dma_start3A_50, %dma_start3A_51] : memref<10000x128xf32, #tpu.memory_space<hbm>> -> memref<10000x128xf32, #tpu.memory_space<hbm>>
      tpu.enqueue_indirect_dma source(%dma_start3A_52 : memref<10000x128xf32, #tpu.memory_space<hbm>>) target(%arg8 : memref<128x128xf32, #tpu.memory_space<vmem>>) offsets(%dma_start3A_49 : memref<128xi32, #tpu.memory_space<vmem>>) semaphore(%arg10 : memref<!tpu.dma_semaphore, #tpu.memory_space<semaphore_mem>>)
      %dma_wait3A = arith.constant 0 : i32
      %dma_wait3A_53 = tpu.memref_slice %arg6[%scan3A_47, %dma_wait3A] : memref<80x128xi32, #tpu.memory_space<vmem>> -> memref<1x128xi32, #tpu.memory_space<vmem>>
      %dma_wait3A_54 = tpu.memref_squeeze %dma_wait3A_53 : memref<1x128xi32, #tpu.memory_space<vmem>> -> memref<128xi32, #tpu.memory_space<vmem>>
      %dma_wait3A_55 = arith.constant 0 : i32
      %dma_wait3A_56 = arith.constant 0 : i32
      %dma_wait3A_57 = tpu.memref_slice %arg2[%dma_wait3A_55, %dma_wait3A_56] : memref<10000x128xf32, #tpu.memory_space<hbm>> -> memref<10000x128xf32, #tpu.memory_space<hbm>>
      tpu.wait_indirect_dma semaphore(%arg10 : memref<!tpu.dma_semaphore, #tpu.memory_space<semaphore_mem>>) src(%dma_wait3A_57 : memref<10000x128xf32, #tpu.memory_space<hbm>>) dst(%arg8 : memref<128x128xf32, #tpu.memory_space<vmem>>)
      "tpu.region"() ({
        %run_scoped3A = tpu.sem_alloc : memref<!tpu.dma_semaphore, #tpu.memory_space<semaphore_mem>>
        %dma_start3A_58 = arith.constant 0 : i32
        %dma_start3A_59 = tpu.memref_slice %arg7[%scan3A_47, %dma_start3A_58] : memref<80x128xi32, #tpu.memory_space<vmem>> -> memref<1x128xi32, #tpu.memory_space<vmem>>
        %dma_start3A_60 = tpu.memref_squeeze %dma_start3A_59 : memref<1x128xi32, #tpu.memory_space<vmem>> -> memref<128xi32, #tpu.memory_space<vmem>>
        %dma_start3A_61 = arith.constant 0 : i32
        %dma_start3A_62 = arith.constant 0 : i32
        %dma_start3A_63 = tpu.memref_slice %arg9[%dma_start3A_61, %dma_start3A_62] : memref<10240x128xf32, #tpu.memory_space<vmem_shared>> -> memref<10240x128xf32, #tpu.memory_space<vmem_shared>>
        tpu.enqueue_indirect_dma source(%arg8 : memref<128x128xf32, #tpu.memory_space<vmem>>) target(%dma_start3A_63 : memref<10240x128xf32, #tpu.memory_space<vmem_shared>>) offsets(%dma_start3A_60 : memref<128xi32, #tpu.memory_space<vmem>>) semaphore(%run_scoped3A : memref<!tpu.dma_semaphore, #tpu.memory_space<semaphore_mem>>) {add = true}
        %dma_wait3A_64 = arith.constant 0 : i32
        %dma_wait3A_65 = tpu.memref_slice %arg7[%scan3A_47, %dma_wait3A_64] : memref<80x128xi32, #tpu.memory_space<vmem>> -> memref<1x128xi32, #tpu.memory_space<vmem>>
        %dma_wait3A_66 = tpu.memref_squeeze %dma_wait3A_65 : memref<1x128xi32, #tpu.memory_space<vmem>> -> memref<128xi32, #tpu.memory_space<vmem>>
        %dma_wait3A_67 = arith.constant 0 : i32
        %dma_wait3A_68 = arith.constant 0 : i32
        %dma_wait3A_69 = tpu.memref_slice %arg9[%dma_wait3A_67, %dma_wait3A_68] : memref<10240x128xf32, #tpu.memory_space<vmem_shared>> -> memref<10240x128xf32, #tpu.memory_space<vmem_shared>>
        tpu.wait_indirect_dma semaphore(%run_scoped3A : memref<!tpu.dma_semaphore, #tpu.memory_space<semaphore_mem>>) src(%arg8 : memref<128x128xf32, #tpu.memory_space<vmem>>) dst(%dma_wait3A_69 : memref<10240x128xf32, #tpu.memory_space<vmem_shared>>)
        tpu.yield
      }) : () -> ()
    }
    %scan3A_36 = arith.constant 80 : i32
    %barrier3A_37 = arith.constant 0 : index
    tpu.barrier barrier_id(%barrier3A_37)
    %mul3A_38 = arith.constant 624 : i32
    %mul3A_39 = arith.muli %arg1, %mul3A_38 : i32
    %mul3A_40 = arith.constant 10000 : i32
    %mul3A_41 = arith.muli %arg0, %mul3A_40 : i32
    %mul3A_42 = arith.constant 624 : i32
    %mul3A_43 = arith.muli %arg1, %mul3A_42 : i32
    %add3A_44 = arith.addi %mul3A_41, %mul3A_43 : i32
    "tpu.region"() ({
      %run_scoped3A = tpu.sem_alloc : memref<!tpu.dma_semaphore, #tpu.memory_space<semaphore_mem>>
      %dma_start3A = arith.constant 0 : i32
      %dma_start3A_47 = tpu.memref_slice %arg5[%add3A_44, %dma_start3A] : memref<20000x128xf32, #tpu.memory_space<hbm>> -> memref<624x128xf32, #tpu.memory_space<hbm>>
      %dma_start3A_48 = arith.constant 0 : i32
      %dma_start3A_49 = tpu.memref_slice %arg9[%mul3A_39, %dma_start3A_48] : memref<10240x128xf32, #tpu.memory_space<vmem_shared>> -> memref<624x128xf32, #tpu.memory_space<vmem_shared>>
      tpu.enqueue_dma source(%dma_start3A_49 : memref<624x128xf32, #tpu.memory_space<vmem_shared>>) target(%dma_start3A_47 : memref<624x128xf32, #tpu.memory_space<hbm>>) target_semaphore(%run_scoped3A : memref<!tpu.dma_semaphore, #tpu.memory_space<semaphore_mem>>)
      %dma_wait3A = arith.constant 0 : i32
      %dma_wait3A_50 = tpu.memref_slice %arg5[%add3A_44, %dma_wait3A] : memref<20000x128xf32, #tpu.memory_space<hbm>> -> memref<624x128xf32, #tpu.memory_space<hbm>>
      %dma_wait3A_51 = arith.constant 0 : i32
      %dma_wait3A_52 = tpu.memref_slice %arg9[%mul3A_39, %dma_wait3A_51] : memref<10240x128xf32, #tpu.memory_space<vmem_shared>> -> memref<624x128xf32, #tpu.memory_space<vmem_shared>>
      tpu.wait_dma2 semaphore(%run_scoped3A : memref<!tpu.dma_semaphore, #tpu.memory_space<semaphore_mem>>) src(%dma_wait3A_52 : memref<624x128xf32, #tpu.memory_space<vmem_shared>>) dst(%dma_wait3A_50 : memref<624x128xf32, #tpu.memory_space<hbm>>)
      tpu.yield
    }) : () -> ()
    %eq3A = arith.constant 0 : i32
    %eq3A_45 = arith.cmpi eq, %arg1, %eq3A : i32
    %convert_element_type3A = arith.extui %eq3A_45 : i1 to i32
    %cond3A = arith.constant 0 : i32
    %cond3A_46 = arith.cmpi ne, %convert_element_type3A, %cond3A : i32
    scf.if %cond3A_46 {
      %mul3A_47 = arith.constant 10000 : i32
      %mul3A_48 = arith.muli %arg0, %mul3A_47 : i32
      %add3A_49 = arith.constant 9984 : i32
      %add3A_50 = arith.addi %mul3A_48, %add3A_49 : i32
      "tpu.region"() ({
        %run_scoped3A = tpu.sem_alloc : memref<!tpu.dma_semaphore, #tpu.memory_space<semaphore_mem>>
        %dma_start3A = arith.constant 0 : i32
        %dma_start3A_51 = tpu.memref_slice %arg5[%add3A_50, %dma_start3A] : memref<20000x128xf32, #tpu.memory_space<hbm>> -> memref<16x128xf32, #tpu.memory_space<hbm>>
        %dma_start3A_52 = arith.constant 9984 : i32
        %dma_start3A_53 = arith.constant 0 : i32
        %dma_start3A_54 = tpu.memref_slice %arg9[%dma_start3A_52, %dma_start3A_53] : memref<10240x128xf32, #tpu.memory_space<vmem_shared>> -> memref<16x128xf32, #tpu.memory_space<vmem_shared>>
        tpu.enqueue_dma source(%dma_start3A_54 : memref<16x128xf32, #tpu.memory_space<vmem_shared>>) target(%dma_start3A_51 : memref<16x128xf32, #tpu.memory_space<hbm>>) target_semaphore(%run_scoped3A : memref<!tpu.dma_semaphore, #tpu.memory_space<semaphore_mem>>)
        %dma_wait3A = arith.constant 0 : i32
        %dma_wait3A_55 = tpu.memref_slice %arg5[%add3A_50, %dma_wait3A] : memref<20000x128xf32, #tpu.memory_space<hbm>> -> memref<16x128xf32, #tpu.memory_space<hbm>>
        %dma_wait3A_56 = arith.constant 9984 : i32
        %dma_wait3A_57 = arith.constant 0 : i32
        %dma_wait3A_58 = tpu.memref_slice %arg9[%dma_wait3A_56, %dma_wait3A_57] : memref<10240x128xf32, #tpu.memory_space<vmem_shared>> -> memref<16x128xf32, #tpu.memory_space<vmem_shared>>
        tpu.wait_dma2 semaphore(%run_scoped3A : memref<!tpu.dma_semaphore, #tpu.memory_space<semaphore_mem>>) src(%dma_wait3A_58 : memref<16x128xf32, #tpu.memory_space<vmem_shared>>) dst(%dma_wait3A_55 : memref<16x128xf32, #tpu.memory_space<hbm>>)
        tpu.yield
      }) : () -> ()
    } else {
    }
    return
  }
}

module attributes {stable_mosaic.version = 14 : i64} {
  func.func @_lin0_body(%arg0: i32, %arg1: memref<1000x128xf32, #tpu.memory_space<vmem>>, %arg2: memref<128x128xf32, #tpu.memory_space<vmem>>, %arg3: memref<1x128xf32, #tpu.memory_space<vmem>>, %arg4: memref<1000x128xf32, #tpu.memory_space<vmem>>) attributes {dimension_semantics = [#tpu.dimension_semantics<arbitrary>], iteration_bounds = array<i64: 10>, scalar_prefetch = 0 : i64, scratch_operands = 0 : i64, tpu.core_type = #tpu.core_type<tc>, window_params = [{transform_indices = @transform_0, window_bounds = array<i64: 1000, 128>}, {pipeline_mode = #tpu.pipeline_mode<synchronous>, transform_indices = @transform_1, window_bounds = array<i64: 128, 128>}, {pipeline_mode = #tpu.pipeline_mode<synchronous>, transform_indices = @transform_2, window_bounds = array<i64: 1, 128>}, {transform_indices = @transform_3, window_bounds = array<i64: 1000, 128>}]} {
    %get3A = arith.constant 0 : index
    %get3A_0 = arith.constant 0 : index
    %get3A_1 = vector.load %arg1[%get3A, %get3A_0] : memref<1000x128xf32, #tpu.memory_space<vmem>>, vector<1000x128xf32>
    %get3A_2 = arith.constant 0 : index
    %get3A_3 = arith.constant 0 : index
    %get3A_4 = vector.load %arg2[%get3A_2, %get3A_3] : memref<128x128xf32, #tpu.memory_space<vmem>>, vector<128x128xf32>
    %dot_general3A = arith.constant dense<0.000000e+00> : vector<1000x128xf32>
    %dot_general3A_5 = tpu.matmul %get3A_1, %get3A_4, %dot_general3A {dimension_numbers = #tpu.dot_dimension_numbers<[1], [0], [0], [1], [0, 0, 1, 1], [], []>, transpose_lhs_hint = false} : vector<1000x128xf32>, vector<128x128xf32>, vector<1000x128xf32> -> vector<1000x128xf32>
    %get3A_6 = arith.constant 0 : index
    %get3A_7 = arith.constant 0 : index
    %get3A_8 = vector.load %arg3[%get3A_6, %get3A_7] : memref<1x128xf32, #tpu.memory_space<vmem>>, vector<1x128xf32>
    %add3A = vector.broadcast %get3A_8 : vector<1x128xf32> to vector<1000x128xf32>
    %add3A_9 = arith.addf %dot_general3A_5, %add3A : vector<1000x128xf32>
    %swap3A = arith.constant 0 : index
    %swap3A_10 = arith.constant 0 : index
    %swap3A_11 = vector.load %arg4[%swap3A, %swap3A_10] : memref<1000x128xf32, #tpu.memory_space<vmem>>, vector<1000x128xf32>
    tpu.vector_store %arg4[%swap3A, %swap3A_10], %add3A_9 {strides = array<i32>} : memref<1000x128xf32, #tpu.memory_space<vmem>>, vector<1000x128xf32>,
    return
  }
  func.func @transform_0(%arg0: i32) -> (i32, i32) {
    %c0_i32 = arith.constant 0 : i32
    %c0_i32_0 = arith.constant 0 : i32
    return %arg0, %c0_i32 : i32, i32
  }
  func.func @transform_1(%arg0: i32) -> (i32, i32) {
    %c0_i32 = arith.constant 0 : i32
    %c0_i32_0 = arith.constant 0 : i32
    %c0_i32_1 = arith.constant 0 : i32
    return %c0_i32, %c0_i32_0 : i32, i32
  }
  func.func @transform_2(%arg0: i32) -> (i32, i32) {
    %c0_i32 = arith.constant 0 : i32
    %c0_i32_0 = arith.constant 0 : i32
    %c0_i32_1 = arith.constant 0 : i32
    return %c0_i32, %c0_i32_0 : i32, i32
  }
  func.func @transform_3(%arg0: i32) -> (i32, i32) {
    %c0_i32 = arith.constant 0 : i32
    %c0_i32_0 = arith.constant 0 : i32
    return %arg0, %c0_i32 : i32, i32
  }
}

module attributes {stable_mosaic.version = 14 : i64} {
  func.func @_add2_body(%arg0: i32, %arg1: memref<1000x128xf32, #tpu.memory_space<vmem>>, %arg2: memref<1000x128xf32, #tpu.memory_space<vmem>>, %arg3: memref<1000x128xf32, #tpu.memory_space<vmem>>) attributes {dimension_semantics = [#tpu.dimension_semantics<arbitrary>], iteration_bounds = array<i64: 10>, scalar_prefetch = 0 : i64, scratch_operands = 0 : i64, tpu.core_type = #tpu.core_type<tc>, window_params = [{transform_indices = @transform_0, window_bounds = array<i64: 1000, 128>}, {transform_indices = @transform_1, window_bounds = array<i64: 1000, 128>}, {transform_indices = @transform_2, window_bounds = array<i64: 1000, 128>}]} {
    %get3A = arith.constant 0 : index
    %get3A_0 = arith.constant 0 : index
    %get3A_1 = vector.load %arg1[%get3A, %get3A_0] : memref<1000x128xf32, #tpu.memory_space<vmem>>, vector<1000x128xf32>
    %get3A_2 = arith.constant 0 : index
    %get3A_3 = arith.constant 0 : index
    %get3A_4 = vector.load %arg2[%get3A_2, %get3A_3] : memref<1000x128xf32, #tpu.memory_space<vmem>>, vector<1000x128xf32>
    %add3A = arith.addf %get3A_1, %get3A_4 : vector<1000x128xf32>
    %swap3A = arith.constant 0 : index
    %swap3A_5 = arith.constant 0 : index
    %swap3A_6 = vector.load %arg3[%swap3A, %swap3A_5] : memref<1000x128xf32, #tpu.memory_space<vmem>>, vector<1000x128xf32>
    tpu.vector_store %arg3[%swap3A, %swap3A_5], %add3A {strides = array<i32>} : memref<1000x128xf32, #tpu.memory_space<vmem>>, vector<1000x128xf32>,
    return
  }
  func.func @transform_0(%arg0: i32) -> (i32, i32) {
    %c0_i32 = arith.constant 0 : i32
    %c0_i32_0 = arith.constant 0 : i32
    return %arg0, %c0_i32 : i32, i32
  }
  func.func @transform_1(%arg0: i32) -> (i32, i32) {
    %add3A = arith.constant 10 : i32
    %add3A_0 = arith.addi %arg0, %add3A : i32
    %c0_i32 = arith.constant 0 : i32
    %c0_i32_1 = arith.constant 0 : i32
    return %add3A_0, %c0_i32 : i32, i32
  }
  func.func @transform_2(%arg0: i32) -> (i32, i32) {
    %c0_i32 = arith.constant 0 : i32
    %c0_i32_0 = arith.constant 0 : i32
    return %arg0, %c0_i32 : i32, i32
  }
}

module attributes {stable_mosaic.version = 14 : i64} {
  func.func @_out_body(%arg0: i32, %arg1: memref<1000x128xf32, #tpu.memory_space<vmem>>, %arg2: memref<1000x128xf32, #tpu.memory_space<vmem>>, %arg3: memref<128x128xf32, #tpu.memory_space<vmem>>, %arg4: memref<1x128xf32, #tpu.memory_space<vmem>>, %arg5: memref<128x128xf32, #tpu.memory_space<vmem>>, %arg6: memref<1x128xf32, #tpu.memory_space<vmem>>, %arg7: memref<1000x128xf32, #tpu.memory_space<vmem>>) attributes {dimension_semantics = [#tpu.dimension_semantics<arbitrary>], iteration_bounds = array<i64: 10>, scalar_prefetch = 0 : i64, scratch_operands = 0 : i64, tpu.core_type = #tpu.core_type<tc>, window_params = [{transform_indices = @transform_0, window_bounds = array<i64: 1000, 128>}, {transform_indices = @transform_1, window_bounds = array<i64: 1000, 128>}, {pipeline_mode = #tpu.pipeline_mode<synchronous>, transform_indices = @transform_2, window_bounds = array<i64: 128, 128>}, {pipeline_mode = #tpu.pipeline_mode<synchronous>, transform_indices = @transform_3, window_bounds = array<i64: 1, 128>}, {pipeline_mode = #tpu.pipeline_mode<synchronous>, transform_indices = @transform_4, window_bounds = array<i64: 128, 128>}, {pipeline_mode = #tpu.pipeline_mode<synchronous>, transform_indices = @transform_5, window_bounds = array<i64: 1, 128>}, {transform_indices = @transform_6, window_bounds = array<i64: 1000, 128>}]} {
    %get3A = arith.constant 0 : index
    %get3A_0 = arith.constant 0 : index
    %get3A_1 = vector.load %arg1[%get3A, %get3A_0] : memref<1000x128xf32, #tpu.memory_space<vmem>>, vector<1000x128xf32>
    %get3A_2 = arith.constant 0 : index
    %get3A_3 = arith.constant 0 : index
    %get3A_4 = vector.load %arg2[%get3A_2, %get3A_3] : memref<1000x128xf32, #tpu.memory_space<vmem>>, vector<1000x128xf32>
    %add3A = arith.addf %get3A_1, %get3A_4 : vector<1000x128xf32>
    %max3A = arith.constant 0.000000e+00 : f32
    %max3A_5 = vector.broadcast %max3A : f32 to vector<1000x128xf32>
    %max3A_6 = arith.maximumf %add3A, %max3A_5 : vector<1000x128xf32>
    %get3A_7 = arith.constant 0 : index
    %get3A_8 = arith.constant 0 : index
    %get3A_9 = vector.load %arg3[%get3A_7, %get3A_8] : memref<128x128xf32, #tpu.memory_space<vmem>>, vector<128x128xf32>
    %dot_general3A = arith.constant dense<0.000000e+00> : vector<1000x128xf32>
    %dot_general3A_10 = tpu.matmul %max3A_6, %get3A_9, %dot_general3A {dimension_numbers = #tpu.dot_dimension_numbers<[1], [0], [0], [1], [0, 0, 1, 1], [], []>, transpose_lhs_hint = false} : vector<1000x128xf32>, vector<128x128xf32>, vector<1000x128xf32> -> vector<1000x128xf32>
    %get3A_11 = arith.constant 0 : index
    %get3A_12 = arith.constant 0 : index
    %get3A_13 = vector.load %arg4[%get3A_11, %get3A_12] : memref<1x128xf32, #tpu.memory_space<vmem>>, vector<1x128xf32>
    %add3A_14 = vector.broadcast %get3A_13 : vector<1x128xf32> to vector<1000x128xf32>
    %add3A_15 = arith.addf %dot_general3A_10, %add3A_14 : vector<1000x128xf32>
    %max3A_16 = arith.constant 0.000000e+00 : f32
    %max3A_17 = vector.broadcast %max3A_16 : f32 to vector<1000x128xf32>
    %max3A_18 = arith.maximumf %add3A_15, %max3A_17 : vector<1000x128xf32>
    %get3A_19 = arith.constant 0 : index
    %get3A_20 = arith.constant 0 : index
    %get3A_21 = vector.load %arg5[%get3A_19, %get3A_20] : memref<128x128xf32, #tpu.memory_space<vmem>>, vector<128x128xf32>
    %dot_general3A_22 = arith.constant dense<0.000000e+00> : vector<1000x128xf32>
    %dot_general3A_23 = tpu.matmul %max3A_18, %get3A_21, %dot_general3A_22 {dimension_numbers = #tpu.dot_dimension_numbers<[1], [0], [0], [1], [0, 0, 1, 1], [], []>, transpose_lhs_hint = false} : vector<1000x128xf32>, vector<128x128xf32>, vector<1000x128xf32> -> vector<1000x128xf32>
    %get3A_24 = arith.constant 0 : index
    %get3A_25 = arith.constant 0 : index
    %get3A_26 = vector.load %arg6[%get3A_24, %get3A_25] : memref<1x128xf32, #tpu.memory_space<vmem>>, vector<1x128xf32>
    %add3A_27 = vector.broadcast %get3A_26 : vector<1x128xf32> to vector<1000x128xf32>
    %add3A_28 = arith.addf %dot_general3A_23, %add3A_27 : vector<1000x128xf32>
    %swap3A = arith.constant 0 : index
    %swap3A_29 = arith.constant 0 : index
    %swap3A_30 = vector.load %arg7[%swap3A, %swap3A_29] : memref<1000x128xf32, #tpu.memory_space<vmem>>, vector<1000x128xf32>
    tpu.vector_store %arg7[%swap3A, %swap3A_29], %add3A_28 {strides = array<i32>} : memref<1000x128xf32, #tpu.memory_space<vmem>>, vector<1000x128xf32>,
    return
  }
  func.func @transform_0(%arg0: i32) -> (i32, i32) {
    %c0_i32 = arith.constant 0 : i32
    %c0_i32_0 = arith.constant 0 : i32
    return %arg0, %c0_i32 : i32, i32
  }
  func.func @transform_1(%arg0: i32) -> (i32, i32) {
    %c0_i32 = arith.constant 0 : i32
    %c0_i32_0 = arith.constant 0 : i32
    return %arg0, %c0_i32 : i32, i32
  }
  func.func @transform_2(%arg0: i32) -> (i32, i32) {
    %c0_i32 = arith.constant 0 : i32
    %c0_i32_0 = arith.constant 0 : i32
    %c0_i32_1 = arith.constant 0 : i32
    return %c0_i32, %c0_i32_0 : i32, i32
  }
  func.func @transform_3(%arg0: i32) -> (i32, i32) {
    %c0_i32 = arith.constant 0 : i32
    %c0_i32_0 = arith.constant 0 : i32
    %c0_i32_1 = arith.constant 0 : i32
    return %c0_i32, %c0_i32_0 : i32, i32
  }
  func.func @transform_4(%arg0: i32) -> (i32, i32) {
    %c0_i32 = arith.constant 0 : i32
    %c0_i32_0 = arith.constant 0 : i32
    %c0_i32_1 = arith.constant 0 : i32
    return %c0_i32, %c0_i32_0 : i32, i32
  }
  func.func @transform_5(%arg0: i32) -> (i32, i32) {
    %c0_i32 = arith.constant 0 : i32
    %c0_i32_0 = arith.constant 0 : i32
    %c0_i32_1 = arith.constant 0 : i32
    return %c0_i32, %c0_i32_0 : i32, i32
  }
  func.func @transform_6(%arg0: i32) -> (i32, i32) {
    %c0_i32 = arith.constant 0 : i32
    %c0_i32_0 = arith.constant 0 : i32
    return %arg0, %c0_i32 : i32, i32
  }
}

module attributes {stable_mosaic.version = 14 : i64} {
  func.func @_stats_body(%arg0: memref<10000x128xf32, #tpu.memory_space<vmem>>, %arg1: memref<8x128xf32, #tpu.memory_space<vmem>>) attributes {dimension_semantics = [], scalar_prefetch = 0 : i64, scratch_operands = 0 : i64, tpu.core_type = #tpu.core_type<tc>} {
    %get3A = arith.constant 0 : index
    %get3A_0 = arith.constant 0 : index
    %get3A_1 = vector.load %arg0[%get3A, %get3A_0] : memref<10000x128xf32, #tpu.memory_space<vmem>>, vector<10000x128xf32>
    %reduce_sum3A = arith.constant dense<0.000000e+00> : vector<128xf32>
    %reduce_sum3A_2 = vector.multi_reduction <add>, %get3A_1, %reduce_sum3A [0] : vector<10000x128xf32> to vector<128xf32>
    %broadcast_in_dim3A = vector.shape_cast %reduce_sum3A_2 : vector<128xf32> to vector<1x128xf32>
    %mul3A = arith.constant 9.99999974E-5 : f32
    %mul3A_3 = vector.broadcast %mul3A : f32 to vector<1x128xf32>
    %mul3A_4 = arith.mulf %broadcast_in_dim3A, %mul3A_3 : vector<1x128xf32>
    %get3A_5 = arith.constant 0 : index
    %get3A_6 = arith.constant 0 : index
    %get3A_7 = vector.load %arg0[%get3A_5, %get3A_6] : memref<10000x128xf32, #tpu.memory_space<vmem>>, vector<10000x128xf32>
    %sub3A = vector.broadcast %mul3A_4 : vector<1x128xf32> to vector<10000x128xf32>
    %sub3A_8 = arith.subf %get3A_7, %sub3A : vector<10000x128xf32>
    %mul3A_9 = arith.mulf %sub3A_8, %sub3A_8 : vector<10000x128xf32>
    %reduce_sum3A_10 = arith.constant dense<0.000000e+00> : vector<128xf32>
    %reduce_sum3A_11 = vector.multi_reduction <add>, %mul3A_9, %reduce_sum3A_10 [0] : vector<10000x128xf32> to vector<128xf32>
    %broadcast_in_dim3A_12 = vector.shape_cast %reduce_sum3A_11 : vector<128xf32> to vector<1x128xf32>
    %div3A = arith.constant 1.000000e+04 : f32
    %div3A_13 = vector.broadcast %div3A : f32 to vector<1x128xf32>
    %div3A_14 = arith.divf %broadcast_in_dim3A_12, %div3A_13 : vector<1x128xf32>
    %swap3A = arith.constant 0 : index
    %swap3A_15 = arith.constant 0 : index
    %swap3A_16 = vector.load %arg1[%swap3A, %swap3A_15] : memref<8x128xf32, #tpu.memory_space<vmem>>, vector<1x128xf32>
    tpu.vector_store %arg1[%swap3A, %swap3A_15], %mul3A_4 {strides = array<i32>} : memref<8x128xf32, #tpu.memory_space<vmem>>, vector<1x128xf32>,
    %swap3A_17 = arith.constant 1 : index
    %swap3A_18 = arith.constant 0 : index
    %swap3A_19 = vector.load %arg1[%swap3A_17, %swap3A_18] : memref<8x128xf32, #tpu.memory_space<vmem>>, vector<1x128xf32>
    tpu.vector_store %arg1[%swap3A_17, %swap3A_18], %div3A_14 {strides = array<i32>} : memref<8x128xf32, #tpu.memory_space<vmem>>, vector<1x128xf32>,
    return
  }
}

module attributes {stable_mosaic.version = 14 : i64} {
  func.func @_bnlin_body(%arg0: i32, %arg1: memref<1000x128xf32, #tpu.memory_space<vmem>>, %arg2: memref<8x128xf32, #tpu.memory_space<vmem>>, %arg3: memref<128x128xf32, #tpu.memory_space<vmem>>, %arg4: memref<1x128xf32, #tpu.memory_space<vmem>>, %arg5: memref<1000x128xf32, #tpu.memory_space<vmem>>) attributes {dimension_semantics = [#tpu.dimension_semantics<arbitrary>], iteration_bounds = array<i64: 10>, scalar_prefetch = 0 : i64, scratch_operands = 0 : i64, tpu.core_type = #tpu.core_type<tc>, window_params = [{transform_indices = @transform_0, window_bounds = array<i64: 1000, 128>}, {pipeline_mode = #tpu.pipeline_mode<synchronous>, transform_indices = @transform_1, window_bounds = array<i64: 8, 128>}, {pipeline_mode = #tpu.pipeline_mode<synchronous>, transform_indices = @transform_2, window_bounds = array<i64: 128, 128>}, {pipeline_mode = #tpu.pipeline_mode<synchronous>, transform_indices = @transform_3, window_bounds = array<i64: 1, 128>}, {transform_indices = @transform_4, window_bounds = array<i64: 1000, 128>}]} {
    %get3A = arith.constant 0 : index
    %get3A_0 = arith.constant 0 : index
    %get3A_1 = vector.load %arg1[%get3A, %get3A_0] : memref<1000x128xf32, #tpu.memory_space<vmem>>, vector<1000x128xf32>
    %get3A_2 = arith.constant 0 : index
    %get3A_3 = arith.constant 0 : index
    %get3A_4 = vector.load %arg2[%get3A_2, %get3A_3] : memref<8x128xf32, #tpu.memory_space<vmem>>, vector<1x128xf32>
    %sub3A = vector.broadcast %get3A_4 : vector<1x128xf32> to vector<1000x128xf32>
    %sub3A_5 = arith.subf %get3A_1, %sub3A : vector<1000x128xf32>
    %get3A_6 = arith.constant 1 : index
    %get3A_7 = arith.constant 0 : index
    %get3A_8 = vector.load %arg2[%get3A_6, %get3A_7] : memref<8x128xf32, #tpu.memory_space<vmem>>, vector<1x128xf32>
    %add3A = arith.constant 9.99999974E-6 : f32
    %add3A_9 = vector.broadcast %add3A : f32 to vector<1x128xf32>
    %add3A_10 = arith.addf %get3A_8, %add3A_9 : vector<1x128xf32>
    %sqrt3A = math.sqrt %add3A_10 : vector<1x128xf32>
    %div3A = vector.broadcast %sqrt3A : vector<1x128xf32> to vector<1000x128xf32>
    %div3A_11 = arith.divf %sub3A_5, %div3A : vector<1000x128xf32>
    %max3A = arith.constant 0.000000e+00 : f32
    %max3A_12 = vector.broadcast %max3A : f32 to vector<1000x128xf32>
    %max3A_13 = arith.maximumf %div3A_11, %max3A_12 : vector<1000x128xf32>
    %get3A_14 = arith.constant 0 : index
    %get3A_15 = arith.constant 0 : index
    %get3A_16 = vector.load %arg3[%get3A_14, %get3A_15] : memref<128x128xf32, #tpu.memory_space<vmem>>, vector<128x128xf32>
    %dot_general3A = arith.constant dense<0.000000e+00> : vector<1000x128xf32>
    %dot_general3A_17 = tpu.matmul %max3A_13, %get3A_16, %dot_general3A {dimension_numbers = #tpu.dot_dimension_numbers<[1], [0], [0], [1], [0, 0, 1, 1], [], []>, transpose_lhs_hint = false} : vector<1000x128xf32>, vector<128x128xf32>, vector<1000x128xf32> -> vector<1000x128xf32>
    %get3A_18 = arith.constant 0 : index
    %get3A_19 = arith.constant 0 : index
    %get3A_20 = vector.load %arg4[%get3A_18, %get3A_19] : memref<1x128xf32, #tpu.memory_space<vmem>>, vector<1x128xf32>
    %add3A_21 = vector.broadcast %get3A_20 : vector<1x128xf32> to vector<1000x128xf32>
    %add3A_22 = arith.addf %dot_general3A_17, %add3A_21 : vector<1000x128xf32>
    %swap3A = arith.constant 0 : index
    %swap3A_23 = arith.constant 0 : index
    %swap3A_24 = vector.load %arg5[%swap3A, %swap3A_23] : memref<1000x128xf32, #tpu.memory_space<vmem>>, vector<1000x128xf32>
    tpu.vector_store %arg5[%swap3A, %swap3A_23], %add3A_22 {strides = array<i32>} : memref<1000x128xf32, #tpu.memory_space<vmem>>, vector<1000x128xf32>,
    return
  }
  func.func @transform_0(%arg0: i32) -> (i32, i32) {
    %c0_i32 = arith.constant 0 : i32
    %c0_i32_0 = arith.constant 0 : i32
    return %arg0, %c0_i32 : i32, i32
  }
  func.func @transform_1(%arg0: i32) -> (i32, i32) {
    %c0_i32 = arith.constant 0 : i32
    %c0_i32_0 = arith.constant 0 : i32
    %c0_i32_1 = arith.constant 0 : i32
    return %c0_i32, %c0_i32_0 : i32, i32
  }
  func.func @transform_2(%arg0: i32) -> (i32, i32) {
    %c0_i32 = arith.constant 0 : i32
    %c0_i32_0 = arith.constant 0 : i32
    %c0_i32_1 = arith.constant 0 : i32
    return %c0_i32, %c0_i32_0 : i32, i32
  }
  func.func @transform_3(%arg0: i32) -> (i32, i32) {
    %c0_i32 = arith.constant 0 : i32
    %c0_i32_0 = arith.constant 0 : i32
    %c0_i32_1 = arith.constant 0 : i32
    return %c0_i32, %c0_i32_0 : i32, i32
  }
  func.func @transform_4(%arg0: i32) -> (i32, i32) {
    %c0_i32 = arith.constant 0 : i32
    %c0_i32_0 = arith.constant 0 : i32
    return %arg0, %c0_i32 : i32, i32
  }
}

module attributes {stable_mosaic.version = 14 : i64} {
  func.func @_pool_body(%arg0: i32, %arg1: memref<1000x128xf32, #tpu.memory_space<vmem>>, %arg2: memref<8x128xf32, #tpu.memory_space<vmem>>, %arg3: memref<1x1x1000xi32, #tpu.memory_space<vmem>>, %arg4: memref<128x10xf32, #tpu.memory_space<vmem>>, %arg5: memref<1x10xf32, #tpu.memory_space<vmem>>, %arg6: memref<64x10xf32, #tpu.memory_space<vmem>>, %arg7: memref<64x128xf32, #tpu.memory_space<vmem>>, %arg8: memref<64x128xf32, #tpu.memory_space<vmem>>) attributes {dimension_semantics = [#tpu.dimension_semantics<arbitrary>], iteration_bounds = array<i64: 10>, scalar_prefetch = 0 : i64, scratch_operands = 2 : i64, tpu.core_type = #tpu.core_type<tc>, window_params = [{transform_indices = @transform_0, window_bounds = array<i64: 1000, 128>}, {pipeline_mode = #tpu.pipeline_mode<synchronous>, transform_indices = @transform_1, window_bounds = array<i64: 8, 128>}, {transform_indices = @transform_2, window_bounds = array<i64: 1, 1, 1000>}, {pipeline_mode = #tpu.pipeline_mode<synchronous>, transform_indices = @transform_3, window_bounds = array<i64: 128, 10>}, {pipeline_mode = #tpu.pipeline_mode<synchronous>, transform_indices = @transform_4, window_bounds = array<i64: 1, 10>}, {pipeline_mode = #tpu.pipeline_mode<synchronous>, transform_indices = @transform_5, window_bounds = array<i64: 64, 10>}]} {
    %get3A = arith.constant 0 : index
    %get3A_0 = arith.constant 0 : index
    %get3A_1 = vector.load %arg1[%get3A, %get3A_0] : memref<1000x128xf32, #tpu.memory_space<vmem>>, vector<1000x128xf32>
    %get3A_2 = arith.constant 0 : index
    %get3A_3 = arith.constant 0 : index
    %get3A_4 = vector.load %arg2[%get3A_2, %get3A_3] : memref<8x128xf32, #tpu.memory_space<vmem>>, vector<1x128xf32>
    %sub3A = vector.broadcast %get3A_4 : vector<1x128xf32> to vector<1000x128xf32>
    %sub3A_5 = arith.subf %get3A_1, %sub3A : vector<1000x128xf32>
    %get3A_6 = arith.constant 1 : index
    %get3A_7 = arith.constant 0 : index
    %get3A_8 = vector.load %arg2[%get3A_6, %get3A_7] : memref<8x128xf32, #tpu.memory_space<vmem>>, vector<1x128xf32>
    %add3A = arith.constant 9.99999974E-6 : f32
    %add3A_9 = vector.broadcast %add3A : f32 to vector<1x128xf32>
    %add3A_10 = arith.addf %get3A_8, %add3A_9 : vector<1x128xf32>
    %sqrt3A = math.sqrt %add3A_10 : vector<1x128xf32>
    %div3A = vector.broadcast %sqrt3A : vector<1x128xf32> to vector<1000x128xf32>
    %div3A_11 = arith.divf %sub3A_5, %div3A : vector<1000x128xf32>
    %get3A_12 = arith.constant 0 : index
    %get3A_13 = arith.constant 0 : index
    %get3A_14 = arith.constant 0 : index
    %get3A_15 = vector.load %arg3[%get3A_12, %get3A_13, %get3A_14] : memref<1x1x1000xi32, #tpu.memory_space<vmem>>, vector<1x1x1000xi32>
    %get3A_16 = vector.shape_cast %get3A_15 : vector<1x1x1000xi32> to vector<1000xi32>
    %iota3A = tpu.iota {dimensions = array<i32: 0>} : vector<64x1000xi32>
    %broadcast_in_dim3A = vector.shape_cast %get3A_16 : vector<1000xi32> to vector<1x1000xi32>
    %eq3A = vector.broadcast %broadcast_in_dim3A : vector<1x1000xi32> to vector<64x1000xi32>
    %eq3A_17 = arith.cmpi eq, %eq3A, %iota3A : vector<64x1000xi32>
    %convert_element_type3A = arith.extui %eq3A_17 : vector<64x1000xi1> to vector<64x1000xi32>
    %convert_element_type3A_18 = arith.sitofp %convert_element_type3A : vector<64x1000xi32> to vector<64x1000xf32>
    %eq3A_19 = arith.constant 0 : i32
    %eq3A_20 = arith.cmpi eq, %arg0, %eq3A_19 : i32
    %convert_element_type3A_21 = arith.extui %eq3A_20 : i1 to i32
    %cond3A = arith.constant 0 : i32
    %cond3A_22 = arith.cmpi ne, %convert_element_type3A_21, %cond3A : i32
    scf.if %cond3A_22 {
      %broadcast_in_dim3A_46 = arith.constant 0.000000e+00 : f32
      %broadcast_in_dim3A_47 = vector.broadcast %broadcast_in_dim3A_46 : f32 to vector<64x128xf32>
      %swap3A_48 = arith.constant 0 : index
      %swap3A_49 = arith.constant 0 : index
      %swap3A_50 = vector.load %arg7[%swap3A_48, %swap3A_49] : memref<64x128xf32, #tpu.memory_space<vmem>>, vector<64x128xf32>
      tpu.vector_store %arg7[%swap3A_48, %swap3A_49], %broadcast_in_dim3A_47 {strides = array<i32>} : memref<64x128xf32, #tpu.memory_space<vmem>>, vector<64x128xf32>,
      %broadcast_in_dim3A_51 = arith.constant 0.000000e+00 : f32
      %broadcast_in_dim3A_52 = vector.broadcast %broadcast_in_dim3A_51 : f32 to vector<64x128xf32>
      %swap3A_53 = arith.constant 0 : index
      %swap3A_54 = arith.constant 0 : index
      %swap3A_55 = vector.load %arg8[%swap3A_53, %swap3A_54] : memref<64x128xf32, #tpu.memory_space<vmem>>, vector<64x128xf32>
      tpu.vector_store %arg8[%swap3A_53, %swap3A_54], %broadcast_in_dim3A_52 {strides = array<i32>} : memref<64x128xf32, #tpu.memory_space<vmem>>, vector<64x128xf32>,
    } else {
    }
    %get3A_23 = arith.constant 0 : index
    %get3A_24 = arith.constant 0 : index
    %get3A_25 = vector.load %arg7[%get3A_23, %get3A_24] : memref<64x128xf32, #tpu.memory_space<vmem>>, vector<64x128xf32>
    %dot_general3A = arith.constant dense<0.000000e+00> : vector<64x128xf32>
    %dot_general3A_26 = tpu.matmul %convert_element_type3A_18, %div3A_11, %dot_general3A {dimension_numbers = #tpu.dot_dimension_numbers<[1], [0], [0], [1], [0, 0, 1, 1], [], []>, precision = #tpu.contract_precision<fp32>, transpose_lhs_hint = false} : vector<64x1000xf32>, vector<1000x128xf32>, vector<64x128xf32> -> vector<64x128xf32>
    %add3A_27 = arith.addf %get3A_25, %dot_general3A_26 : vector<64x128xf32>
    %swap3A = arith.constant 0 : index
    %swap3A_28 = arith.constant 0 : index
    %swap3A_29 = vector.load %arg7[%swap3A, %swap3A_28] : memref<64x128xf32, #tpu.memory_space<vmem>>, vector<64x128xf32>
    tpu.vector_store %arg7[%swap3A, %swap3A_28], %add3A_27 {strides = array<i32>} : memref<64x128xf32, #tpu.memory_space<vmem>>, vector<64x128xf32>,
    %get3A_30 = arith.constant 0 : index
    %get3A_31 = arith.constant 0 : index
    %get3A_32 = vector.load %arg8[%get3A_30, %get3A_31] : memref<64x128xf32, #tpu.memory_space<vmem>>, vector<64x128xf32>
    %broadcast_in_dim3A_33 = arith.constant 1.000000e+00 : f32
    %broadcast_in_dim3A_34 = vector.broadcast %broadcast_in_dim3A_33 : f32 to vector<1000x128xf32>
    %dot_general3A_35 = arith.constant dense<0.000000e+00> : vector<64x128xf32>
    %dot_general3A_36 = tpu.matmul %convert_element_type3A_18, %broadcast_in_dim3A_34, %dot_general3A_35 {dimension_numbers = #tpu.dot_dimension_numbers<[1], [0], [0], [1], [0, 0, 1, 1], [], []>, precision = #tpu.contract_precision<fp32>, transpose_lhs_hint = false} : vector<64x1000xf32>, vector<1000x128xf32>, vector<64x128xf32> -> vector<64x128xf32>
    %add3A_37 = arith.addf %get3A_32, %dot_general3A_36 : vector<64x128xf32>
    %swap3A_38 = arith.constant 0 : index
    %swap3A_39 = arith.constant 0 : index
    %swap3A_40 = vector.load %arg8[%swap3A_38, %swap3A_39] : memref<64x128xf32, #tpu.memory_space<vmem>>, vector<64x128xf32>
    tpu.vector_store %arg8[%swap3A_38, %swap3A_39], %add3A_37 {strides = array<i32>} : memref<64x128xf32, #tpu.memory_space<vmem>>, vector<64x128xf32>,
    %eq3A_41 = arith.constant 9 : i32
    %eq3A_42 = arith.cmpi eq, %arg0, %eq3A_41 : i32
    %convert_element_type3A_43 = arith.extui %eq3A_42 : i1 to i32
    %cond3A_44 = arith.constant 0 : i32
    %cond3A_45 = arith.cmpi ne, %convert_element_type3A_43, %cond3A_44 : i32
    scf.if %cond3A_45 {
      %get3A_46 = arith.constant 0 : index
      %get3A_47 = arith.constant 0 : index
      %get3A_48 = vector.load %arg7[%get3A_46, %get3A_47] : memref<64x128xf32, #tpu.memory_space<vmem>>, vector<64x128xf32>
      %get3A_49 = arith.constant 0 : index
      %get3A_50 = arith.constant 0 : index
      %get3A_51 = vector.load %arg8[%get3A_49, %get3A_50] : memref<64x128xf32, #tpu.memory_space<vmem>>, vector<64x128xf32>
      %max3A = arith.constant 1.000000e+00 : f32
      %max3A_52 = vector.broadcast %max3A : f32 to vector<64x128xf32>
      %max3A_53 = arith.maximumf %get3A_51, %max3A_52 : vector<64x128xf32>
      %div3A_54 = arith.divf %get3A_48, %max3A_53 : vector<64x128xf32>
      %get3A_55 = arith.constant 0 : index
      %get3A_56 = arith.constant 0 : index
      %get3A_57 = vector.load %arg4[%get3A_55, %get3A_56] : memref<128x10xf32, #tpu.memory_space<vmem>>, vector<128x10xf32>
      %dot_general3A_58 = arith.constant dense<0.000000e+00> : vector<64x10xf32>
      %dot_general3A_59 = tpu.matmul %div3A_54, %get3A_57, %dot_general3A_58 {dimension_numbers = #tpu.dot_dimension_numbers<[1], [0], [0], [1], [0, 0, 1, 1], [], []>, transpose_lhs_hint = false} : vector<64x128xf32>, vector<128x10xf32>, vector<64x10xf32> -> vector<64x10xf32>
      %get3A_60 = arith.constant 0 : index
      %get3A_61 = arith.constant 0 : index
      %get3A_62 = vector.load %arg5[%get3A_60, %get3A_61] : memref<1x10xf32, #tpu.memory_space<vmem>>, vector<1x10xf32>
      %add3A_63 = vector.broadcast %get3A_62 : vector<1x10xf32> to vector<64x10xf32>
      %add3A_64 = arith.addf %dot_general3A_59, %add3A_63 : vector<64x10xf32>
      %swap3A_65 = arith.constant 0 : index
      %swap3A_66 = arith.constant 0 : index
      %swap3A_67 = vector.load %arg6[%swap3A_65, %swap3A_66] : memref<64x10xf32, #tpu.memory_space<vmem>>, vector<64x10xf32>
      tpu.vector_store %arg6[%swap3A_65, %swap3A_66], %add3A_64 {strides = array<i32>} : memref<64x10xf32, #tpu.memory_space<vmem>>, vector<64x10xf32>,
    } else {
    }
    return
  }
  func.func @transform_0(%arg0: i32) -> (i32, i32) {
    %c0_i32 = arith.constant 0 : i32
    %c0_i32_0 = arith.constant 0 : i32
    return %arg0, %c0_i32 : i32, i32
  }
  func.func @transform_1(%arg0: i32) -> (i32, i32) {
    %c0_i32 = arith.constant 0 : i32
    %c0_i32_0 = arith.constant 0 : i32
    %c0_i32_1 = arith.constant 0 : i32
    return %c0_i32, %c0_i32_0 : i32, i32
  }
  func.func @transform_2(%arg0: i32) -> (i32, i32, i32) {
    %c0_i32 = arith.constant 0 : i32
    %c0_i32_0 = arith.constant 0 : i32
    %c0_i32_1 = arith.constant 0 : i32
    return %arg0, %c0_i32, %c0_i32_0 : i32, i32, i32
  }
  func.func @transform_3(%arg0: i32) -> (i32, i32) {
    %c0_i32 = arith.constant 0 : i32
    %c0_i32_0 = arith.constant 0 : i32
    %c0_i32_1 = arith.constant 0 : i32
    return %c0_i32, %c0_i32_0 : i32, i32
  }
  func.func @transform_4(%arg0: i32) -> (i32, i32) {
    %c0_i32 = arith.constant 0 : i32
    %c0_i32_0 = arith.constant 0 : i32
    %c0_i32_1 = arith.constant 0 : i32
    return %c0_i32, %c0_i32_0 : i32, i32
  }
  func.func @transform_5(%arg0: i32) -> (i32, i32) {
    %c0_i32 = arith.constant 0 : i32
    %c0_i32_0 = arith.constant 0 : i32
    %c0_i32_1 = arith.constant 0 : i32
    return %c0_i32, %c0_i32_0 : i32, i32
  }
}

</mosaic_0001>

<sc_bundles>
// kernel: kernel.28.cloned.1.call-start
scs
__scs_entry_jumppad:
0x0: {  	(pc) =	sbr.rel $0x88, $3  }
0x1: {  	(tag) =	ssettag $0x0;
	lr =	simm.s32 $0x1  }
0x2: {  	[smem:$0x3F96] =	sst lr;
	_ =	strace $0xD0000000  }
0x3: {  	_ = 	snop  }
0x4: {  	_ = 	snop  }
0x5: {  	_ = 	snop  }
0x6: {  	_ = 	snop  }
0x7: {  	_ = 	snop  }
__scs_overlays_trampoline_lowered:
0x8: {  	[smem:$0x3FA5] =	sst s0  }
0x9: {  	[smem:$0x3FA6] =	sst s1  }
0xa: {  	[smem:$0x3FA7] =	sst s2  }
0xb: {  	[smem:$0x3FA8] =	sst s3  }
0xc: {  	[smem:$0x3FA9] =	sst s4  }
0xd: {  	[smem:$0x3FAA] =	sst s5  }
0xe: {  	[smem:$0x3FAB] =	sst s6  }
0xf: {  	[smem:$0x3FAC] =	sst s7  }
0x10: {  	[smem:$0x3FAD] =	sst s8  }
0x11: {  	[smem:$0x3FAE] =	sst s9;
	s0 =	simm.s32 @!p0 $0x0  }
0x12: {  	s1 =	sld [smem:$0x3F94];
	s0 =	simm.s32 @p0 $0x1  }
0x13: {  	[smem:$0x3FAF] =	sst s0;
	s0 =	simm.s32 @!p1 $0x0  }
0x14: {  	s2 =	sld [smem:$0x3F93];
	s0 =	simm.s32 @p1 $0x1  }
0x15: {  	[smem:$0x3FB0] =	sst s0;
	s0 =	simm.s32 @!p2 $0x0  }
0x16: {  	s3 =	sld [smem:$0x3FDB];
	s0 =	simm.s32 @p2 $0x1  }
0x17: {  	s4 =	simm.s32 $0x1BF5;
	[smem:$0x3FB2] =	sst s0  }
0x18: {  	s0 =	sld [smem:$0x3F95];
	_ =	swait.ge [sflag:s4], $0x0  }
0x19: {  	s7 =	sld [smem:$0x3F96]  }
0x1a: {  	s8 =	sadd.s32 $0xFFFFE003, lr  }
0x1b: {  	s9 =	sadd.s32 $0xFFFFFEF7, lr;
	s5 =	simm.s32 $0xFFFFFFFF;
	p2 =	slt.u32 s8, $0xFFFFF086  }
0x1c: {  	p1 =	slt.u32 s9, $0xF7A;
	s5 =	simm.s32 @!p2 $0x0  }
0x1d: {  	s5 =	simm.s32 @p1 $0x1;
	p0 =	seq.s32 s7, s2  }
0x1e: {  	s7 =	smul.u32 @!p0 $0xF7A, s2;
	p2 =	seq.s32 @!p0 s5, $0x0  }
0x1f: {  	s9 =	smul.u32 $0xF7A, s1;
	s8 =	simm.s32 @!p0 $0x1BF5;
	p2 =	por !p2, p0  }
0x20: {  	[sflag:s8] =	ssyncset.s32 @!p0 $0xFFFFF086;
	s6 =	sadd.s32 @!p0 s3, s7;
	s7 =	simm.s32 @!p0 $0x108  }
0x21: {  	s3 =	sadd.s32 s3, s9;
	s6 =	sadd.s32 @!p0 $0x88, s6;
	s7 =	simm.s32 @p2 $0x1082  }
0x22: {  	[simem:s7], [sflag:s8] =	dma.local @!p0 [hbm:s6], $0xF7A  }
0x23: {  	s9 =	sor.u32 $0xD0000000, s2;
	s6 =	simm.s32 $0x108;
	_ =	swait.ge @!p0 [sflag:s8], $0x0  }
0x24: {  	s3 =	sadd.s32 $0x88, s3;
	s6 =	simm.s32 @!p1 $0x1082;
	[sflag:s4] =	ssyncset.s32 $0xFFFFF086  }
0x25: {  	[simem:s6], [sflag:s4] =	dma.local [hbm:s3], $0xF7A  }
0x26: {  	[smem:$0x3F96] =	sst s1;
	(tag) =	ssettag s2;
	_ =	strace s9  }
0x27: {  	s1 =	sld [smem:$0x3FA6]  }
0x28: {  	s2 =	sld [smem:$0x3FA7]  }
0x29: {  	s4 =	sld [smem:$0x3FA9]  }
0x2a: {  	p0 =	seq.s32 s5, $0x0;
	s5 =	sld [smem:$0x3FAA]  }
0x2b: {  	s6 =	sld [smem:$0x3FAB]  }
0x2c: {  	s7 =	sld [smem:$0x3FAC]  }
0x2d: {  	s3 =	simm.s32 $0x108;
	s8 =	sld [smem:$0x3FAD]  }
0x2e: {  	s3 =	simm.s32 @!p0 $0x1082;
	s9 =	sld [smem:$0x3FAE]  }
0x2f: {  	lr =	sadd.s32 s0, s3;
	s0 =	sld [smem:$0x3FA5]  }
0x30: {  	s3 =	sld [smem:$0x3FA8]  }
0x31: {  	[smem:$0x3FB1] =	sst s10  }
0x32: {  	s10 =	sld [smem:$0x3FAF];
	_ =	sdelay $0x3  }
0x33: {  	p0 =	seq.s32 s10, $0x1;
	s10 =	sld [smem:$0x3FB1];
	_ =	sdelay $0x3  }
0x34: {  	[smem:$0x3FB1] =	sst s10  }
0x35: {  	s10 =	sld [smem:$0x3FB0];
	_ =	sdelay $0x3  }
0x36: {  	p1 =	seq.s32 s10, $0x1;
	s10 =	sld [smem:$0x3FB1];
	_ =	sdelay $0x3  }
0x37: {  	[smem:$0x3FB1] =	sst s10  }
0x38: {  	s10 =	sld [smem:$0x3FB2]  }
0x39: {  	_ = 	snop;
	(pc) =	sbr.ind lr, $3  }
0x3a: {  	_ = 	snop  }
0x3b: {  	_ = 	snop  }
0x3c: {  	p2 =	seq.s32 s10, $0x1;
	s10 =	sld [smem:$0x3FB1]  }
0x3d: {  	_ =	shalt  }
0x3e: {  	_ =	shalt  }
0x3f: {  	_ =	shalt  }
0x40: {  	_ =	shalt  }
0x41: {  	_ =	shalt  }
0x42: {  	_ =	shalt  }
0x43: {  	_ =	shalt  }
0x44: {  	_ =	shalt  }
0x45: {  	_ =	shalt  }
0x46: {  	_ =	shalt  }
0x47: {  	_ =	shalt  }
0x48: {  	_ =	shalt  }
0x49: {  	_ =	shalt  }
0x4a: {  	_ =	shalt  }
0x4b: {  	_ =	shalt  }
0x4c: {  	_ =	shalt  }
0x4d: {  	_ =	shalt  }
0x4e: {  	_ =	shalt  }
0x4f: {  	_ =	shalt  }
0x50: {  	_ =	shalt  }
0x51: {  	_ =	shalt  }
0x52: {  	_ =	shalt  }
0x53: {  	_ =	shalt  }
0x54: {  	_ =	shalt  }
0x55: {  	_ =	shalt  }
0x56: {  	_ =	shalt  }
0x57: {  	_ =	shalt  }
0x58: {  	_ =	shalt  }
0x59: {  	_ =	shalt  }
0x5a: {  	_ =	shalt  }
0x5b: {  	_ =	shalt  }
0x5c: {  	_ =	shalt  }
0x5d: {  	_ =	shalt  }
0x5e: {  	_ =	shalt  }
0x5f: {  	_ =	shalt  }
0x60: {  	_ =	shalt  }
0x61: {  	_ =	shalt  }
0x62: {  	_ =	shalt  }
0x63: {  	_ =	shalt  }
0x64: {  	_ =	shalt  }
0x65: {  	_ =	shalt  }
0x66: {  	_ =	shalt  }
0x67: {  	_ =	shalt  }
0x68: {  	_ =	shalt  }
0x69: {  	_ =	shalt  }
0x6a: {  	_ =	shalt  }
0x6b: {  	_ =	shalt  }
0x6c: {  	_ =	shalt  }
0x6d: {  	_ =	shalt  }
0x6e: {  	_ =	shalt  }
0x6f: {  	_ =	shalt  }
0x70: {  	_ =	shalt  }
0x71: {  	_ =	shalt  }
0x72: {  	_ =	shalt  }
0x73: {  	_ =	shalt  }
0x74: {  	_ =	shalt  }
0x75: {  	_ =	shalt  }
0x76: {  	_ =	shalt  }
0x77: {  	_ =	shalt  }
0x78: {  	_ =	shalt  }
0x79: {  	_ =	shalt  }
0x7a: {  	_ =	shalt  }
0x7b: {  	_ =	shalt  }
0x7c: {  	_ =	shalt  }
0x7d: {  	_ =	shalt  }
0x7e: {  	_ =	shalt  }
0x7f: {  	_ =	shalt  }
0x80: {  	_ =	shalt  }
0x81: {  	_ =	shalt  }
0x82: {  	_ =	shalt  }
0x83: {  	_ =	shalt  }
0x84: {  	_ =	shalt  }
0x85: {  	_ =	shalt  }
0x86: {  	_ =	shalt  }
0x87: {  	_ =	shalt  }
.Lfunc_end0:
.L_simem_size_0:
called_computation_lowered:
.L_overlay_start_0:
0x88: {  	s2 =	sld [smem:$0x3FD9]  }
0x89: {  	s3 =	sld [smem:$0x3FFE];
	_ =	sdelay $0x1  }
0x8a: {  	s1 =	srdreg.scid  }
0x8b: {  	s0 =	sand.u32 $0x1, s1  }
0x8c: {  	s16 =	sshll.u32 s0, $0xA;
	s2 =	sadd.s32 s3, s2  }
0x8d: {  	s2 =	sadd.s32 s2, s16  }
0x8e: {  	[smem:$0x3FBD] =	sst s2  }
0x8f: {  	_ = 	snop  }
0x90: {  	(tm) =	ssettm $0x1  }
0x91: {  	s17 =	sld [smem:$0x3FFB];
	_ =	sdelay $0x3  }
0x92: {  	_ =	strace s17  }
0x93: {  	s2 =	sld [smem:$0x3FFC];
	_ =	sdelay $0x3  }
0x94: {  	_ =	strace s2  }
0x95: {  	s2 =	sld [smem:$0x3FFD];
	_ =	sdelay $0x3  }
0x96: {  	_ =	strace s2  }
0x97: {  	_ =	strace $0x8FFFFFFF  }
0x98: {  	s18 =	sld [smem:$0x3FDB];
	_ =	sdelay $0x1  }
0x99: {  	s19 =	simm.s32 $_scs_section_size  }
0x9a: {  	s4 =	simm.s32 $_size__tile_overlayer_lowered;
	s5 =	simm.s32 $_tile_overlayer_lowered  }
0x9b: {  	s22 =	simm.s32 $0x1BFF;
	s21 =	sshll.u32 s5, $0x1;
	s2 =	sadd.s32 s19, s18  }
0x9c: {  	s6 =	simm.s32 $0x0;
	s20 =	sshll.u32 s4, $0x1;
	s4 =	sadd.s32 s21, s2  }
0x9d: {  	[timem:s6], [sflag:s22] =	dma.local [hbm:s4], s20  }
0x9e: {  	_ =	swait.ge [sflag:s22], s20  }
0x9f: {  	s3 =	ssub.s32 $0x0, s20;
	[sflag:s22] =	ssyncset.done $0x0  }
0xa0: {  	[sflag:s22] =	ssyncadd.s32 s3;
	_ =	sdelay $0x1  }
0xa1: {  	s23 =	simm.s32 $0x1B8B  }
0xa2: {  	_ =	swait.ge [sflag:s23], $0x1  }
0xa3: {  	[sflag:s23] =	ssyncset.done $0x0  }
0xa4: {  	s25 =	simm.s32 $0x1B8E;
	s24 =	sld [smem:$0x3FFE];
	[sflag:s23] =	ssyncadd.s32 $0xFFFFFFFF  }
0xa5: {  	s26 =	simm.s32 $execute0_lowered;
	[smem:$0x3FD2] =	sst s25  }
0xa6: {  	s4 =	sshll.u32 s26, $0x1;
	_ =	strace $0x80000046;
	[dreg:$0x1] =	wrdreg $0xFFFFFFFF  }
0xa7: {  	s28 =	simm.s32 $_size_execute0_lowered;
	s2 =	sadd.s32 s2, s4;
	[dreg:$0x0] =	wrdreg $0x0  }
0xa8: {  	s4 =	sshll.u32 s28, $0x1;
	[dreg:$0x2] =	wrdreg s2  }
0xa9: {  	[dreg:$0x3] =	wrdreg s4  }
0xaa: {  	[dreg:$0x4] =	wrdreg $0xC0  }
0xab: {  	_ =	task [dreg:s6], $0x5FFFF  }
0xac: {  	[dreg:$0x1] =	wrdreg $0xFFFFFFFF  }
0xad: {  	[dreg:$0x0] =	wrdreg $0x60  }
0xae: {  	[dreg:$0x2] =	wrdreg s24  }
0xaf: {  	[dreg:$0x3] =	wrdreg $0x90000  }
0xb0: {  	[dreg:$0x4] =	wrdreg $0x9  }
0xb1: {  	_ =	task.clear_ibuf [dreg:s6], $0x5FFFF;
	_ =	strace $0x90000046  }
0xb2: {  	s29 =	simm.s32 $0x9;
	_ =	strace $0x80000048  }
0xb3: {  	_ =	swait.ge [sflag:s29], $0x1  }
0xb4: {  	[sflag:s29] =	ssyncadd.s32 $0xFFFFFFFF  }
0xb5: {  	_ =	strace $0x90000048  }
0xb6: {  	_ =	sfence  }
0xb7: {  	s30 =	sld [smem:$0x0];
	_ =	sdelay $0x2  }
0xb8: {  	s31 =	sshll.u32 s1, $0xD;
	s1 =	sshrl.u32 s1, $0x2  }
0xb9: {  	s3 =	sand.u32 $0x4000, s31;
	s1 =	sadd.s32 s1, s30  }
0xba: {  	s0 =	sor.u32 s3, s0;
	s1 =	sshll.u32 s1, $0x11  }
0xbb: {  	s0 =	sor.u32 s1, s0  }
0xbc: {  	s0 =	sadd.s32 $0x8F2B, s0  }
0xbd: {  	[sflag:s0] =	ssyncadd.remote.s32 $0x1  }
0xbe: {  	_ =	sfence.sel $0xFFFF  }
0xbf: {  	[dreg:$0x0] =	wrdreg $0xFFFFFFFF;
	(pc) =	sbr.abs _section_cstart, $3  }
0xc0: {  	[dreg:$0x1] =	wrdreg $0xFFFFFFFF  }
0xc1: {  	_ =	task.clear_ibuf [dreg:s6], $0x2FFFF;
	_ =	strace $0x9FFFFFFF  }
0xc2: {  	(tm) =	ssettm $0x7FFFFFFF  }
0xc3: {  	_ =	shalt  }
tec
execute0_lowered:
.L_overlay_start_1:
0x0: {  	(tag) =	ssettag $0x1  }
0x1: {  	s0 =	srdreg.scid;
	s5 =	rddreg [dreg:$0x0]  }
0x2: {  	s1 =	rddreg [dreg:$0x1];
	s2 =	stileid.u32  }
0x3: {  	s3 =	simm.s32 $0x0;
	s18 =	simm.s32 $0x80;
	s19 =	simm.s32 $0x1  }
0x4: {  	s9 =	sand.u32 $0x1, s0;
	s0 =	rddreg [dreg:$0x2];
	s7 =	smul.u32 $0x50000, s2  }
0x5: {  	s22 =	simm.s32 $0x0;
	[smem:$0x7FF] =	sst s3;
	s12 =	smul.u32 $0x4E000, s2  }
0x6: {  	s13 =	sadd.s32 $0x41800, s5;
	s16 =	smul.u32 $0x2700, s2;
	s21 =	sadd.s32 $0x138000, s1  }
0x7: {  	p0 =	sne.s32 s2, $0x0;
	s4 =	sshll.u32 s9, $0x4;
	s14 =	smul.u32 $0x27100, s9  }
0x8: {  	_ =	strace $0x80000047;
	s28 =	ssub.s32 $0x2, s9;
	s17 =	smul.u32 $0x138800, s9  }
0x9: {  	s21 =	sshrl.u32 @!p0 s21, $0x3;
	s4 =	sor.u32 s2, s4;
	s29 =	sshrl.u32 s7, $0x2  }
0xa: {  	s30 =	sshrl.u32 s28, $0x1;
	s12 =	sshrl.u32 s12, $0x2;
	s6 =	smul.u32 $0x500, s4  }
0xb: {  	s4 =	sadd.s32 $0x1A600, s5;
	s15 =	ssub.s32 s28, s30;
	s14 =	sadd.s32 s16, s14  }
0xc: {  	s31 =	sshrl.u32 s17, $0x3;
	s20 =	sadd.s32 s12, s1;
	s16 =	simm.s32 $0x2  }
0xd: {  	s17 =	simm.s32 $0x2800;
	s12 =	sadd.s32 s13, s14;
	s13 =	sadd.s32 s13, s31  }
0xe: {  	s14 =	smax.u32 s15, $0x1;
	s15 =	simm.s32 $0x5000;
	s20 =	sshrl.u32 s20, $0x3  }
0xf: {  	s11 =	sadd.s32 s6, s5;
	s5 =	sadd.s32 s29, s1;
	s13 =	sadd.s32 $0x27000, s13  }
0x10: {  	s6 =	sadd.s32 $0x4000, s5;
	s7 =	sadd.s32 $0x8000, s5;
	s8 =	sadd.s32 $0xC000, s5  }
0x11: {  	v0 =	vimm.f32 $0.0e+00;
	s9 =	sadd.s32 $0x10000, s5;
	s10 =	sadd.s32 $0x10600, s11;
	s11 =	sadd.s32 $0x6600, s11  }
.LBB2_1:
0x12: {  	s23 =	sand.u32 $0xFE00, s3  }
0x13: {  	s24 =	sand.u32 $0x70, s3;
	s25 =	sshrl.u32 s23, $0x2  }
0x14: {  	s23 =	simm.s32 $0x40;
	s25 =	sor.u32 s24, s25;
	s24 =	simm.s32 $0x0  }
.LBB2_2:
0x15: {  	p1 =	sne.s32 s23, $0xFFC0  }
0x16: {  	[tilespmem:s25+$0x5000] =	vst v0;
	s24 =	sadd.s32 $0x10, s24;
	s25 =	smov.u32 s23;
	s23 =	sadd.s32 $0x40, s23  }
.Ltmp0:
0x17: {  	(pc) =	sbr.rel @p1 .LBB2_2-.Ltmp0, $4  }
0x18: {  	_ = 	snop  }
0x19: {  	s25 =	sand.u32 $0xFE00, s25  }
0x1a: {  	s26 =	sand.u32 $0x70, s24;
	s25 =	sshrl.u32 s25, $0x2  }
0x1b: {  	s25 =	sor.u32 s26, s25  }
0x1c: {  	[tilespmem:s25+$0x5000] =	vst v0  }
0x1d: {  	[spmem:s5] =	stream.linear.scatter [tilespmem:s15], [sflag:$0x2], $0x4000, $0x38;
	[tilespmem:$0x1D000] =	vst v63  }
0x1e: {  	_ =	swait.ge [sflag:s16], $0x4000  }
0x1f: {  	[sflag:s16] =	ssyncset.done $0x0  }
0x20: {  	[sflag:s16] =	ssyncadd.s32 $0xFFFFC000  }
0x21: {  	[spmem:s6] =	stream.linear.scatter [tilespmem:s15], [sflag:$0x2], $0x4000, $0x38;
	[tilespmem:$0x1D000] =	vst v63  }
0x22: {  	_ =	swait.ge [sflag:s16], $0x4000  }
0x23: {  	[sflag:s16] =	ssyncset.done $0x0  }
0x24: {  	[sflag:s16] =	ssyncadd.s32 $0xFFFFC000  }
0x25: {  	[spmem:s7] =	stream.linear.scatter [tilespmem:s15], [sflag:$0x2], $0x4000, $0x38;
	[tilespmem:$0x1D000] =	vst v63  }
0x26: {  	_ =	swait.ge [sflag:s16], $0x4000  }
0x27: {  	[sflag:s16] =	ssyncset.done $0x0  }
0x28: {  	[sflag:s16] =	ssyncadd.s32 $0xFFFFC000  }
0x29: {  	[spmem:s8] =	stream.linear.scatter [tilespmem:s15], [sflag:$0x2], $0x4000, $0x38;
	[tilespmem:$0x1D000] =	vst v63  }
0x2a: {  	_ =	swait.ge [sflag:s16], $0x4000  }
0x2b: {  	[sflag:s16] =	ssyncset.done $0x0  }
0x2c: {  	[sflag:s16] =	ssyncadd.s32 $0xFFFFC000  }
0x2d: {  	[spmem:s9] =	stream.linear.scatter [tilespmem:s15], [sflag:$0x2], $0x4000, $0x38;
	[tilespmem:$0x1D000] =	vst v63  }
0x2e: {  	_ =	swait.ge [sflag:s16], $0x4000  }
0x2f: {  	[sflag:s16] =	ssyncset.done $0x0  }
0x30: {  	s23 =	simm.s32 $0x0;
	[sflag:s16] =	ssyncadd.s32 $0xFFFFC000  }
0x31: {  	[tilespmem:s23], [sflag:$0x2] =	stream.linear.gather [hbm4b:s10+s23], $0x2800, $0x38;
	[tilespmem:$0x1D000] =	vst v63  }
0x32: {  	_ =	swait.ge [sflag:s16], $0x2800  }
0x33: {  	[sflag:s16] =	ssyncset.done $0x0  }
0x34: {  	[sflag:s16] =	ssyncadd.s32 $0xFFFFD800  }
0x35: {  	[tilespmem:s17], [sflag:$0x2] =	stream.linear.gather [hbm4b:s11+s23], $0x2800, $0x38;
	[tilespmem:$0x1D000] =	vst v63  }
0x36: {  	_ =	swait.ge [sflag:s16], $0x2800  }
0x37: {  	[sflag:s16] =	ssyncset.done $0x0  }
0x38: {  	[sflag:s16] =	ssyncadd.s32 $0xFFFFD800  }
0x39: {  	s30 =	simm.s32 $0x0;
	[bflag:$0x0] =	sbarrier.arrive $0xFFFF  }
0x3a: {  	[tilespmem:s15], [sflag:$0x1] =	stream.indirect.gather [hbm4b:s4+s18], $0x80, s30, s18, $0xb8;
	[tilespmem:$0x1D000] =	vst v63  }
0x3b: {  	_ =	swait.ge [sflag:s19], $0x4000  }
0x3c: {  	[sflag:s19] =	ssyncset.done $0x0  }
0x3d: {  	s31 =	simm.s32 $0x2800;
	[sflag:s19] =	ssyncadd.s32 $0xFFFFC000  }
0x3e: {  	[spmem:s1] =	stream.indirect.scatter.add.f32 [tilespmem:s15], [sflag:$0x2], $0x80, s31, s18, $0xb8;
	[tilespmem:$0x1D000] =	vst v63  }
0x3f: {  	_ =	swait.ge [sflag:s16], $0x4000  }
0x40: {  	s24 =	simm.s32 $0x400;
	s23 =	simm.s32 $0x200;
	[sflag:s16] =	ssyncset.done $0x0  }
.LBB2_4:
0x41: {  	s25 =	sshra.s32 s23, $0x2  }
0x42: {  	[sflag:s16] =	ssyncadd.s32 $0xFFFFC000;
	s23 =	smov.u32 s24;
	s26 =	sadd.s32 $0x200, s24  }
0x43: {  	[tilespmem:s15], [sflag:$0x1] =	stream.indirect.gather [hbm4b:s4+s18], $0x80, s25, s18, $0xb8;
	[tilespmem:$0x1D000] =	vst v63  }
0x44: {  	p1 =	sne.s32 s24, $0x9E00;
	_ =	swait.ge [sflag:s19], $0x4000  }
.Ltmp1:
0x45: {  	[sflag:s19] =	ssyncset.done $0x0;
	(pc) =	sbr.rel @p1 .LBB2_4-.Ltmp1, $4  }
0x46: {  	s24 =	sadd.s32 $0x2800, s25;
	[sflag:s19] =	ssyncadd.s32 $0xFFFFC000  }
0x47: {  	[spmem:s1] =	stream.indirect.scatter.add.f32 [tilespmem:s15], [sflag:$0x2], $0x80, s24, s18, $0xb8;
	[tilespmem:$0x1D000] =	vst v63  }
0x48: {  	_ =	swait.ge [sflag:s16], $0x4000  }
0x49: {  	s24 =	smov.u32 s26;
	[sflag:s16] =	ssyncset.done $0x0  }
0x4a: {  	s23 =	sshra.s32 s23, $0x2;
	[sflag:s16] =	ssyncadd.s32 $0xFFFFC000  }
0x4b: {  	[tilespmem:s15], [sflag:$0x1] =	stream.indirect.gather [hbm4b:s4+s18], $0x80, s23, s18, $0xb8;
	[tilespmem:$0x1D000] =	vst v63  }
0x4c: {  	_ =	swait.ge [sflag:s19], $0x4000  }
0x4d: {  	[sflag:s19] =	ssyncset.done $0x0  }
0x4e: {  	s23 =	sadd.s32 $0x2800, s23;
	[sflag:s19] =	ssyncadd.s32 $0xFFFFC000  }
0x4f: {  	[spmem:s1] =	stream.indirect.scatter.add.f32 [tilespmem:s15], [sflag:$0x2], $0x80, s23, s18, $0xb8;
	[tilespmem:$0x1D000] =	vst v63  }
0x50: {  	_ =	swait.ge [sflag:s16], $0x4000  }
0x51: {  	[sflag:s16] =	ssyncset.done $0x0  }
0x52: {  	s31 =	sshll.u32 s2, $0x6;
	[sflag:s16] =	ssyncadd.s32 $0xFFFFC000  }
0x53: {  	s23 =	sor.u32 $0x1C02, s31;
	[bflag:$0x0] =	sbarrier.arrive $0xFFFF  }
0x54: {  	[hbm:s12], [sflag:s23] =	dma.local [spmem:s20], $0x2700  }
0x55: {  	_ =	swait.ge [sflag:s16], $0x2700  }
0x56: {  	s22 =	sadd.s32 $0x1, s22;
	[sflag:s16] =	ssyncset.done $0x0  }
0x57: {  	p1 =	sne.s32 s22, s14;
	[sflag:s16] =	ssyncadd.s32 $0xFFFFD900  }
0x58: {  	[hbm:s13], [sflag:s23] =	dma.local @!p0 [spmem:s21], $0x100  }
.Ltmp2:
0x59: {  	_ = 	snop;
	(pc) =	sbr.rel @p1 .LBB2_1-.Ltmp2, $4  }
0x5a: {  	s23 =	simm.s32 @!p0 $0x2  }
0x5b: {  	_ =	swait.ge @!p0 [sflag:s23], $0x100  }
0x5c: {  	[sflag:s23] =	ssyncset.done @!p0 $0x0  }
0x5d: {  	[sflag:s23] =	ssyncadd.s32 @!p0 $0xFFFFFF00  }
0x5e: {  	_ =	sfence.sel $0x180000  }
0x5f: {  	[bflag:$0x0] =	sbarrier.arrive $0xFFFF  }
0x60: {  	_ =	strace $0x90000047  }
0x61: {  	s0 =	sadd.s32 @!p0 $0x100000, s0;
	[bflag:$0x2] =	sbarrier.arrive $0xFFFF  }
0x62: {  	[sflag:s0] =	ssyncadd.tile.s32 @!p0 $0x1;
	_ =	shalt  }
.Lfunc_end2:
_tile_overlayer_lowered:
.L_overlay_start_2:
0x63: {  	(tag) =	ssettag $0x2  }
0x64: {  	s0 =	rddreg [dreg:$0x0];
	s2 =	stileid.u32  }
0x65: {  	s1 =	rddreg [dreg:$0x1];
	p0 =	sne.s32 s2, $0x0  }
0x66: {  	s3 =	rddreg [dreg:$0x2];
	[bflag:$0x3] =	sbarrier.arrive $0xFFFF;
	s2 =	simm.s32 @!p0 $0x1C02  }
0x67: {  	[timem:s3], [sflag:s2] =	dma.local @!p0 [hbm:s0], s1  }
0x68: {  	s0 =	simm.s32 @!p0 $0x2  }
0x69: {  	_ =	swait.ge @!p0 [sflag:s0], s1  }
0x6a: {  	s1 =	ssub.s32 @!p0 $0x0, s1;
	[sflag:s0] =	ssyncset.done @!p0 $0x0  }
0x6b: {  	[sflag:s0] =	ssyncadd.s32 @!p0 s1  }
0x6c: {  	[bflag:$0x3] =	sbarrier.arrive $0xFFFF  }
0x6d: {  	_ =	shalt  }

// kernel: kernel.31.cloned.1.call-start
scs
__scs_entry_jumppad:
0x0: {  	(pc) =	sbr.rel $0x88, $3  }
0x1: {  	(tag) =	ssettag $0x0;
	lr =	simm.s32 $0x1  }
0x2: {  	[smem:$0x3F96] =	sst lr;
	_ =	strace $0xD0000000  }
0x3: {  	_ = 	snop  }
0x4: {  	_ = 	snop  }
0x5: {  	_ = 	snop  }
0x6: {  	_ = 	snop  }
0x7: {  	_ = 	snop  }
__scs_overlays_trampoline_lowered:
0x8: {  	[smem:$0x3FA5] =	sst s0  }
0x9: {  	[smem:$0x3FA6] =	sst s1  }
0xa: {  	[smem:$0x3FA7] =	sst s2  }
0xb: {  	[smem:$0x3FA8] =	sst s3  }
0xc: {  	[smem:$0x3FA9] =	sst s4  }
0xd: {  	[smem:$0x3FAA] =	sst s5  }
0xe: {  	[smem:$0x3FAB] =	sst s6  }
0xf: {  	[smem:$0x3FAC] =	sst s7  }
0x10: {  	[smem:$0x3FAD] =	sst s8  }
0x11: {  	[smem:$0x3FAE] =	sst s9;
	s0 =	simm.s32 @!p0 $0x0  }
0x12: {  	s1 =	sld [smem:$0x3F94];
	s0 =	simm.s32 @p0 $0x1  }
0x13: {  	[smem:$0x3FAF] =	sst s0;
	s0 =	simm.s32 @!p1 $0x0  }
0x14: {  	s2 =	sld [smem:$0x3F93];
	s0 =	simm.s32 @p1 $0x1  }
0x15: {  	[smem:$0x3FB0] =	sst s0;
	s0 =	simm.s32 @!p2 $0x0  }
0x16: {  	s3 =	sld [smem:$0x3FDB];
	s0 =	simm.s32 @p2 $0x1  }
0x17: {  	s4 =	simm.s32 $0x1BF5;
	[smem:$0x3FB2] =	sst s0  }
0x18: {  	s0 =	sld [smem:$0x3F95];
	_ =	swait.ge [sflag:s4], $0x0  }
0x19: {  	s7 =	sld [smem:$0x3F96]  }
0x1a: {  	s8 =	sadd.s32 $0xFFFFE003, lr  }
0x1b: {  	s9 =	sadd.s32 $0xFFFFFEF7, lr;
	s5 =	simm.s32 $0xFFFFFFFF;
	p2 =	slt.u32 s8, $0xFFFFF086  }
0x1c: {  	p1 =	slt.u32 s9, $0xF7A;
	s5 =	simm.s32 @!p2 $0x0  }
0x1d: {  	s5 =	simm.s32 @p1 $0x1;
	p0 =	seq.s32 s7, s2  }
0x1e: {  	s7 =	smul.u32 @!p0 $0xF7A, s2;
	p2 =	seq.s32 @!p0 s5, $0x0  }
0x1f: {  	s9 =	smul.u32 $0xF7A, s1;
	s8 =	simm.s32 @!p0 $0x1BF5;
	p2 =	por !p2, p0  }
0x20: {  	[sflag:s8] =	ssyncset.s32 @!p0 $0xFFFFF086;
	s6 =	sadd.s32 @!p0 s3, s7;
	s7 =	simm.s32 @!p0 $0x108  }
0x21: {  	s3 =	sadd.s32 s3, s9;
	s6 =	sadd.s32 @!p0 $0x88, s6;
	s7 =	simm.s32 @p2 $0x1082  }
0x22: {  	[simem:s7], [sflag:s8] =	dma.local @!p0 [hbm:s6], $0xF7A  }
0x23: {  	s9 =	sor.u32 $0xD0000000, s2;
	s6 =	simm.s32 $0x108;
	_ =	swait.ge @!p0 [sflag:s8], $0x0  }
0x24: {  	s3 =	sadd.s32 $0x88, s3;
	s6 =	simm.s32 @!p1 $0x1082;
	[sflag:s4] =	ssyncset.s32 $0xFFFFF086  }
0x25: {  	[simem:s6], [sflag:s4] =	dma.local [hbm:s3], $0xF7A  }
0x26: {  	[smem:$0x3F96] =	sst s1;
	(tag) =	ssettag s2;
	_ =	strace s9  }
0x27: {  	s1 =	sld [smem:$0x3FA6]  }
0x28: {  	s2 =	sld [smem:$0x3FA7]  }
0x29: {  	s4 =	sld [smem:$0x3FA9]  }
0x2a: {  	p0 =	seq.s32 s5, $0x0;
	s5 =	sld [smem:$0x3FAA]  }
0x2b: {  	s6 =	sld [smem:$0x3FAB]  }
0x2c: {  	s7 =	sld [smem:$0x3FAC]  }
0x2d: {  	s3 =	simm.s32 $0x108;
	s8 =	sld [smem:$0x3FAD]  }
0x2e: {  	s3 =	simm.s32 @!p0 $0x1082;
	s9 =	sld [smem:$0x3FAE]  }
0x2f: {  	lr =	sadd.s32 s0, s3;
	s0 =	sld [smem:$0x3FA5]  }
0x30: {  	s3 =	sld [smem:$0x3FA8]  }
0x31: {  	[smem:$0x3FB1] =	sst s10  }
0x32: {  	s10 =	sld [smem:$0x3FAF];
	_ =	sdelay $0x3  }
0x33: {  	p0 =	seq.s32 s10, $0x1;
	s10 =	sld [smem:$0x3FB1];
	_ =	sdelay $0x3  }
0x34: {  	[smem:$0x3FB1] =	sst s10  }
0x35: {  	s10 =	sld [smem:$0x3FB0];
	_ =	sdelay $0x3  }
0x36: {  	p1 =	seq.s32 s10, $0x1;
	s10 =	sld [smem:$0x3FB1];
	_ =	sdelay $0x3  }
0x37: {  	[smem:$0x3FB1] =	sst s10  }
0x38: {  	s10 =	sld [smem:$0x3FB2]  }
0x39: {  	_ = 	snop;
	(pc) =	sbr.ind lr, $3  }
0x3a: {  	_ = 	snop  }
0x3b: {  	_ = 	snop  }
0x3c: {  	p2 =	seq.s32 s10, $0x1;
	s10 =	sld [smem:$0x3FB1]  }
0x3d: {  	_ =	shalt  }
0x3e: {  	_ =	shalt  }
0x3f: {  	_ =	shalt  }
0x40: {  	_ =	shalt  }
0x41: {  	_ =	shalt  }
0x42: {  	_ =	shalt  }
0x43: {  	_ =	shalt  }
0x44: {  	_ =	shalt  }
0x45: {  	_ =	shalt  }
0x46: {  	_ =	shalt  }
0x47: {  	_ =	shalt  }
0x48: {  	_ =	shalt  }
0x49: {  	_ =	shalt  }
0x4a: {  	_ =	shalt  }
0x4b: {  	_ =	shalt  }
0x4c: {  	_ =	shalt  }
0x4d: {  	_ =	shalt  }
0x4e: {  	_ =	shalt  }
0x4f: {  	_ =	shalt  }
0x50: {  	_ =	shalt  }
0x51: {  	_ =	shalt  }
0x52: {  	_ =	shalt  }
0x53: {  	_ =	shalt  }
0x54: {  	_ =	shalt  }
0x55: {  	_ =	shalt  }
0x56: {  	_ =	shalt  }
0x57: {  	_ =	shalt  }
0x58: {  	_ =	shalt  }
0x59: {  	_ =	shalt  }
0x5a: {  	_ =	shalt  }
0x5b: {  	_ =	shalt  }
0x5c: {  	_ =	shalt  }
0x5d: {  	_ =	shalt  }
0x5e: {  	_ =	shalt  }
0x5f: {  	_ =	shalt  }
0x60: {  	_ =	shalt  }
0x61: {  	_ =	shalt  }
0x62: {  	_ =	shalt  }
0x63: {  	_ =	shalt  }
0x64: {  	_ =	shalt  }
0x65: {  	_ =	shalt  }
0x66: {  	_ =	shalt  }
0x67: {  	_ =	shalt  }
0x68: {  	_ =	shalt  }
0x69: {  	_ =	shalt  }
0x6a: {  	_ =	shalt  }
0x6b: {  	_ =	shalt  }
0x6c: {  	_ =	shalt  }
0x6d: {  	_ =	shalt  }
0x6e: {  	_ =	shalt  }
0x6f: {  	_ =	shalt  }
0x70: {  	_ =	shalt  }
0x71: {  	_ =	shalt  }
0x72: {  	_ =	shalt  }
0x73: {  	_ =	shalt  }
0x74: {  	_ =	shalt  }
0x75: {  	_ =	shalt  }
0x76: {  	_ =	shalt  }
0x77: {  	_ =	shalt  }
0x78: {  	_ =	shalt  }
0x79: {  	_ =	shalt  }
0x7a: {  	_ =	shalt  }
0x7b: {  	_ =	shalt  }
0x7c: {  	_ =	shalt  }
0x7d: {  	_ =	shalt  }
0x7e: {  	_ =	shalt  }
0x7f: {  	_ =	shalt  }
0x80: {  	_ =	shalt  }
0x81: {  	_ =	shalt  }
0x82: {  	_ =	shalt  }
0x83: {  	_ =	shalt  }
0x84: {  	_ =	shalt  }
0x85: {  	_ =	shalt  }
0x86: {  	_ =	shalt  }
0x87: {  	_ =	shalt  }
.Lfunc_end0:
.L_simem_size_0:
called_computation.1_lowered:
.L_overlay_start_0:
0x88: {  	s2 =	sld [smem:$0x3FD9]  }
0x89: {  	s3 =	sld [smem:$0x3FFE];
	_ =	sdelay $0x1  }
0x8a: {  	s1 =	srdreg.scid  }
0x8b: {  	s0 =	sand.u32 $0x1, s1  }
0x8c: {  	s16 =	sshll.u32 s0, $0xA;
	s2 =	sadd.s32 s3, s2  }
0x8d: {  	s2 =	sadd.s32 s2, s16  }
0x8e: {  	[smem:$0x3FBD] =	sst s2  }
0x8f: {  	_ = 	snop  }
0x90: {  	(tm) =	ssettm $0x1  }
0x91: {  	s17 =	sld [smem:$0x3FFB];
	_ =	sdelay $0x3  }
0x92: {  	_ =	strace s17  }
0x93: {  	s2 =	sld [smem:$0x3FFC];
	_ =	sdelay $0x3  }
0x94: {  	_ =	strace s2  }
0x95: {  	s2 =	sld [smem:$0x3FFD];
	_ =	sdelay $0x3  }
0x96: {  	_ =	strace s2  }
0x97: {  	_ =	strace $0x8FFFFFFF  }
0x98: {  	s18 =	sld [smem:$0x3FDB];
	_ =	sdelay $0x1  }
0x99: {  	s19 =	simm.s32 $_scs_section_size  }
0x9a: {  	s4 =	simm.s32 $_size__tile_overlayer_lowered;
	s5 =	simm.s32 $_tile_overlayer_lowered  }
0x9b: {  	s22 =	simm.s32 $0x1BFF;
	s21 =	sshll.u32 s5, $0x1;
	s2 =	sadd.s32 s19, s18  }
0x9c: {  	s6 =	simm.s32 $0x0;
	s20 =	sshll.u32 s4, $0x1;
	s4 =	sadd.s32 s21, s2  }
0x9d: {  	[timem:s6], [sflag:s22] =	dma.local [hbm:s4], s20  }
0x9e: {  	_ =	swait.ge [sflag:s22], s20  }
0x9f: {  	s3 =	ssub.s32 $0x0, s20;
	[sflag:s22] =	ssyncset.done $0x0  }
0xa0: {  	[sflag:s22] =	ssyncadd.s32 s3;
	_ =	sdelay $0x1  }
0xa1: {  	s23 =	simm.s32 $0x1B8B  }
0xa2: {  	_ =	swait.ge [sflag:s23], $0x1  }
0xa3: {  	[sflag:s23] =	ssyncset.done $0x0  }
0xa4: {  	s25 =	simm.s32 $0x1B8E;
	s24 =	sld [smem:$0x3FFE];
	[sflag:s23] =	ssyncadd.s32 $0xFFFFFFFF  }
0xa5: {  	s26 =	simm.s32 $execute0_lowered;
	[smem:$0x3FD2] =	sst s25  }
0xa6: {  	s4 =	sshll.u32 s26, $0x1;
	_ =	strace $0x80000049;
	[dreg:$0x1] =	wrdreg $0xFFFFFFFF  }
0xa7: {  	s28 =	simm.s32 $_size_execute0_lowered;
	s2 =	sadd.s32 s2, s4;
	[dreg:$0x0] =	wrdreg $0x0  }
0xa8: {  	s4 =	sshll.u32 s28, $0x1;
	[dreg:$0x2] =	wrdreg s2  }
0xa9: {  	[dreg:$0x3] =	wrdreg s4  }
0xaa: {  	[dreg:$0x4] =	wrdreg $0xC0  }
0xab: {  	_ =	task [dreg:s6], $0x5FFFF  }
0xac: {  	[dreg:$0x1] =	wrdreg $0xFFFFFFFF  }
0xad: {  	[dreg:$0x0] =	wrdreg $0x60  }
0xae: {  	[dreg:$0x2] =	wrdreg s24  }
0xaf: {  	[dreg:$0x3] =	wrdreg $0x90000  }
0xb0: {  	[dreg:$0x4] =	wrdreg $0x9  }
0xb1: {  	_ =	task.clear_ibuf [dreg:s6], $0x5FFFF;
	_ =	strace $0x90000049  }
0xb2: {  	s29 =	simm.s32 $0x9;
	_ =	strace $0x8000004B  }
0xb3: {  	_ =	swait.ge [sflag:s29], $0x1  }
0xb4: {  	[sflag:s29] =	ssyncadd.s32 $0xFFFFFFFF  }
0xb5: {  	_ =	strace $0x9000004B  }
0xb6: {  	_ =	sfence  }
0xb7: {  	s30 =	sld [smem:$0x0];
	_ =	sdelay $0x2  }
0xb8: {  	s31 =	sshll.u32 s1, $0xD;
	s1 =	sshrl.u32 s1, $0x2  }
0xb9: {  	s3 =	sand.u32 $0x4000, s31;
	s1 =	sadd.s32 s1, s30  }
0xba: {  	s0 =	sor.u32 s3, s0;
	s1 =	sshll.u32 s1, $0x11  }
0xbb: {  	s0 =	sor.u32 s1, s0  }
0xbc: {  	s0 =	sadd.s32 $0x8F2B, s0  }
0xbd: {  	[sflag:s0] =	ssyncadd.remote.s32 $0x1  }
0xbe: {  	_ =	sfence.sel $0xFFFF  }
0xbf: {  	[dreg:$0x0] =	wrdreg $0xFFFFFFFF;
	(pc) =	sbr.abs _section_cstart, $3  }
0xc0: {  	[dreg:$0x1] =	wrdreg $0xFFFFFFFF  }
0xc1: {  	_ =	task.clear_ibuf [dreg:s6], $0x2FFFF;
	_ =	strace $0x9FFFFFFF  }
0xc2: {  	(tm) =	ssettm $0x7FFFFFFF  }
0xc3: {  	_ =	shalt  }
tec
execute0_lowered:
.L_overlay_start_1:
0x0: {  	(tag) =	ssettag $0x1  }
0x1: {  	s0 =	srdreg.scid;
	s5 =	rddreg [dreg:$0x0]  }
0x2: {  	s1 =	rddreg [dreg:$0x1];
	s2 =	stileid.u32  }
0x3: {  	s3 =	simm.s32 $0x0;
	s18 =	simm.s32 $0x80;
	s19 =	simm.s32 $0x1  }
0x4: {  	s9 =	sand.u32 $0x1, s0;
	s0 =	rddreg [dreg:$0x2];
	s7 =	smul.u32 $0x50000, s2  }
0x5: {  	s22 =	simm.s32 $0x0;
	[smem:$0x7FF] =	sst s3;
	s12 =	smul.u32 $0x4E000, s2  }
0x6: {  	s13 =	sadd.s32 $0x41800, s5;
	s16 =	smul.u32 $0x2700, s2;
	s21 =	sadd.s32 $0x138000, s1  }
0x7: {  	p0 =	sne.s32 s2, $0x0;
	s4 =	sshll.u32 s9, $0x4;
	s14 =	smul.u32 $0x27100, s9  }
0x8: {  	_ =	strace $0x8000004A;
	s28 =	ssub.s32 $0x2, s9;
	s17 =	smul.u32 $0x138800, s9  }
0x9: {  	s21 =	sshrl.u32 @!p0 s21, $0x3;
	s4 =	sor.u32 s2, s4;
	s29 =	sshrl.u32 s7, $0x2  }
0xa: {  	s30 =	sshrl.u32 s28, $0x1;
	s12 =	sshrl.u32 s12, $0x2;
	s6 =	smul.u32 $0x500, s4  }
0xb: {  	s4 =	sadd.s32 $0x1A600, s5;
	s15 =	ssub.s32 s28, s30;
	s14 =	sadd.s32 s16, s14  }
0xc: {  	s31 =	sshrl.u32 s17, $0x3;
	s20 =	sadd.s32 s12, s1;
	s16 =	simm.s32 $0x2  }
0xd: {  	s17 =	simm.s32 $0x2800;
	s12 =	sadd.s32 s13, s14;
	s13 =	sadd.s32 s13, s31  }
0xe: {  	s14 =	smax.u32 s15, $0x1;
	s15 =	simm.s32 $0x5000;
	s20 =	sshrl.u32 s20, $0x3  }
0xf: {  	s11 =	sadd.s32 s6, s5;
	s5 =	sadd.s32 s29, s1;
	s13 =	sadd.s32 $0x27000, s13  }
0x10: {  	s6 =	sadd.s32 $0x4000, s5;
	s7 =	sadd.s32 $0x8000, s5;
	s8 =	sadd.s32 $0xC000, s5  }
0x11: {  	v0 =	vimm.f32 $0.0e+00;
	s9 =	sadd.s32 $0x10000, s5;
	s10 =	sadd.s32 $0x10600, s11;
	s11 =	sadd.s32 $0x6600, s11  }
.LBB2_1:
0x12: {  	s23 =	sand.u32 $0xFE00, s3  }
0x13: {  	s24 =	sand.u32 $0x70, s3;
	s25 =	sshrl.u32 s23, $0x2  }
0x14: {  	s23 =	simm.s32 $0x40;
	s25 =	sor.u32 s24, s25;
	s24 =	simm.s32 $0x0  }
.LBB2_2:
0x15: {  	p1 =	sne.s32 s23, $0xFFC0  }
0x16: {  	[tilespmem:s25+$0x5000] =	vst v0;
	s24 =	sadd.s32 $0x10, s24;
	s25 =	smov.u32 s23;
	s23 =	sadd.s32 $0x40, s23  }
.Ltmp0:
0x17: {  	(pc) =	sbr.rel @p1 .LBB2_2-.Ltmp0, $4  }
0x18: {  	_ = 	snop  }
0x19: {  	s25 =	sand.u32 $0xFE00, s25  }
0x1a: {  	s26 =	sand.u32 $0x70, s24;
	s25 =	sshrl.u32 s25, $0x2  }
0x1b: {  	s25 =	sor.u32 s26, s25  }
0x1c: {  	[tilespmem:s25+$0x5000] =	vst v0  }
0x1d: {  	[spmem:s5] =	stream.linear.scatter [tilespmem:s15], [sflag:$0x2], $0x4000, $0x38;
	[tilespmem:$0x1D000] =	vst v63  }
0x1e: {  	_ =	swait.ge [sflag:s16], $0x4000  }
0x1f: {  	[sflag:s16] =	ssyncset.done $0x0  }
0x20: {  	[sflag:s16] =	ssyncadd.s32 $0xFFFFC000  }
0x21: {  	[spmem:s6] =	stream.linear.scatter [tilespmem:s15], [sflag:$0x2], $0x4000, $0x38;
	[tilespmem:$0x1D000] =	vst v63  }
0x22: {  	_ =	swait.ge [sflag:s16], $0x4000  }
0x23: {  	[sflag:s16] =	ssyncset.done $0x0  }
0x24: {  	[sflag:s16] =	ssyncadd.s32 $0xFFFFC000  }
0x25: {  	[spmem:s7] =	stream.linear.scatter [tilespmem:s15], [sflag:$0x2], $0x4000, $0x38;
	[tilespmem:$0x1D000] =	vst v63  }
0x26: {  	_ =	swait.ge [sflag:s16], $0x4000  }
0x27: {  	[sflag:s16] =	ssyncset.done $0x0  }
0x28: {  	[sflag:s16] =	ssyncadd.s32 $0xFFFFC000  }
0x29: {  	[spmem:s8] =	stream.linear.scatter [tilespmem:s15], [sflag:$0x2], $0x4000, $0x38;
	[tilespmem:$0x1D000] =	vst v63  }
0x2a: {  	_ =	swait.ge [sflag:s16], $0x4000  }
0x2b: {  	[sflag:s16] =	ssyncset.done $0x0  }
0x2c: {  	[sflag:s16] =	ssyncadd.s32 $0xFFFFC000  }
0x2d: {  	[spmem:s9] =	stream.linear.scatter [tilespmem:s15], [sflag:$0x2], $0x4000, $0x38;
	[tilespmem:$0x1D000] =	vst v63  }
0x2e: {  	_ =	swait.ge [sflag:s16], $0x4000  }
0x2f: {  	[sflag:s16] =	ssyncset.done $0x0  }
0x30: {  	s23 =	simm.s32 $0x0;
	[sflag:s16] =	ssyncadd.s32 $0xFFFFC000  }
0x31: {  	[tilespmem:s23], [sflag:$0x2] =	stream.linear.gather [hbm4b:s10+s23], $0x2800, $0x38;
	[tilespmem:$0x1D000] =	vst v63  }
0x32: {  	_ =	swait.ge [sflag:s16], $0x2800  }
0x33: {  	[sflag:s16] =	ssyncset.done $0x0  }
0x34: {  	[sflag:s16] =	ssyncadd.s32 $0xFFFFD800  }
0x35: {  	[tilespmem:s17], [sflag:$0x2] =	stream.linear.gather [hbm4b:s11+s23], $0x2800, $0x38;
	[tilespmem:$0x1D000] =	vst v63  }
0x36: {  	_ =	swait.ge [sflag:s16], $0x2800  }
0x37: {  	[sflag:s16] =	ssyncset.done $0x0  }
0x38: {  	[sflag:s16] =	ssyncadd.s32 $0xFFFFD800  }
0x39: {  	s30 =	simm.s32 $0x0;
	[bflag:$0x0] =	sbarrier.arrive $0xFFFF  }
0x3a: {  	[tilespmem:s15], [sflag:$0x1] =	stream.indirect.gather [hbm4b:s4+s18], $0x80, s30, s18, $0xb8;
	[tilespmem:$0x1D000] =	vst v63  }
0x3b: {  	_ =	swait.ge [sflag:s19], $0x4000  }
0x3c: {  	[sflag:s19] =	ssyncset.done $0x0  }
0x3d: {  	s31 =	simm.s32 $0x2800;
	[sflag:s19] =	ssyncadd.s32 $0xFFFFC000  }
0x3e: {  	[spmem:s1] =	stream.indirect.scatter.add.f32 [tilespmem:s15], [sflag:$0x2], $0x80, s31, s18, $0xb8;
	[tilespmem:$0x1D000] =	vst v63  }
0x3f: {  	_ =	swait.ge [sflag:s16], $0x4000  }
0x40: {  	s24 =	simm.s32 $0x400;
	s23 =	simm.s32 $0x200;
	[sflag:s16] =	ssyncset.done $0x0  }
.LBB2_4:
0x41: {  	s25 =	sshra.s32 s23, $0x2  }
0x42: {  	[sflag:s16] =	ssyncadd.s32 $0xFFFFC000;
	s23 =	smov.u32 s24;
	s26 =	sadd.s32 $0x200, s24  }
0x43: {  	[tilespmem:s15], [sflag:$0x1] =	stream.indirect.gather [hbm4b:s4+s18], $0x80, s25, s18, $0xb8;
	[tilespmem:$0x1D000] =	vst v63  }
0x44: {  	p1 =	sne.s32 s24, $0x9E00;
	_ =	swait.ge [sflag:s19], $0x4000  }
.Ltmp1:
0x45: {  	[sflag:s19] =	ssyncset.done $0x0;
	(pc) =	sbr.rel @p1 .LBB2_4-.Ltmp1, $4  }
0x46: {  	s24 =	sadd.s32 $0x2800, s25;
	[sflag:s19] =	ssyncadd.s32 $0xFFFFC000  }
0x47: {  	[spmem:s1] =	stream.indirect.scatter.add.f32 [tilespmem:s15], [sflag:$0x2], $0x80, s24, s18, $0xb8;
	[tilespmem:$0x1D000] =	vst v63  }
0x48: {  	_ =	swait.ge [sflag:s16], $0x4000  }
0x49: {  	s24 =	smov.u32 s26;
	[sflag:s16] =	ssyncset.done $0x0  }
0x4a: {  	s23 =	sshra.s32 s23, $0x2;
	[sflag:s16] =	ssyncadd.s32 $0xFFFFC000  }
0x4b: {  	[tilespmem:s15], [sflag:$0x1] =	stream.indirect.gather [hbm4b:s4+s18], $0x80, s23, s18, $0xb8;
	[tilespmem:$0x1D000] =	vst v63  }
0x4c: {  	_ =	swait.ge [sflag:s19], $0x4000  }
0x4d: {  	[sflag:s19] =	ssyncset.done $0x0  }
0x4e: {  	s23 =	sadd.s32 $0x2800, s23;
	[sflag:s19] =	ssyncadd.s32 $0xFFFFC000  }
0x4f: {  	[spmem:s1] =	stream.indirect.scatter.add.f32 [tilespmem:s15], [sflag:$0x2], $0x80, s23, s18, $0xb8;
	[tilespmem:$0x1D000] =	vst v63  }
0x50: {  	_ =	swait.ge [sflag:s16], $0x4000  }
0x51: {  	[sflag:s16] =	ssyncset.done $0x0  }
0x52: {  	s31 =	sshll.u32 s2, $0x6;
	[sflag:s16] =	ssyncadd.s32 $0xFFFFC000  }
0x53: {  	s23 =	sor.u32 $0x1C02, s31;
	[bflag:$0x0] =	sbarrier.arrive $0xFFFF  }
0x54: {  	[hbm:s12], [sflag:s23] =	dma.local [spmem:s20], $0x2700  }
0x55: {  	_ =	swait.ge [sflag:s16], $0x2700  }
0x56: {  	s22 =	sadd.s32 $0x1, s22;
	[sflag:s16] =	ssyncset.done $0x0  }
0x57: {  	p1 =	sne.s32 s22, s14;
	[sflag:s16] =	ssyncadd.s32 $0xFFFFD900  }
0x58: {  	[hbm:s13], [sflag:s23] =	dma.local @!p0 [spmem:s21], $0x100  }
.Ltmp2:
0x59: {  	_ = 	snop;
	(pc) =	sbr.rel @p1 .LBB2_1-.Ltmp2, $4  }
0x5a: {  	s23 =	simm.s32 @!p0 $0x2  }
0x5b: {  	_ =	swait.ge @!p0 [sflag:s23], $0x100  }
0x5c: {  	[sflag:s23] =	ssyncset.done @!p0 $0x0  }
0x5d: {  	[sflag:s23] =	ssyncadd.s32 @!p0 $0xFFFFFF00  }
0x5e: {  	_ =	sfence.sel $0x180000  }
0x5f: {  	[bflag:$0x0] =	sbarrier.arrive $0xFFFF  }
0x60: {  	_ =	strace $0x9000004A  }
0x61: {  	s0 =	sadd.s32 @!p0 $0x100000, s0;
	[bflag:$0x2] =	sbarrier.arrive $0xFFFF  }
0x62: {  	[sflag:s0] =	ssyncadd.tile.s32 @!p0 $0x1;
	_ =	shalt  }
.Lfunc_end2:
_tile_overlayer_lowered:
.L_overlay_start_2:
0x63: {  	(tag) =	ssettag $0x2  }
0x64: {  	s0 =	rddreg [dreg:$0x0];
	s2 =	stileid.u32  }
0x65: {  	s1 =	rddreg [dreg:$0x1];
	p0 =	sne.s32 s2, $0x0  }
0x66: {  	s3 =	rddreg [dreg:$0x2];
	[bflag:$0x3] =	sbarrier.arrive $0xFFFF;
	s2 =	simm.s32 @!p0 $0x1C02  }
0x67: {  	[timem:s3], [sflag:s2] =	dma.local @!p0 [hbm:s0], s1  }
0x68: {  	s0 =	simm.s32 @!p0 $0x2  }
0x69: {  	_ =	swait.ge @!p0 [sflag:s0], s1  }
0x6a: {  	s1 =	ssub.s32 @!p0 $0x0, s1;
	[sflag:s0] =	ssyncset.done @!p0 $0x0  }
0x6b: {  	[sflag:s0] =	ssyncadd.s32 @!p0 s1  }
0x6c: {  	[bflag:$0x3] =	sbarrier.arrive $0xFFFF  }
0x6d: {  	_ =	shalt  }

// kernel: kernel.34.cloned.1.call-start
scs
__scs_entry_jumppad:
0x0: {  	(pc) =	sbr.rel $0x88, $3  }
0x1: {  	(tag) =	ssettag $0x0;
	lr =	simm.s32 $0x1  }
0x2: {  	[smem:$0x3F96] =	sst lr;
	_ =	strace $0xD0000000  }
0x3: {  	_ = 	snop  }
0x4: {  	_ = 	snop  }
0x5: {  	_ = 	snop  }
0x6: {  	_ = 	snop  }
0x7: {  	_ = 	snop  }
__scs_overlays_trampoline_lowered:
0x8: {  	[smem:$0x3FA5] =	sst s0  }
0x9: {  	[smem:$0x3FA6] =	sst s1  }
0xa: {  	[smem:$0x3FA7] =	sst s2  }
0xb: {  	[smem:$0x3FA8] =	sst s3  }
0xc: {  	[smem:$0x3FA9] =	sst s4  }
0xd: {  	[smem:$0x3FAA] =	sst s5  }
0xe: {  	[smem:$0x3FAB] =	sst s6  }
0xf: {  	[smem:$0x3FAC] =	sst s7  }
0x10: {  	[smem:$0x3FAD] =	sst s8  }
0x11: {  	[smem:$0x3FAE] =	sst s9;
	s0 =	simm.s32 @!p0 $0x0  }
0x12: {  	s1 =	sld [smem:$0x3F94];
	s0 =	simm.s32 @p0 $0x1  }
0x13: {  	[smem:$0x3FAF] =	sst s0;
	s0 =	simm.s32 @!p1 $0x0  }
0x14: {  	s2 =	sld [smem:$0x3F93];
	s0 =	simm.s32 @p1 $0x1  }
0x15: {  	[smem:$0x3FB0] =	sst s0;
	s0 =	simm.s32 @!p2 $0x0  }
0x16: {  	s3 =	sld [smem:$0x3FDB];
	s0 =	simm.s32 @p2 $0x1  }
0x17: {  	s4 =	simm.s32 $0x1BF5;
	[smem:$0x3FB2] =	sst s0  }
0x18: {  	s0 =	sld [smem:$0x3F95];
	_ =	swait.ge [sflag:s4], $0x0  }
0x19: {  	s7 =	sld [smem:$0x3F96]  }
0x1a: {  	s8 =	sadd.s32 $0xFFFFE003, lr  }
0x1b: {  	s9 =	sadd.s32 $0xFFFFFEF7, lr;
	s5 =	simm.s32 $0xFFFFFFFF;
	p2 =	slt.u32 s8, $0xFFFFF086  }
0x1c: {  	p1 =	slt.u32 s9, $0xF7A;
	s5 =	simm.s32 @!p2 $0x0  }
0x1d: {  	s5 =	simm.s32 @p1 $0x1;
	p0 =	seq.s32 s7, s2  }
0x1e: {  	s7 =	smul.u32 @!p0 $0xF7A, s2;
	p2 =	seq.s32 @!p0 s5, $0x0  }
0x1f: {  	s9 =	smul.u32 $0xF7A, s1;
	s8 =	simm.s32 @!p0 $0x1BF5;
	p2 =	por !p2, p0  }
0x20: {  	[sflag:s8] =	ssyncset.s32 @!p0 $0xFFFFF086;
	s6 =	sadd.s32 @!p0 s3, s7;
	s7 =	simm.s32 @!p0 $0x108  }
0x21: {  	s3 =	sadd.s32 s3, s9;
	s6 =	sadd.s32 @!p0 $0x88, s6;
	s7 =	simm.s32 @p2 $0x1082  }
0x22: {  	[simem:s7], [sflag:s8] =	dma.local @!p0 [hbm:s6], $0xF7A  }
0x23: {  	s9 =	sor.u32 $0xD0000000, s2;
	s6 =	simm.s32 $0x108;
	_ =	swait.ge @!p0 [sflag:s8], $0x0  }
0x24: {  	s3 =	sadd.s32 $0x88, s3;
	s6 =	simm.s32 @!p1 $0x1082;
	[sflag:s4] =	ssyncset.s32 $0xFFFFF086  }
0x25: {  	[simem:s6], [sflag:s4] =	dma.local [hbm:s3], $0xF7A  }
0x26: {  	[smem:$0x3F96] =	sst s1;
	(tag) =	ssettag s2;
	_ =	strace s9  }
0x27: {  	s1 =	sld [smem:$0x3FA6]  }
0x28: {  	s2 =	sld [smem:$0x3FA7]  }
0x29: {  	s4 =	sld [smem:$0x3FA9]  }
0x2a: {  	p0 =	seq.s32 s5, $0x0;
	s5 =	sld [smem:$0x3FAA]  }
0x2b: {  	s6 =	sld [smem:$0x3FAB]  }
0x2c: {  	s7 =	sld [smem:$0x3FAC]  }
0x2d: {  	s3 =	simm.s32 $0x108;
	s8 =	sld [smem:$0x3FAD]  }
0x2e: {  	s3 =	simm.s32 @!p0 $0x1082;
	s9 =	sld [smem:$0x3FAE]  }
0x2f: {  	lr =	sadd.s32 s0, s3;
	s0 =	sld [smem:$0x3FA5]  }
0x30: {  	s3 =	sld [smem:$0x3FA8]  }
0x31: {  	[smem:$0x3FB1] =	sst s10  }
0x32: {  	s10 =	sld [smem:$0x3FAF];
	_ =	sdelay $0x3  }
0x33: {  	p0 =	seq.s32 s10, $0x1;
	s10 =	sld [smem:$0x3FB1];
	_ =	sdelay $0x3  }
0x34: {  	[smem:$0x3FB1] =	sst s10  }
0x35: {  	s10 =	sld [smem:$0x3FB0];
	_ =	sdelay $0x3  }
0x36: {  	p1 =	seq.s32 s10, $0x1;
	s10 =	sld [smem:$0x3FB1];
	_ =	sdelay $0x3  }
0x37: {  	[smem:$0x3FB1] =	sst s10  }
0x38: {  	s10 =	sld [smem:$0x3FB2]  }
0x39: {  	_ = 	snop;
	(pc) =	sbr.ind lr, $3  }
0x3a: {  	_ = 	snop  }
0x3b: {  	_ = 	snop  }
0x3c: {  	p2 =	seq.s32 s10, $0x1;
	s10 =	sld [smem:$0x3FB1]  }
0x3d: {  	_ =	shalt  }
0x3e: {  	_ =	shalt  }
0x3f: {  	_ =	shalt  }
0x40: {  	_ =	shalt  }
0x41: {  	_ =	shalt  }
0x42: {  	_ =	shalt  }
0x43: {  	_ =	shalt  }
0x44: {  	_ =	shalt  }
0x45: {  	_ =	shalt  }
0x46: {  	_ =	shalt  }
0x47: {  	_ =	shalt  }
0x48: {  	_ =	shalt  }
0x49: {  	_ =	shalt  }
0x4a: {  	_ =	shalt  }
0x4b: {  	_ =	shalt  }
0x4c: {  	_ =	shalt  }
0x4d: {  	_ =	shalt  }
0x4e: {  	_ =	shalt  }
0x4f: {  	_ =	shalt  }
0x50: {  	_ =	shalt  }
0x51: {  	_ =	shalt  }
0x52: {  	_ =	shalt  }
0x53: {  	_ =	shalt  }
0x54: {  	_ =	shalt  }
0x55: {  	_ =	shalt  }
0x56: {  	_ =	shalt  }
0x57: {  	_ =	shalt  }
0x58: {  	_ =	shalt  }
0x59: {  	_ =	shalt  }
0x5a: {  	_ =	shalt  }
0x5b: {  	_ =	shalt  }
0x5c: {  	_ =	shalt  }
0x5d: {  	_ =	shalt  }
0x5e: {  	_ =	shalt  }
0x5f: {  	_ =	shalt  }
0x60: {  	_ =	shalt  }
0x61: {  	_ =	shalt  }
0x62: {  	_ =	shalt  }
0x63: {  	_ =	shalt  }
0x64: {  	_ =	shalt  }
0x65: {  	_ =	shalt  }
0x66: {  	_ =	shalt  }
0x67: {  	_ =	shalt  }
0x68: {  	_ =	shalt  }
0x69: {  	_ =	shalt  }
0x6a: {  	_ =	shalt  }
0x6b: {  	_ =	shalt  }
0x6c: {  	_ =	shalt  }
0x6d: {  	_ =	shalt  }
0x6e: {  	_ =	shalt  }
0x6f: {  	_ =	shalt  }
0x70: {  	_ =	shalt  }
0x71: {  	_ =	shalt  }
0x72: {  	_ =	shalt  }
0x73: {  	_ =	shalt  }
0x74: {  	_ =	shalt  }
0x75: {  	_ =	shalt  }
0x76: {  	_ =	shalt  }
0x77: {  	_ =	shalt  }
0x78: {  	_ =	shalt  }
0x79: {  	_ =	shalt  }
0x7a: {  	_ =	shalt  }
0x7b: {  	_ =	shalt  }
0x7c: {  	_ =	shalt  }
0x7d: {  	_ =	shalt  }
0x7e: {  	_ =	shalt  }
0x7f: {  	_ =	shalt  }
0x80: {  	_ =	shalt  }
0x81: {  	_ =	shalt  }
0x82: {  	_ =	shalt  }
0x83: {  	_ =	shalt  }
0x84: {  	_ =	shalt  }
0x85: {  	_ =	shalt  }
0x86: {  	_ =	shalt  }
0x87: {  	_ =	shalt  }
.Lfunc_end0:
.L_simem_size_0:
called_computation.2_lowered:
.L_overlay_start_0:
0x88: {  	s2 =	sld [smem:$0x3FD9]  }
0x89: {  	s3 =	sld [smem:$0x3FFE];
	_ =	sdelay $0x1  }
0x8a: {  	s1 =	srdreg.scid  }
0x8b: {  	s0 =	sand.u32 $0x1, s1  }
0x8c: {  	s16 =	sshll.u32 s0, $0xA;
	s2 =	sadd.s32 s3, s2  }
0x8d: {  	s2 =	sadd.s32 s2, s16  }
0x8e: {  	[smem:$0x3FBD] =	sst s2  }
0x8f: {  	_ = 	snop  }
0x90: {  	(tm) =	ssettm $0x1  }
0x91: {  	s17 =	sld [smem:$0x3FFB];
	_ =	sdelay $0x3  }
0x92: {  	_ =	strace s17  }
0x93: {  	s2 =	sld [smem:$0x3FFC];
	_ =	sdelay $0x3  }
0x94: {  	_ =	strace s2  }
0x95: {  	s2 =	sld [smem:$0x3FFD];
	_ =	sdelay $0x3  }
0x96: {  	_ =	strace s2  }
0x97: {  	_ =	strace $0x8FFFFFFF  }
0x98: {  	s18 =	sld [smem:$0x3FDB];
	_ =	sdelay $0x1  }
0x99: {  	s19 =	simm.s32 $_scs_section_size  }
0x9a: {  	s4 =	simm.s32 $_size__tile_overlayer_lowered;
	s5 =	simm.s32 $_tile_overlayer_lowered  }
0x9b: {  	s22 =	simm.s32 $0x1BFF;
	s21 =	sshll.u32 s5, $0x1;
	s2 =	sadd.s32 s19, s18  }
0x9c: {  	s6 =	simm.s32 $0x0;
	s20 =	sshll.u32 s4, $0x1;
	s4 =	sadd.s32 s21, s2  }
0x9d: {  	[timem:s6], [sflag:s22] =	dma.local [hbm:s4], s20  }
0x9e: {  	_ =	swait.ge [sflag:s22], s20  }
0x9f: {  	s3 =	ssub.s32 $0x0, s20;
	[sflag:s22] =	ssyncset.done $0x0  }
0xa0: {  	[sflag:s22] =	ssyncadd.s32 s3;
	_ =	sdelay $0x1  }
0xa1: {  	s23 =	simm.s32 $0x1B8B  }
0xa2: {  	_ =	swait.ge [sflag:s23], $0x1  }
0xa3: {  	[sflag:s23] =	ssyncset.done $0x0  }
0xa4: {  	s25 =	simm.s32 $0x1B8E;
	s24 =	sld [smem:$0x3FFE];
	[sflag:s23] =	ssyncadd.s32 $0xFFFFFFFF  }
0xa5: {  	s26 =	simm.s32 $execute0_lowered;
	[smem:$0x3FD2] =	sst s25  }
0xa6: {  	s4 =	sshll.u32 s26, $0x1;
	_ =	strace $0x8000004C;
	[dreg:$0x1] =	wrdreg $0xFFFFFFFF  }
0xa7: {  	s28 =	simm.s32 $_size_execute0_lowered;
	s2 =	sadd.s32 s2, s4;
	[dreg:$0x0] =	wrdreg $0x0  }
0xa8: {  	s4 =	sshll.u32 s28, $0x1;
	[dreg:$0x2] =	wrdreg s2  }
0xa9: {  	[dreg:$0x3] =	wrdreg s4  }
0xaa: {  	[dreg:$0x4] =	wrdreg $0xC0  }
0xab: {  	_ =	task [dreg:s6], $0x5FFFF  }
0xac: {  	[dreg:$0x1] =	wrdreg $0xFFFFFFFF  }
0xad: {  	[dreg:$0x0] =	wrdreg $0x60  }
0xae: {  	[dreg:$0x2] =	wrdreg s24  }
0xaf: {  	[dreg:$0x3] =	wrdreg $0x90000  }
0xb0: {  	[dreg:$0x4] =	wrdreg $0x9  }
0xb1: {  	_ =	task.clear_ibuf [dreg:s6], $0x5FFFF;
	_ =	strace $0x9000004C  }
0xb2: {  	s29 =	simm.s32 $0x9;
	_ =	strace $0x8000004E  }
0xb3: {  	_ =	swait.ge [sflag:s29], $0x1  }
0xb4: {  	[sflag:s29] =	ssyncadd.s32 $0xFFFFFFFF  }
0xb5: {  	_ =	strace $0x9000004E  }
0xb6: {  	_ =	sfence  }
0xb7: {  	s30 =	sld [smem:$0x0];
	_ =	sdelay $0x2  }
0xb8: {  	s31 =	sshll.u32 s1, $0xD;
	s1 =	sshrl.u32 s1, $0x2  }
0xb9: {  	s3 =	sand.u32 $0x4000, s31;
	s1 =	sadd.s32 s1, s30  }
0xba: {  	s0 =	sor.u32 s3, s0;
	s1 =	sshll.u32 s1, $0x11  }
0xbb: {  	s0 =	sor.u32 s1, s0  }
0xbc: {  	s0 =	sadd.s32 $0x8F2B, s0  }
0xbd: {  	[sflag:s0] =	ssyncadd.remote.s32 $0x1  }
0xbe: {  	_ =	sfence.sel $0xFFFF  }
0xbf: {  	[dreg:$0x0] =	wrdreg $0xFFFFFFFF;
	(pc) =	sbr.abs _section_cstart, $3  }
0xc0: {  	[dreg:$0x1] =	wrdreg $0xFFFFFFFF  }
0xc1: {  	_ =	task.clear_ibuf [dreg:s6], $0x2FFFF;
	_ =	strace $0x9FFFFFFF  }
0xc2: {  	(tm) =	ssettm $0x7FFFFFFF  }
0xc3: {  	_ =	shalt  }
tec
execute0_lowered:
.L_overlay_start_1:
0x0: {  	(tag) =	ssettag $0x1  }
0x1: {  	s0 =	srdreg.scid;
	s5 =	rddreg [dreg:$0x0]  }
0x2: {  	s1 =	rddreg [dreg:$0x1];
	s2 =	stileid.u32  }
0x3: {  	s3 =	simm.s32 $0x0;
	s18 =	simm.s32 $0x80;
	s19 =	simm.s32 $0x1  }
0x4: {  	s9 =	sand.u32 $0x1, s0;
	s0 =	rddreg [dreg:$0x2];
	s7 =	smul.u32 $0x50000, s2  }
0x5: {  	s22 =	simm.s32 $0x0;
	[smem:$0x7FF] =	sst s3;
	s12 =	smul.u32 $0x4E000, s2  }
0x6: {  	s13 =	sadd.s32 $0x41800, s5;
	s16 =	smul.u32 $0x2700, s2;
	s21 =	sadd.s32 $0x138000, s1  }
0x7: {  	p0 =	sne.s32 s2, $0x0;
	s4 =	sshll.u32 s9, $0x4;
	s14 =	smul.u32 $0x27100, s9  }
0x8: {  	_ =	strace $0x8000004D;
	s28 =	ssub.s32 $0x2, s9;
	s17 =	smul.u32 $0x138800, s9  }
0x9: {  	s21 =	sshrl.u32 @!p0 s21, $0x3;
	s4 =	sor.u32 s2, s4;
	s29 =	sshrl.u32 s7, $0x2  }
0xa: {  	s30 =	sshrl.u32 s28, $0x1;
	s12 =	sshrl.u32 s12, $0x2;
	s6 =	smul.u32 $0x500, s4  }
0xb: {  	s4 =	sadd.s32 $0x1A600, s5;
	s15 =	ssub.s32 s28, s30;
	s14 =	sadd.s32 s16, s14  }
0xc: {  	s31 =	sshrl.u32 s17, $0x3;
	s20 =	sadd.s32 s12, s1;
	s16 =	simm.s32 $0x2  }
0xd: {  	s17 =	simm.s32 $0x2800;
	s12 =	sadd.s32 s13, s14;
	s13 =	sadd.s32 s13, s31  }
0xe: {  	s14 =	smax.u32 s15, $0x1;
	s15 =	simm.s32 $0x5000;
	s20 =	sshrl.u32 s20, $0x3  }
0xf: {  	s11 =	sadd.s32 s6, s5;
	s5 =	sadd.s32 s29, s1;
	s13 =	sadd.s32 $0x27000, s13  }
0x10: {  	s6 =	sadd.s32 $0x4000, s5;
	s7 =	sadd.s32 $0x8000, s5;
	s8 =	sadd.s32 $0xC000, s5  }
0x11: {  	v0 =	vimm.f32 $0.0e+00;
	s9 =	sadd.s32 $0x10000, s5;
	s10 =	sadd.s32 $0x10600, s11;
	s11 =	sadd.s32 $0x6600, s11  }
.LBB2_1:
0x12: {  	s23 =	sand.u32 $0xFE00, s3  }
0x13: {  	s24 =	sand.u32 $0x70, s3;
	s25 =	sshrl.u32 s23, $0x2  }
0x14: {  	s23 =	simm.s32 $0x40;
	s25 =	sor.u32 s24, s25;
	s24 =	simm.s32 $0x0  }
.LBB2_2:
0x15: {  	p1 =	sne.s32 s23, $0xFFC0  }
0x16: {  	[tilespmem:s25+$0x5000] =	vst v0;
	s24 =	sadd.s32 $0x10, s24;
	s25 =	smov.u32 s23;
	s23 =	sadd.s32 $0x40, s23  }
.Ltmp0:
0x17: {  	(pc) =	sbr.rel @p1 .LBB2_2-.Ltmp0, $4  }
0x18: {  	_ = 	snop  }
0x19: {  	s25 =	sand.u32 $0xFE00, s25  }
0x1a: {  	s26 =	sand.u32 $0x70, s24;
	s25 =	sshrl.u32 s25, $0x2  }
0x1b: {  	s25 =	sor.u32 s26, s25  }
0x1c: {  	[tilespmem:s25+$0x5000] =	vst v0  }
0x1d: {  	[spmem:s5] =	stream.linear.scatter [tilespmem:s15], [sflag:$0x2], $0x4000, $0x38;
	[tilespmem:$0x1D000] =	vst v63  }
0x1e: {  	_ =	swait.ge [sflag:s16], $0x4000  }
0x1f: {  	[sflag:s16] =	ssyncset.done $0x0  }
0x20: {  	[sflag:s16] =	ssyncadd.s32 $0xFFFFC000  }
0x21: {  	[spmem:s6] =	stream.linear.scatter [tilespmem:s15], [sflag:$0x2], $0x4000, $0x38;
	[tilespmem:$0x1D000] =	vst v63  }
0x22: {  	_ =	swait.ge [sflag:s16], $0x4000  }
0x23: {  	[sflag:s16] =	ssyncset.done $0x0  }
0x24: {  	[sflag:s16] =	ssyncadd.s32 $0xFFFFC000  }
0x25: {  	[spmem:s7] =	stream.linear.scatter [tilespmem:s15], [sflag:$0x2], $0x4000, $0x38;
	[tilespmem:$0x1D000] =	vst v63  }
0x26: {  	_ =	swait.ge [sflag:s16], $0x4000  }
0x27: {  	[sflag:s16] =	ssyncset.done $0x0  }
0x28: {  	[sflag:s16] =	ssyncadd.s32 $0xFFFFC000  }
0x29: {  	[spmem:s8] =	stream.linear.scatter [tilespmem:s15], [sflag:$0x2], $0x4000, $0x38;
	[tilespmem:$0x1D000] =	vst v63  }
0x2a: {  	_ =	swait.ge [sflag:s16], $0x4000  }
0x2b: {  	[sflag:s16] =	ssyncset.done $0x0  }
0x2c: {  	[sflag:s16] =	ssyncadd.s32 $0xFFFFC000  }
0x2d: {  	[spmem:s9] =	stream.linear.scatter [tilespmem:s15], [sflag:$0x2], $0x4000, $0x38;
	[tilespmem:$0x1D000] =	vst v63  }
0x2e: {  	_ =	swait.ge [sflag:s16], $0x4000  }
0x2f: {  	[sflag:s16] =	ssyncset.done $0x0  }
0x30: {  	s23 =	simm.s32 $0x0;
	[sflag:s16] =	ssyncadd.s32 $0xFFFFC000  }
0x31: {  	[tilespmem:s23], [sflag:$0x2] =	stream.linear.gather [hbm4b:s10+s23], $0x2800, $0x38;
	[tilespmem:$0x1D000] =	vst v63  }
0x32: {  	_ =	swait.ge [sflag:s16], $0x2800  }
0x33: {  	[sflag:s16] =	ssyncset.done $0x0  }
0x34: {  	[sflag:s16] =	ssyncadd.s32 $0xFFFFD800  }
0x35: {  	[tilespmem:s17], [sflag:$0x2] =	stream.linear.gather [hbm4b:s11+s23], $0x2800, $0x38;
	[tilespmem:$0x1D000] =	vst v63  }
0x36: {  	_ =	swait.ge [sflag:s16], $0x2800  }
0x37: {  	[sflag:s16] =	ssyncset.done $0x0  }
0x38: {  	[sflag:s16] =	ssyncadd.s32 $0xFFFFD800  }
0x39: {  	s30 =	simm.s32 $0x0;
	[bflag:$0x0] =	sbarrier.arrive $0xFFFF  }
0x3a: {  	[tilespmem:s15], [sflag:$0x1] =	stream.indirect.gather [hbm4b:s4+s18], $0x80, s30, s18, $0xb8;
	[tilespmem:$0x1D000] =	vst v63  }
0x3b: {  	_ =	swait.ge [sflag:s19], $0x4000  }
0x3c: {  	[sflag:s19] =	ssyncset.done $0x0  }
0x3d: {  	s31 =	simm.s32 $0x2800;
	[sflag:s19] =	ssyncadd.s32 $0xFFFFC000  }
0x3e: {  	[spmem:s1] =	stream.indirect.scatter.add.f32 [tilespmem:s15], [sflag:$0x2], $0x80, s31, s18, $0xb8;
	[tilespmem:$0x1D000] =	vst v63  }
0x3f: {  	_ =	swait.ge [sflag:s16], $0x4000  }
0x40: {  	s24 =	simm.s32 $0x400;
	s23 =	simm.s32 $0x200;
	[sflag:s16] =	ssyncset.done $0x0  }
.LBB2_4:
0x41: {  	s25 =	sshra.s32 s23, $0x2  }
0x42: {  	[sflag:s16] =	ssyncadd.s32 $0xFFFFC000;
	s23 =	smov.u32 s24;
	s26 =	sadd.s32 $0x200, s24  }
0x43: {  	[tilespmem:s15], [sflag:$0x1] =	stream.indirect.gather [hbm4b:s4+s18], $0x80, s25, s18, $0xb8;
	[tilespmem:$0x1D000] =	vst v63  }
0x44: {  	p1 =	sne.s32 s24, $0x9E00;
	_ =	swait.ge [sflag:s19], $0x4000  }
.Ltmp1:
0x45: {  	[sflag:s19] =	ssyncset.done $0x0;
	(pc) =	sbr.rel @p1 .LBB2_4-.Ltmp1, $4  }
0x46: {  	s24 =	sadd.s32 $0x2800, s25;
	[sflag:s19] =	ssyncadd.s32 $0xFFFFC000  }
0x47: {  	[spmem:s1] =	stream.indirect.scatter.add.f32 [tilespmem:s15], [sflag:$0x2], $0x80, s24, s18, $0xb8;
	[tilespmem:$0x1D000] =	vst v63  }
0x48: {  	_ =	swait.ge [sflag:s16], $0x4000  }
0x49: {  	s24 =	smov.u32 s26;
	[sflag:s16] =	ssyncset.done $0x0  }
0x4a: {  	s23 =	sshra.s32 s23, $0x2;
	[sflag:s16] =	ssyncadd.s32 $0xFFFFC000  }
0x4b: {  	[tilespmem:s15], [sflag:$0x1] =	stream.indirect.gather [hbm4b:s4+s18], $0x80, s23, s18, $0xb8;
	[tilespmem:$0x1D000] =	vst v63  }
0x4c: {  	_ =	swait.ge [sflag:s19], $0x4000  }
0x4d: {  	[sflag:s19] =	ssyncset.done $0x0  }
0x4e: {  	s23 =	sadd.s32 $0x2800, s23;
	[sflag:s19] =	ssyncadd.s32 $0xFFFFC000  }
0x4f: {  	[spmem:s1] =	stream.indirect.scatter.add.f32 [tilespmem:s15], [sflag:$0x2], $0x80, s23, s18, $0xb8;
	[tilespmem:$0x1D000] =	vst v63  }
0x50: {  	_ =	swait.ge [sflag:s16], $0x4000  }
0x51: {  	[sflag:s16] =	ssyncset.done $0x0  }
0x52: {  	s31 =	sshll.u32 s2, $0x6;
	[sflag:s16] =	ssyncadd.s32 $0xFFFFC000  }
0x53: {  	s23 =	sor.u32 $0x1C02, s31;
	[bflag:$0x0] =	sbarrier.arrive $0xFFFF  }
0x54: {  	[hbm:s12], [sflag:s23] =	dma.local [spmem:s20], $0x2700  }
0x55: {  	_ =	swait.ge [sflag:s16], $0x2700  }
0x56: {  	s22 =	sadd.s32 $0x1, s22;
	[sflag:s16] =	ssyncset.done $0x0  }
0x57: {  	p1 =	sne.s32 s22, s14;
	[sflag:s16] =	ssyncadd.s32 $0xFFFFD900  }
0x58: {  	[hbm:s13], [sflag:s23] =	dma.local @!p0 [spmem:s21], $0x100  }
.Ltmp2:
0x59: {  	_ = 	snop;
	(pc) =	sbr.rel @p1 .LBB2_1-.Ltmp2, $4  }
0x5a: {  	s23 =	simm.s32 @!p0 $0x2  }
0x5b: {  	_ =	swait.ge @!p0 [sflag:s23], $0x100  }
0x5c: {  	[sflag:s23] =	ssyncset.done @!p0 $0x0  }
0x5d: {  	[sflag:s23] =	ssyncadd.s32 @!p0 $0xFFFFFF00  }
0x5e: {  	_ =	sfence.sel $0x180000  }
0x5f: {  	[bflag:$0x0] =	sbarrier.arrive $0xFFFF  }
0x60: {  	_ =	strace $0x9000004D  }
0x61: {  	s0 =	sadd.s32 @!p0 $0x100000, s0;
	[bflag:$0x2] =	sbarrier.arrive $0xFFFF  }
0x62: {  	[sflag:s0] =	ssyncadd.tile.s32 @!p0 $0x1;
	_ =	shalt  }
.Lfunc_end2:
_tile_overlayer_lowered:
.L_overlay_start_2:
0x63: {  	(tag) =	ssettag $0x2  }
0x64: {  	s0 =	rddreg [dreg:$0x0];
	s2 =	stileid.u32  }
0x65: {  	s1 =	rddreg [dreg:$0x1];
	p0 =	sne.s32 s2, $0x0  }
0x66: {  	s3 =	rddreg [dreg:$0x2];
	[bflag:$0x3] =	sbarrier.arrive $0xFFFF;
	s2 =	simm.s32 @!p0 $0x1C02  }
0x67: {  	[timem:s3], [sflag:s2] =	dma.local @!p0 [hbm:s0], s1  }
0x68: {  	s0 =	simm.s32 @!p0 $0x2  }
0x69: {  	_ =	swait.ge @!p0 [sflag:s0], s1  }
0x6a: {  	s1 =	ssub.s32 @!p0 $0x0, s1;
	[sflag:s0] =	ssyncset.done @!p0 $0x0  }
0x6b: {  	[sflag:s0] =	ssyncadd.s32 @!p0 s1  }
0x6c: {  	[bflag:$0x3] =	sbarrier.arrive $0xFFFF  }
0x6d: {  	_ =	shalt  }

// kernel: kernel.37.cloned.1.call-start
scs
__scs_entry_jumppad:
0x0: {  	(pc) =	sbr.rel $0x88, $3  }
0x1: {  	(tag) =	ssettag $0x0;
	lr =	simm.s32 $0x1  }
0x2: {  	[smem:$0x3F96] =	sst lr;
	_ =	strace $0xD0000000  }
0x3: {  	_ = 	snop  }
0x4: {  	_ = 	snop  }
0x5: {  	_ = 	snop  }
0x6: {  	_ = 	snop  }
0x7: {  	_ = 	snop  }
__scs_overlays_trampoline_lowered:
0x8: {  	[smem:$0x3FA5] =	sst s0  }
0x9: {  	[smem:$0x3FA6] =	sst s1  }
0xa: {  	[smem:$0x3FA7] =	sst s2  }
0xb: {  	[smem:$0x3FA8] =	sst s3  }
0xc: {  	[smem:$0x3FA9] =	sst s4  }
0xd: {  	[smem:$0x3FAA] =	sst s5  }
0xe: {  	[smem:$0x3FAB] =	sst s6  }
0xf: {  	[smem:$0x3FAC] =	sst s7  }
0x10: {  	[smem:$0x3FAD] =	sst s8  }
0x11: {  	[smem:$0x3FAE] =	sst s9;
	s0 =	simm.s32 @!p0 $0x0  }
0x12: {  	s1 =	sld [smem:$0x3F94];
	s0 =	simm.s32 @p0 $0x1  }
0x13: {  	[smem:$0x3FAF] =	sst s0;
	s0 =	simm.s32 @!p1 $0x0  }
0x14: {  	s2 =	sld [smem:$0x3F93];
	s0 =	simm.s32 @p1 $0x1  }
0x15: {  	[smem:$0x3FB0] =	sst s0;
	s0 =	simm.s32 @!p2 $0x0  }
0x16: {  	s3 =	sld [smem:$0x3FDB];
	s0 =	simm.s32 @p2 $0x1  }
0x17: {  	s4 =	simm.s32 $0x1BF5;
	[smem:$0x3FB2] =	sst s0  }
0x18: {  	s0 =	sld [smem:$0x3F95];
	_ =	swait.ge [sflag:s4], $0x0  }
0x19: {  	s7 =	sld [smem:$0x3F96]  }
0x1a: {  	s8 =	sadd.s32 $0xFFFFE003, lr  }
0x1b: {  	s9 =	sadd.s32 $0xFFFFFEF7, lr;
	s5 =	simm.s32 $0xFFFFFFFF;
	p2 =	slt.u32 s8, $0xFFFFF086  }
0x1c: {  	p1 =	slt.u32 s9, $0xF7A;
	s5 =	simm.s32 @!p2 $0x0  }
0x1d: {  	s5 =	simm.s32 @p1 $0x1;
	p0 =	seq.s32 s7, s2  }
0x1e: {  	s7 =	smul.u32 @!p0 $0xF7A, s2;
	p2 =	seq.s32 @!p0 s5, $0x0  }
0x1f: {  	s9 =	smul.u32 $0xF7A, s1;
	s8 =	simm.s32 @!p0 $0x1BF5;
	p2 =	por !p2, p0  }
0x20: {  	[sflag:s8] =	ssyncset.s32 @!p0 $0xFFFFF086;
	s6 =	sadd.s32 @!p0 s3, s7;
	s7 =	simm.s32 @!p0 $0x108  }
0x21: {  	s3 =	sadd.s32 s3, s9;
	s6 =	sadd.s32 @!p0 $0x88, s6;
	s7 =	simm.s32 @p2 $0x1082  }
0x22: {  	[simem:s7], [sflag:s8] =	dma.local @!p0 [hbm:s6], $0xF7A  }
0x23: {  	s9 =	sor.u32 $0xD0000000, s2;
	s6 =	simm.s32 $0x108;
	_ =	swait.ge @!p0 [sflag:s8], $0x0  }
0x24: {  	s3 =	sadd.s32 $0x88, s3;
	s6 =	simm.s32 @!p1 $0x1082;
	[sflag:s4] =	ssyncset.s32 $0xFFFFF086  }
0x25: {  	[simem:s6], [sflag:s4] =	dma.local [hbm:s3], $0xF7A  }
0x26: {  	[smem:$0x3F96] =	sst s1;
	(tag) =	ssettag s2;
	_ =	strace s9  }
0x27: {  	s1 =	sld [smem:$0x3FA6]  }
0x28: {  	s2 =	sld [smem:$0x3FA7]  }
0x29: {  	s4 =	sld [smem:$0x3FA9]  }
0x2a: {  	p0 =	seq.s32 s5, $0x0;
	s5 =	sld [smem:$0x3FAA]  }
0x2b: {  	s6 =	sld [smem:$0x3FAB]  }
0x2c: {  	s7 =	sld [smem:$0x3FAC]  }
0x2d: {  	s3 =	simm.s32 $0x108;
	s8 =	sld [smem:$0x3FAD]  }
0x2e: {  	s3 =	simm.s32 @!p0 $0x1082;
	s9 =	sld [smem:$0x3FAE]  }
0x2f: {  	lr =	sadd.s32 s0, s3;
	s0 =	sld [smem:$0x3FA5]  }
0x30: {  	s3 =	sld [smem:$0x3FA8]  }
0x31: {  	[smem:$0x3FB1] =	sst s10  }
0x32: {  	s10 =	sld [smem:$0x3FAF];
	_ =	sdelay $0x3  }
0x33: {  	p0 =	seq.s32 s10, $0x1;
	s10 =	sld [smem:$0x3FB1];
	_ =	sdelay $0x3  }
0x34: {  	[smem:$0x3FB1] =	sst s10  }
0x35: {  	s10 =	sld [smem:$0x3FB0];
	_ =	sdelay $0x3  }
0x36: {  	p1 =	seq.s32 s10, $0x1;
	s10 =	sld [smem:$0x3FB1];
	_ =	sdelay $0x3  }
0x37: {  	[smem:$0x3FB1] =	sst s10  }
0x38: {  	s10 =	sld [smem:$0x3FB2]  }
0x39: {  	_ = 	snop;
	(pc) =	sbr.ind lr, $3  }
0x3a: {  	_ = 	snop  }
0x3b: {  	_ = 	snop  }
0x3c: {  	p2 =	seq.s32 s10, $0x1;
	s10 =	sld [smem:$0x3FB1]  }
0x3d: {  	_ =	shalt  }
0x3e: {  	_ =	shalt  }
0x3f: {  	_ =	shalt  }
0x40: {  	_ =	shalt  }
0x41: {  	_ =	shalt  }
0x42: {  	_ =	shalt  }
0x43: {  	_ =	shalt  }
0x44: {  	_ =	shalt  }
0x45: {  	_ =	shalt  }
0x46: {  	_ =	shalt  }
0x47: {  	_ =	shalt  }
0x48: {  	_ =	shalt  }
0x49: {  	_ =	shalt  }
0x4a: {  	_ =	shalt  }
0x4b: {  	_ =	shalt  }
0x4c: {  	_ =	shalt  }
0x4d: {  	_ =	shalt  }
0x4e: {  	_ =	shalt  }
0x4f: {  	_ =	shalt  }
0x50: {  	_ =	shalt  }
0x51: {  	_ =	shalt  }
0x52: {  	_ =	shalt  }
0x53: {  	_ =	shalt  }
0x54: {  	_ =	shalt  }
0x55: {  	_ =	shalt  }
0x56: {  	_ =	shalt  }
0x57: {  	_ =	shalt  }
0x58: {  	_ =	shalt  }
0x59: {  	_ =	shalt  }
0x5a: {  	_ =	shalt  }
0x5b: {  	_ =	shalt  }
0x5c: {  	_ =	shalt  }
0x5d: {  	_ =	shalt  }
0x5e: {  	_ =	shalt  }
0x5f: {  	_ =	shalt  }
0x60: {  	_ =	shalt  }
0x61: {  	_ =	shalt  }
0x62: {  	_ =	shalt  }
0x63: {  	_ =	shalt  }
0x64: {  	_ =	shalt  }
0x65: {  	_ =	shalt  }
0x66: {  	_ =	shalt  }
0x67: {  	_ =	shalt  }
0x68: {  	_ =	shalt  }
0x69: {  	_ =	shalt  }
0x6a: {  	_ =	shalt  }
0x6b: {  	_ =	shalt  }
0x6c: {  	_ =	shalt  }
0x6d: {  	_ =	shalt  }
0x6e: {  	_ =	shalt  }
0x6f: {  	_ =	shalt  }
0x70: {  	_ =	shalt  }
0x71: {  	_ =	shalt  }
0x72: {  	_ =	shalt  }
0x73: {  	_ =	shalt  }
0x74: {  	_ =	shalt  }
0x75: {  	_ =	shalt  }
0x76: {  	_ =	shalt  }
0x77: {  	_ =	shalt  }
0x78: {  	_ =	shalt  }
0x79: {  	_ =	shalt  }
0x7a: {  	_ =	shalt  }
0x7b: {  	_ =	shalt  }
0x7c: {  	_ =	shalt  }
0x7d: {  	_ =	shalt  }
0x7e: {  	_ =	shalt  }
0x7f: {  	_ =	shalt  }
0x80: {  	_ =	shalt  }
0x81: {  	_ =	shalt  }
0x82: {  	_ =	shalt  }
0x83: {  	_ =	shalt  }
0x84: {  	_ =	shalt  }
0x85: {  	_ =	shalt  }
0x86: {  	_ =	shalt  }
0x87: {  	_ =	shalt  }
.Lfunc_end0:
.L_simem_size_0:
called_computation.3_lowered:
.L_overlay_start_0:
0x88: {  	s2 =	sld [smem:$0x3FD9]  }
0x89: {  	s3 =	sld [smem:$0x3FFE];
	_ =	sdelay $0x1  }
0x8a: {  	s1 =	srdreg.scid  }
0x8b: {  	s0 =	sand.u32 $0x1, s1  }
0x8c: {  	s16 =	sshll.u32 s0, $0xA;
	s2 =	sadd.s32 s3, s2  }
0x8d: {  	s2 =	sadd.s32 s2, s16  }
0x8e: {  	[smem:$0x3FBD] =	sst s2  }
0x8f: {  	_ = 	snop  }
0x90: {  	(tm) =	ssettm $0x1  }
0x91: {  	s17 =	sld [smem:$0x3FFB];
	_ =	sdelay $0x3  }
0x92: {  	_ =	strace s17  }
0x93: {  	s2 =	sld [smem:$0x3FFC];
	_ =	sdelay $0x3  }
0x94: {  	_ =	strace s2  }
0x95: {  	s2 =	sld [smem:$0x3FFD];
	_ =	sdelay $0x3  }
0x96: {  	_ =	strace s2  }
0x97: {  	_ =	strace $0x8FFFFFFF  }
0x98: {  	s18 =	sld [smem:$0x3FDB];
	_ =	sdelay $0x1  }
0x99: {  	s19 =	simm.s32 $_scs_section_size  }
0x9a: {  	s4 =	simm.s32 $_size__tile_overlayer_lowered;
	s5 =	simm.s32 $_tile_overlayer_lowered  }
0x9b: {  	s22 =	simm.s32 $0x1BFF;
	s21 =	sshll.u32 s5, $0x1;
	s2 =	sadd.s32 s19, s18  }
0x9c: {  	s6 =	simm.s32 $0x0;
	s20 =	sshll.u32 s4, $0x1;
	s4 =	sadd.s32 s21, s2  }
0x9d: {  	[timem:s6], [sflag:s22] =	dma.local [hbm:s4], s20  }
0x9e: {  	_ =	swait.ge [sflag:s22], s20  }
0x9f: {  	s3 =	ssub.s32 $0x0, s20;
	[sflag:s22] =	ssyncset.done $0x0  }
0xa0: {  	[sflag:s22] =	ssyncadd.s32 s3;
	_ =	sdelay $0x1  }
0xa1: {  	s23 =	simm.s32 $0x1B8B  }
0xa2: {  	_ =	swait.ge [sflag:s23], $0x1  }
0xa3: {  	[sflag:s23] =	ssyncset.done $0x0  }
0xa4: {  	s25 =	simm.s32 $0x1B8E;
	s24 =	sld [smem:$0x3FFE];
	[sflag:s23] =	ssyncadd.s32 $0xFFFFFFFF  }
0xa5: {  	s26 =	simm.s32 $execute0_lowered;
	[smem:$0x3FD2] =	sst s25  }
0xa6: {  	s4 =	sshll.u32 s26, $0x1;
	_ =	strace $0x8000004F;
	[dreg:$0x1] =	wrdreg $0xFFFFFFFF  }
0xa7: {  	s28 =	simm.s32 $_size_execute0_lowered;
	s2 =	sadd.s32 s2, s4;
	[dreg:$0x0] =	wrdreg $0x0  }
0xa8: {  	s4 =	sshll.u32 s28, $0x1;
	[dreg:$0x2] =	wrdreg s2  }
0xa9: {  	[dreg:$0x3] =	wrdreg s4  }
0xaa: {  	[dreg:$0x4] =	wrdreg $0xC0  }
0xab: {  	_ =	task [dreg:s6], $0x5FFFF  }
0xac: {  	[dreg:$0x1] =	wrdreg $0xFFFFFFFF  }
0xad: {  	[dreg:$0x0] =	wrdreg $0x60  }
0xae: {  	[dreg:$0x2] =	wrdreg s24  }
0xaf: {  	[dreg:$0x3] =	wrdreg $0x90000  }
0xb0: {  	[dreg:$0x4] =	wrdreg $0x9  }
0xb1: {  	_ =	task.clear_ibuf [dreg:s6], $0x5FFFF;
	_ =	strace $0x9000004F  }
0xb2: {  	s29 =	simm.s32 $0x9;
	_ =	strace $0x80000051  }
0xb3: {  	_ =	swait.ge [sflag:s29], $0x1  }
0xb4: {  	[sflag:s29] =	ssyncadd.s32 $0xFFFFFFFF  }
0xb5: {  	_ =	strace $0x90000051  }
0xb6: {  	_ =	sfence  }
0xb7: {  	s30 =	sld [smem:$0x0];
	_ =	sdelay $0x2  }
0xb8: {  	s31 =	sshll.u32 s1, $0xD;
	s1 =	sshrl.u32 s1, $0x2  }
0xb9: {  	s3 =	sand.u32 $0x4000, s31;
	s1 =	sadd.s32 s1, s30  }
0xba: {  	s0 =	sor.u32 s3, s0;
	s1 =	sshll.u32 s1, $0x11  }
0xbb: {  	s0 =	sor.u32 s1, s0  }
0xbc: {  	s0 =	sadd.s32 $0x8F2B, s0  }
0xbd: {  	[sflag:s0] =	ssyncadd.remote.s32 $0x1  }
0xbe: {  	_ =	sfence.sel $0xFFFF  }
0xbf: {  	[dreg:$0x0] =	wrdreg $0xFFFFFFFF;
	(pc) =	sbr.abs _section_cstart, $3  }
0xc0: {  	[dreg:$0x1] =	wrdreg $0xFFFFFFFF  }
0xc1: {  	_ =	task.clear_ibuf [dreg:s6], $0x2FFFF;
	_ =	strace $0x9FFFFFFF  }
0xc2: {  	(tm) =	ssettm $0x7FFFFFFF  }
0xc3: {  	_ =	shalt  }
tec
execute0_lowered:
.L_overlay_start_1:
0x0: {  	(tag) =	ssettag $0x1  }
0x1: {  	s0 =	srdreg.scid;
	s5 =	rddreg [dreg:$0x0]  }
0x2: {  	s1 =	rddreg [dreg:$0x1];
	s2 =	stileid.u32  }
0x3: {  	s3 =	simm.s32 $0x0;
	s18 =	simm.s32 $0x80;
	s19 =	simm.s32 $0x1  }
0x4: {  	s9 =	sand.u32 $0x1, s0;
	s0 =	rddreg [dreg:$0x2];
	s7 =	smul.u32 $0x50000, s2  }
0x5: {  	s22 =	simm.s32 $0x0;
	[smem:$0x7FF] =	sst s3;
	s12 =	smul.u32 $0x4E000, s2  }
0x6: {  	s13 =	sadd.s32 $0x41800, s5;
	s16 =	smul.u32 $0x2700, s2;
	s21 =	sadd.s32 $0x138000, s1  }
0x7: {  	p0 =	sne.s32 s2, $0x0;
	s4 =	sshll.u32 s9, $0x4;
	s14 =	smul.u32 $0x27100, s9  }
0x8: {  	_ =	strace $0x80000050;
	s28 =	ssub.s32 $0x2, s9;
	s17 =	smul.u32 $0x138800, s9  }
0x9: {  	s21 =	sshrl.u32 @!p0 s21, $0x3;
	s4 =	sor.u32 s2, s4;
	s29 =	sshrl.u32 s7, $0x2  }
0xa: {  	s30 =	sshrl.u32 s28, $0x1;
	s12 =	sshrl.u32 s12, $0x2;
	s6 =	smul.u32 $0x500, s4  }
0xb: {  	s4 =	sadd.s32 $0x1A600, s5;
	s15 =	ssub.s32 s28, s30;
	s14 =	sadd.s32 s16, s14  }
0xc: {  	s31 =	sshrl.u32 s17, $0x3;
	s20 =	sadd.s32 s12, s1;
	s16 =	simm.s32 $0x2  }
0xd: {  	s17 =	simm.s32 $0x2800;
	s12 =	sadd.s32 s13, s14;
	s13 =	sadd.s32 s13, s31  }
0xe: {  	s14 =	smax.u32 s15, $0x1;
	s15 =	simm.s32 $0x5000;
	s20 =	sshrl.u32 s20, $0x3  }
0xf: {  	s11 =	sadd.s32 s6, s5;
	s5 =	sadd.s32 s29, s1;
	s13 =	sadd.s32 $0x27000, s13  }
0x10: {  	s6 =	sadd.s32 $0x4000, s5;
	s7 =	sadd.s32 $0x8000, s5;
	s8 =	sadd.s32 $0xC000, s5  }
0x11: {  	v0 =	vimm.f32 $0.0e+00;
	s9 =	sadd.s32 $0x10000, s5;
	s10 =	sadd.s32 $0x10600, s11;
	s11 =	sadd.s32 $0x6600, s11  }
.LBB2_1:
0x12: {  	s23 =	sand.u32 $0xFE00, s3  }
0x13: {  	s24 =	sand.u32 $0x70, s3;
	s25 =	sshrl.u32 s23, $0x2  }
0x14: {  	s23 =	simm.s32 $0x40;
	s25 =	sor.u32 s24, s25;
	s24 =	simm.s32 $0x0  }
.LBB2_2:
0x15: {  	p1 =	sne.s32 s23, $0xFFC0  }
0x16: {  	[tilespmem:s25+$0x5000] =	vst v0;
	s24 =	sadd.s32 $0x10, s24;
	s25 =	smov.u32 s23;
	s23 =	sadd.s32 $0x40, s23  }
.Ltmp0:
0x17: {  	(pc) =	sbr.rel @p1 .LBB2_2-.Ltmp0, $4  }
0x18: {  	_ = 	snop  }
0x19: {  	s25 =	sand.u32 $0xFE00, s25  }
0x1a: {  	s26 =	sand.u32 $0x70, s24;
	s25 =	sshrl.u32 s25, $0x2  }
0x1b: {  	s25 =	sor.u32 s26, s25  }
0x1c: {  	[tilespmem:s25+$0x5000] =	vst v0  }
0x1d: {  	[spmem:s5] =	stream.linear.scatter [tilespmem:s15], [sflag:$0x2], $0x4000, $0x38;
	[tilespmem:$0x1D000] =	vst v63  }
0x1e: {  	_ =	swait.ge [sflag:s16], $0x4000  }
0x1f: {  	[sflag:s16] =	ssyncset.done $0x0  }
0x20: {  	[sflag:s16] =	ssyncadd.s32 $0xFFFFC000  }
0x21: {  	[spmem:s6] =	stream.linear.scatter [tilespmem:s15], [sflag:$0x2], $0x4000, $0x38;
	[tilespmem:$0x1D000] =	vst v63  }
0x22: {  	_ =	swait.ge [sflag:s16], $0x4000  }
0x23: {  	[sflag:s16] =	ssyncset.done $0x0  }
0x24: {  	[sflag:s16] =	ssyncadd.s32 $0xFFFFC000  }
0x25: {  	[spmem:s7] =	stream.linear.scatter [tilespmem:s15], [sflag:$0x2], $0x4000, $0x38;
	[tilespmem:$0x1D000] =	vst v63  }
0x26: {  	_ =	swait.ge [sflag:s16], $0x4000  }
0x27: {  	[sflag:s16] =	ssyncset.done $0x0  }
0x28: {  	[sflag:s16] =	ssyncadd.s32 $0xFFFFC000  }
0x29: {  	[spmem:s8] =	stream.linear.scatter [tilespmem:s15], [sflag:$0x2], $0x4000, $0x38;
	[tilespmem:$0x1D000] =	vst v63  }
0x2a: {  	_ =	swait.ge [sflag:s16], $0x4000  }
0x2b: {  	[sflag:s16] =	ssyncset.done $0x0  }
0x2c: {  	[sflag:s16] =	ssyncadd.s32 $0xFFFFC000  }
0x2d: {  	[spmem:s9] =	stream.linear.scatter [tilespmem:s15], [sflag:$0x2], $0x4000, $0x38;
	[tilespmem:$0x1D000] =	vst v63  }
0x2e: {  	_ =	swait.ge [sflag:s16], $0x4000  }
0x2f: {  	[sflag:s16] =	ssyncset.done $0x0  }
0x30: {  	s23 =	simm.s32 $0x0;
	[sflag:s16] =	ssyncadd.s32 $0xFFFFC000  }
0x31: {  	[tilespmem:s23], [sflag:$0x2] =	stream.linear.gather [hbm4b:s10+s23], $0x2800, $0x38;
	[tilespmem:$0x1D000] =	vst v63  }
0x32: {  	_ =	swait.ge [sflag:s16], $0x2800  }
0x33: {  	[sflag:s16] =	ssyncset.done $0x0  }
0x34: {  	[sflag:s16] =	ssyncadd.s32 $0xFFFFD800  }
0x35: {  	[tilespmem:s17], [sflag:$0x2] =	stream.linear.gather [hbm4b:s11+s23], $0x2800, $0x38;
	[tilespmem:$0x1D000] =	vst v63  }
0x36: {  	_ =	swait.ge [sflag:s16], $0x2800  }
0x37: {  	[sflag:s16] =	ssyncset.done $0x0  }
0x38: {  	[sflag:s16] =	ssyncadd.s32 $0xFFFFD800  }
0x39: {  	s30 =	simm.s32 $0x0;
	[bflag:$0x0] =	sbarrier.arrive $0xFFFF  }
0x3a: {  	[tilespmem:s15], [sflag:$0x1] =	stream.indirect.gather [hbm4b:s4+s18], $0x80, s30, s18, $0xb8;
	[tilespmem:$0x1D000] =	vst v63  }
0x3b: {  	_ =	swait.ge [sflag:s19], $0x4000  }
0x3c: {  	[sflag:s19] =	ssyncset.done $0x0  }
0x3d: {  	s31 =	simm.s32 $0x2800;
	[sflag:s19] =	ssyncadd.s32 $0xFFFFC000  }
0x3e: {  	[spmem:s1] =	stream.indirect.scatter.add.f32 [tilespmem:s15], [sflag:$0x2], $0x80, s31, s18, $0xb8;
	[tilespmem:$0x1D000] =	vst v63  }
0x3f: {  	_ =	swait.ge [sflag:s16], $0x4000  }
0x40: {  	s24 =	simm.s32 $0x400;
	s23 =	simm.s32 $0x200;
	[sflag:s16] =	ssyncset.done $0x0  }
.LBB2_4:
0x41: {  	s25 =	sshra.s32 s23, $0x2  }
0x42: {  	[sflag:s16] =	ssyncadd.s32 $0xFFFFC000;
	s23 =	smov.u32 s24;
	s26 =	sadd.s32 $0x200, s24  }
0x43: {  	[tilespmem:s15], [sflag:$0x1] =	stream.indirect.gather [hbm4b:s4+s18], $0x80, s25, s18, $0xb8;
	[tilespmem:$0x1D000] =	vst v63  }
0x44: {  	p1 =	sne.s32 s24, $0x9E00;
	_ =	swait.ge [sflag:s19], $0x4000  }
.Ltmp1:
0x45: {  	[sflag:s19] =	ssyncset.done $0x0;
	(pc) =	sbr.rel @p1 .LBB2_4-.Ltmp1, $4  }
0x46: {  	s24 =	sadd.s32 $0x2800, s25;
	[sflag:s19] =	ssyncadd.s32 $0xFFFFC000  }
0x47: {  	[spmem:s1] =	stream.indirect.scatter.add.f32 [tilespmem:s15], [sflag:$0x2], $0x80, s24, s18, $0xb8;
	[tilespmem:$0x1D000] =	vst v63  }
0x48: {  	_ =	swait.ge [sflag:s16], $0x4000  }
0x49: {  	s24 =	smov.u32 s26;
	[sflag:s16] =	ssyncset.done $0x0  }
0x4a: {  	s23 =	sshra.s32 s23, $0x2;
	[sflag:s16] =	ssyncadd.s32 $0xFFFFC000  }
0x4b: {  	[tilespmem:s15], [sflag:$0x1] =	stream.indirect.gather [hbm4b:s4+s18], $0x80, s23, s18, $0xb8;
	[tilespmem:$0x1D000] =	vst v63  }
0x4c: {  	_ =	swait.ge [sflag:s19], $0x4000  }
0x4d: {  	[sflag:s19] =	ssyncset.done $0x0  }
0x4e: {  	s23 =	sadd.s32 $0x2800, s23;
	[sflag:s19] =	ssyncadd.s32 $0xFFFFC000  }
0x4f: {  	[spmem:s1] =	stream.indirect.scatter.add.f32 [tilespmem:s15], [sflag:$0x2], $0x80, s23, s18, $0xb8;
	[tilespmem:$0x1D000] =	vst v63  }
0x50: {  	_ =	swait.ge [sflag:s16], $0x4000  }
0x51: {  	[sflag:s16] =	ssyncset.done $0x0  }
0x52: {  	s31 =	sshll.u32 s2, $0x6;
	[sflag:s16] =	ssyncadd.s32 $0xFFFFC000  }
0x53: {  	s23 =	sor.u32 $0x1C02, s31;
	[bflag:$0x0] =	sbarrier.arrive $0xFFFF  }
0x54: {  	[hbm:s12], [sflag:s23] =	dma.local [spmem:s20], $0x2700  }
0x55: {  	_ =	swait.ge [sflag:s16], $0x2700  }
0x56: {  	s22 =	sadd.s32 $0x1, s22;
	[sflag:s16] =	ssyncset.done $0x0  }
0x57: {  	p1 =	sne.s32 s22, s14;
	[sflag:s16] =	ssyncadd.s32 $0xFFFFD900  }
0x58: {  	[hbm:s13], [sflag:s23] =	dma.local @!p0 [spmem:s21], $0x100  }
.Ltmp2:
0x59: {  	_ = 	snop;
	(pc) =	sbr.rel @p1 .LBB2_1-.Ltmp2, $4  }
0x5a: {  	s23 =	simm.s32 @!p0 $0x2  }
0x5b: {  	_ =	swait.ge @!p0 [sflag:s23], $0x100  }
0x5c: {  	[sflag:s23] =	ssyncset.done @!p0 $0x0  }
0x5d: {  	[sflag:s23] =	ssyncadd.s32 @!p0 $0xFFFFFF00  }
0x5e: {  	_ =	sfence.sel $0x180000  }
0x5f: {  	[bflag:$0x0] =	sbarrier.arrive $0xFFFF  }
0x60: {  	_ =	strace $0x90000050  }
0x61: {  	s0 =	sadd.s32 @!p0 $0x100000, s0;
	[bflag:$0x2] =	sbarrier.arrive $0xFFFF  }
0x62: {  	[sflag:s0] =	ssyncadd.tile.s32 @!p0 $0x1;
	_ =	shalt  }
.Lfunc_end2:
_tile_overlayer_lowered:
.L_overlay_start_2:
0x63: {  	(tag) =	ssettag $0x2  }
0x64: {  	s0 =	rddreg [dreg:$0x0];
	s2 =	stileid.u32  }
0x65: {  	s1 =	rddreg [dreg:$0x1];
	p0 =	sne.s32 s2, $0x0  }
0x66: {  	s3 =	rddreg [dreg:$0x2];
	[bflag:$0x3] =	sbarrier.arrive $0xFFFF;
	s2 =	simm.s32 @!p0 $0x1C02  }
0x67: {  	[timem:s3], [sflag:s2] =	dma.local @!p0 [hbm:s0], s1  }
0x68: {  	s0 =	simm.s32 @!p0 $0x2  }
0x69: {  	_ =	swait.ge @!p0 [sflag:s0], s1  }
0x6a: {  	s1 =	ssub.s32 @!p0 $0x0, s1;
	[sflag:s0] =	ssyncset.done @!p0 $0x0  }
0x6b: {  	[sflag:s0] =	ssyncadd.s32 @!p0 s1  }
0x6c: {  	[bflag:$0x3] =	sbarrier.arrive $0xFFFF  }
0x6d: {  	_ =	shalt  }

// kernel: kernel.40.cloned.1.call-start
scs
__scs_entry_jumppad:
0x0: {  	(pc) =	sbr.rel $0x88, $3  }
0x1: {  	(tag) =	ssettag $0x0;
	lr =	simm.s32 $0x1  }
0x2: {  	[smem:$0x3F96] =	sst lr;
	_ =	strace $0xD0000000  }
0x3: {  	_ = 	snop  }
0x4: {  	_ = 	snop  }
0x5: {  	_ = 	snop  }
0x6: {  	_ = 	snop  }
0x7: {  	_ = 	snop  }
__scs_overlays_trampoline_lowered:
0x8: {  	[smem:$0x3FA5] =	sst s0  }
0x9: {  	[smem:$0x3FA6] =	sst s1  }
0xa: {  	[smem:$0x3FA7] =	sst s2  }
0xb: {  	[smem:$0x3FA8] =	sst s3  }
0xc: {  	[smem:$0x3FA9] =	sst s4  }
0xd: {  	[smem:$0x3FAA] =	sst s5  }
0xe: {  	[smem:$0x3FAB] =	sst s6  }
0xf: {  	[smem:$0x3FAC] =	sst s7  }
0x10: {  	[smem:$0x3FAD] =	sst s8  }
0x11: {  	[smem:$0x3FAE] =	sst s9;
	s0 =	simm.s32 @!p0 $0x0  }
0x12: {  	s1 =	sld [smem:$0x3F94];
	s0 =	simm.s32 @p0 $0x1  }
0x13: {  	[smem:$0x3FAF] =	sst s0;
	s0 =	simm.s32 @!p1 $0x0  }
0x14: {  	s2 =	sld [smem:$0x3F93];
	s0 =	simm.s32 @p1 $0x1  }
0x15: {  	[smem:$0x3FB0] =	sst s0;
	s0 =	simm.s32 @!p2 $0x0  }
0x16: {  	s3 =	sld [smem:$0x3FDB];
	s0 =	simm.s32 @p2 $0x1  }
0x17: {  	s4 =	simm.s32 $0x1BF5;
	[smem:$0x3FB2] =	sst s0  }
0x18: {  	s0 =	sld [smem:$0x3F95];
	_ =	swait.ge [sflag:s4], $0x0  }
0x19: {  	s7 =	sld [smem:$0x3F96]  }
0x1a: {  	s8 =	sadd.s32 $0xFFFFE003, lr  }
0x1b: {  	s9 =	sadd.s32 $0xFFFFFEF7, lr;
	s5 =	simm.s32 $0xFFFFFFFF;
	p2 =	slt.u32 s8, $0xFFFFF086  }
0x1c: {  	p1 =	slt.u32 s9, $0xF7A;
	s5 =	simm.s32 @!p2 $0x0  }
0x1d: {  	s5 =	simm.s32 @p1 $0x1;
	p0 =	seq.s32 s7, s2  }
0x1e: {  	s7 =	smul.u32 @!p0 $0xF7A, s2;
	p2 =	seq.s32 @!p0 s5, $0x0  }
0x1f: {  	s9 =	smul.u32 $0xF7A, s1;
	s8 =	simm.s32 @!p0 $0x1BF5;
	p2 =	por !p2, p0  }
0x20: {  	[sflag:s8] =	ssyncset.s32 @!p0 $0xFFFFF086;
	s6 =	sadd.s32 @!p0 s3, s7;
	s7 =	simm.s32 @!p0 $0x108  }
0x21: {  	s3 =	sadd.s32 s3, s9;
	s6 =	sadd.s32 @!p0 $0x88, s6;
	s7 =	simm.s32 @p2 $0x1082  }
0x22: {  	[simem:s7], [sflag:s8] =	dma.local @!p0 [hbm:s6], $0xF7A  }
0x23: {  	s9 =	sor.u32 $0xD0000000, s2;
	s6 =	simm.s32 $0x108;
	_ =	swait.ge @!p0 [sflag:s8], $0x0  }
0x24: {  	s3 =	sadd.s32 $0x88, s3;
	s6 =	simm.s32 @!p1 $0x1082;
	[sflag:s4] =	ssyncset.s32 $0xFFFFF086  }
0x25: {  	[simem:s6], [sflag:s4] =	dma.local [hbm:s3], $0xF7A  }
0x26: {  	[smem:$0x3F96] =	sst s1;
	(tag) =	ssettag s2;
	_ =	strace s9  }
0x27: {  	s1 =	sld [smem:$0x3FA6]  }
0x28: {  	s2 =	sld [smem:$0x3FA7]  }
0x29: {  	s4 =	sld [smem:$0x3FA9]  }
0x2a: {  	p0 =	seq.s32 s5, $0x0;
	s5 =	sld [smem:$0x3FAA]  }
0x2b: {  	s6 =	sld [smem:$0x3FAB]  }
0x2c: {  	s7 =	sld [smem:$0x3FAC]  }
0x2d: {  	s3 =	simm.s32 $0x108;
	s8 =	sld [smem:$0x3FAD]  }
0x2e: {  	s3 =	simm.s32 @!p0 $0x1082;
	s9 =	sld [smem:$0x3FAE]  }
0x2f: {  	lr =	sadd.s32 s0, s3;
	s0 =	sld [smem:$0x3FA5]  }
0x30: {  	s3 =	sld [smem:$0x3FA8]  }
0x31: {  	[smem:$0x3FB1] =	sst s10  }
0x32: {  	s10 =	sld [smem:$0x3FAF];
	_ =	sdelay $0x3  }
0x33: {  	p0 =	seq.s32 s10, $0x1;
	s10 =	sld [smem:$0x3FB1];
	_ =	sdelay $0x3  }
0x34: {  	[smem:$0x3FB1] =	sst s10  }
0x35: {  	s10 =	sld [smem:$0x3FB0];
	_ =	sdelay $0x3  }
0x36: {  	p1 =	seq.s32 s10, $0x1;
	s10 =	sld [smem:$0x3FB1];
	_ =	sdelay $0x3  }
0x37: {  	[smem:$0x3FB1] =	sst s10  }
0x38: {  	s10 =	sld [smem:$0x3FB2]  }
0x39: {  	_ = 	snop;
	(pc) =	sbr.ind lr, $3  }
0x3a: {  	_ = 	snop  }
0x3b: {  	_ = 	snop  }
0x3c: {  	p2 =	seq.s32 s10, $0x1;
	s10 =	sld [smem:$0x3FB1]  }
0x3d: {  	_ =	shalt  }
0x3e: {  	_ =	shalt  }
0x3f: {  	_ =	shalt  }
0x40: {  	_ =	shalt  }
0x41: {  	_ =	shalt  }
0x42: {  	_ =	shalt  }
0x43: {  	_ =	shalt  }
0x44: {  	_ =	shalt  }
0x45: {  	_ =	shalt  }
0x46: {  	_ =	shalt  }
0x47: {  	_ =	shalt  }
0x48: {  	_ =	shalt  }
0x49: {  	_ =	shalt  }
0x4a: {  	_ =	shalt  }
0x4b: {  	_ =	shalt  }
0x4c: {  	_ =	shalt  }
0x4d: {  	_ =	shalt  }
0x4e: {  	_ =	shalt  }
0x4f: {  	_ =	shalt  }
0x50: {  	_ =	shalt  }
0x51: {  	_ =	shalt  }
0x52: {  	_ =	shalt  }
0x53: {  	_ =	shalt  }
0x54: {  	_ =	shalt  }
0x55: {  	_ =	shalt  }
0x56: {  	_ =	shalt  }
0x57: {  	_ =	shalt  }
0x58: {  	_ =	shalt  }
0x59: {  	_ =	shalt  }
0x5a: {  	_ =	shalt  }
0x5b: {  	_ =	shalt  }
0x5c: {  	_ =	shalt  }
0x5d: {  	_ =	shalt  }
0x5e: {  	_ =	shalt  }
0x5f: {  	_ =	shalt  }
0x60: {  	_ =	shalt  }
0x61: {  	_ =	shalt  }
0x62: {  	_ =	shalt  }
0x63: {  	_ =	shalt  }
0x64: {  	_ =	shalt  }
0x65: {  	_ =	shalt  }
0x66: {  	_ =	shalt  }
0x67: {  	_ =	shalt  }
0x68: {  	_ =	shalt  }
0x69: {  	_ =	shalt  }
0x6a: {  	_ =	shalt  }
0x6b: {  	_ =	shalt  }
0x6c: {  	_ =	shalt  }
0x6d: {  	_ =	shalt  }
0x6e: {  	_ =	shalt  }
0x6f: {  	_ =	shalt  }
0x70: {  	_ =	shalt  }
0x71: {  	_ =	shalt  }
0x72: {  	_ =	shalt  }
0x73: {  	_ =	shalt  }
0x74: {  	_ =	shalt  }
0x75: {  	_ =	shalt  }
0x76: {  	_ =	shalt  }
0x77: {  	_ =	shalt  }
0x78: {  	_ =	shalt  }
0x79: {  	_ =	shalt  }
0x7a: {  	_ =	shalt  }
0x7b: {  	_ =	shalt  }
0x7c: {  	_ =	shalt  }
0x7d: {  	_ =	shalt  }
0x7e: {  	_ =	shalt  }
0x7f: {  	_ =	shalt  }
0x80: {  	_ =	shalt  }
0x81: {  	_ =	shalt  }
0x82: {  	_ =	shalt  }
0x83: {  	_ =	shalt  }
0x84: {  	_ =	shalt  }
0x85: {  	_ =	shalt  }
0x86: {  	_ =	shalt  }
0x87: {  	_ =	shalt  }
.Lfunc_end0:
.L_simem_size_0:
called_computation.4_lowered:
.L_overlay_start_0:
0x88: {  	s2 =	sld [smem:$0x3FD9]  }
0x89: {  	s3 =	sld [smem:$0x3FFE];
	_ =	sdelay $0x1  }
0x8a: {  	s1 =	srdreg.scid  }
0x8b: {  	s0 =	sand.u32 $0x1, s1  }
0x8c: {  	s16 =	sshll.u32 s0, $0xA;
	s2 =	sadd.s32 s3, s2  }
0x8d: {  	s2 =	sadd.s32 s2, s16  }
0x8e: {  	[smem:$0x3FBD] =	sst s2  }
0x8f: {  	_ = 	snop  }
0x90: {  	(tm) =	ssettm $0x1  }
0x91: {  	s17 =	sld [smem:$0x3FFB];
	_ =	sdelay $0x3  }
0x92: {  	_ =	strace s17  }
0x93: {  	s2 =	sld [smem:$0x3FFC];
	_ =	sdelay $0x3  }
0x94: {  	_ =	strace s2  }
0x95: {  	s2 =	sld [smem:$0x3FFD];
	_ =	sdelay $0x3  }
0x96: {  	_ =	strace s2  }
0x97: {  	_ =	strace $0x8FFFFFFF  }
0x98: {  	s18 =	sld [smem:$0x3FDB];
	_ =	sdelay $0x1  }
0x99: {  	s19 =	simm.s32 $_scs_section_size  }
0x9a: {  	s4 =	simm.s32 $_size__tile_overlayer_lowered;
	s5 =	simm.s32 $_tile_overlayer_lowered  }
0x9b: {  	s22 =	simm.s32 $0x1BFF;
	s21 =	sshll.u32 s5, $0x1;
	s2 =	sadd.s32 s19, s18  }
0x9c: {  	s6 =	simm.s32 $0x0;
	s20 =	sshll.u32 s4, $0x1;
	s4 =	sadd.s32 s21, s2  }
0x9d: {  	[timem:s6], [sflag:s22] =	dma.local [hbm:s4], s20  }
0x9e: {  	_ =	swait.ge [sflag:s22], s20  }
0x9f: {  	s3 =	ssub.s32 $0x0, s20;
	[sflag:s22] =	ssyncset.done $0x0  }
0xa0: {  	[sflag:s22] =	ssyncadd.s32 s3;
	_ =	sdelay $0x1  }
0xa1: {  	s23 =	simm.s32 $0x1B8B  }
0xa2: {  	_ =	swait.ge [sflag:s23], $0x1  }
0xa3: {  	[sflag:s23] =	ssyncset.done $0x0  }
0xa4: {  	s25 =	simm.s32 $0x1B8E;
	s24 =	sld [smem:$0x3FFE];
	[sflag:s23] =	ssyncadd.s32 $0xFFFFFFFF  }
0xa5: {  	s26 =	simm.s32 $execute0_lowered;
	[smem:$0x3FD2] =	sst s25  }
0xa6: {  	s4 =	sshll.u32 s26, $0x1;
	_ =	strace $0x80000052;
	[dreg:$0x1] =	wrdreg $0xFFFFFFFF  }
0xa7: {  	s28 =	simm.s32 $_size_execute0_lowered;
	s2 =	sadd.s32 s2, s4;
	[dreg:$0x0] =	wrdreg $0x0  }
0xa8: {  	s4 =	sshll.u32 s28, $0x1;
	[dreg:$0x2] =	wrdreg s2  }
0xa9: {  	[dreg:$0x3] =	wrdreg s4  }
0xaa: {  	[dreg:$0x4] =	wrdreg $0xC0  }
0xab: {  	_ =	task [dreg:s6], $0x5FFFF  }
0xac: {  	[dreg:$0x1] =	wrdreg $0xFFFFFFFF  }
0xad: {  	[dreg:$0x0] =	wrdreg $0x60  }
0xae: {  	[dreg:$0x2] =	wrdreg s24  }
0xaf: {  	[dreg:$0x3] =	wrdreg $0x90000  }
0xb0: {  	[dreg:$0x4] =	wrdreg $0x9  }
0xb1: {  	_ =	task.clear_ibuf [dreg:s6], $0x5FFFF;
	_ =	strace $0x90000052  }
0xb2: {  	s29 =	simm.s32 $0x9;
	_ =	strace $0x80000054  }
0xb3: {  	_ =	swait.ge [sflag:s29], $0x1  }
0xb4: {  	[sflag:s29] =	ssyncadd.s32 $0xFFFFFFFF  }
0xb5: {  	_ =	strace $0x90000054  }
0xb6: {  	_ =	sfence  }
0xb7: {  	s30 =	sld [smem:$0x0];
	_ =	sdelay $0x2  }
0xb8: {  	s31 =	sshll.u32 s1, $0xD;
	s1 =	sshrl.u32 s1, $0x2  }
0xb9: {  	s3 =	sand.u32 $0x4000, s31;
	s1 =	sadd.s32 s1, s30  }
0xba: {  	s0 =	sor.u32 s3, s0;
	s1 =	sshll.u32 s1, $0x11  }
0xbb: {  	s0 =	sor.u32 s1, s0  }
0xbc: {  	s0 =	sadd.s32 $0x8F2B, s0  }
0xbd: {  	[sflag:s0] =	ssyncadd.remote.s32 $0x1  }
0xbe: {  	_ =	sfence.sel $0xFFFF  }
0xbf: {  	[dreg:$0x0] =	wrdreg $0xFFFFFFFF;
	(pc) =	sbr.abs _section_cstart, $3  }
0xc0: {  	[dreg:$0x1] =	wrdreg $0xFFFFFFFF  }
0xc1: {  	_ =	task.clear_ibuf [dreg:s6], $0x2FFFF;
	_ =	strace $0x9FFFFFFF  }
0xc2: {  	(tm) =	ssettm $0x7FFFFFFF  }
0xc3: {  	_ =	shalt  }
tec
execute0_lowered:
.L_overlay_start_1:
0x0: {  	(tag) =	ssettag $0x1  }
0x1: {  	s0 =	srdreg.scid;
	s5 =	rddreg [dreg:$0x0]  }
0x2: {  	s1 =	rddreg [dreg:$0x1];
	s2 =	stileid.u32  }
0x3: {  	s3 =	simm.s32 $0x0;
	s18 =	simm.s32 $0x80;
	s19 =	simm.s32 $0x1  }
0x4: {  	s9 =	sand.u32 $0x1, s0;
	s0 =	rddreg [dreg:$0x2];
	s7 =	smul.u32 $0x50000, s2  }
0x5: {  	s22 =	simm.s32 $0x0;
	[smem:$0x7FF] =	sst s3;
	s12 =	smul.u32 $0x4E000, s2  }
0x6: {  	s13 =	sadd.s32 $0x41800, s5;
	s16 =	smul.u32 $0x2700, s2;
	s21 =	sadd.s32 $0x138000, s1  }
0x7: {  	p0 =	sne.s32 s2, $0x0;
	s4 =	sshll.u32 s9, $0x4;
	s14 =	smul.u32 $0x27100, s9  }
0x8: {  	_ =	strace $0x80000053;
	s28 =	ssub.s32 $0x2, s9;
	s17 =	smul.u32 $0x138800, s9  }
0x9: {  	s21 =	sshrl.u32 @!p0 s21, $0x3;
	s4 =	sor.u32 s2, s4;
	s29 =	sshrl.u32 s7, $0x2  }
0xa: {  	s30 =	sshrl.u32 s28, $0x1;
	s12 =	sshrl.u32 s12, $0x2;
	s6 =	smul.u32 $0x500, s4  }
0xb: {  	s4 =	sadd.s32 $0x1A600, s5;
	s15 =	ssub.s32 s28, s30;
	s14 =	sadd.s32 s16, s14  }
0xc: {  	s31 =	sshrl.u32 s17, $0x3;
	s20 =	sadd.s32 s12, s1;
	s16 =	simm.s32 $0x2  }
0xd: {  	s17 =	simm.s32 $0x2800;
	s12 =	sadd.s32 s13, s14;
	s13 =	sadd.s32 s13, s31  }
0xe: {  	s14 =	smax.u32 s15, $0x1;
	s15 =	simm.s32 $0x5000;
	s20 =	sshrl.u32 s20, $0x3  }
0xf: {  	s11 =	sadd.s32 s6, s5;
	s5 =	sadd.s32 s29, s1;
	s13 =	sadd.s32 $0x27000, s13  }
0x10: {  	s6 =	sadd.s32 $0x4000, s5;
	s7 =	sadd.s32 $0x8000, s5;
	s8 =	sadd.s32 $0xC000, s5  }
0x11: {  	v0 =	vimm.f32 $0.0e+00;
	s9 =	sadd.s32 $0x10000, s5;
	s10 =	sadd.s32 $0x10600, s11;
	s11 =	sadd.s32 $0x6600, s11  }
.LBB2_1:
0x12: {  	s23 =	sand.u32 $0xFE00, s3  }
0x13: {  	s24 =	sand.u32 $0x70, s3;
	s25 =	sshrl.u32 s23, $0x2  }
0x14: {  	s23 =	simm.s32 $0x40;
	s25 =	sor.u32 s24, s25;
	s24 =	simm.s32 $0x0  }
.LBB2_2:
0x15: {  	p1 =	sne.s32 s23, $0xFFC0  }
0x16: {  	[tilespmem:s25+$0x5000] =	vst v0;
	s24 =	sadd.s32 $0x10, s24;
	s25 =	smov.u32 s23;
	s23 =	sadd.s32 $0x40, s23  }
.Ltmp0:
0x17: {  	(pc) =	sbr.rel @p1 .LBB2_2-.Ltmp0, $4  }
0x18: {  	_ = 	snop  }
0x19: {  	s25 =	sand.u32 $0xFE00, s25  }
0x1a: {  	s26 =	sand.u32 $0x70, s24;
	s25 =	sshrl.u32 s25, $0x2  }
0x1b: {  	s25 =	sor.u32 s26, s25  }
0x1c: {  	[tilespmem:s25+$0x5000] =	vst v0  }
0x1d: {  	[spmem:s5] =	stream.linear.scatter [tilespmem:s15], [sflag:$0x2], $0x4000, $0x38;
	[tilespmem:$0x1D000] =	vst v63  }
0x1e: {  	_ =	swait.ge [sflag:s16], $0x4000  }
0x1f: {  	[sflag:s16] =	ssyncset.done $0x0  }
0x20: {  	[sflag:s16] =	ssyncadd.s32 $0xFFFFC000  }
0x21: {  	[spmem:s6] =	stream.linear.scatter [tilespmem:s15], [sflag:$0x2], $0x4000, $0x38;
	[tilespmem:$0x1D000] =	vst v63  }
0x22: {  	_ =	swait.ge [sflag:s16], $0x4000  }
0x23: {  	[sflag:s16] =	ssyncset.done $0x0  }
0x24: {  	[sflag:s16] =	ssyncadd.s32 $0xFFFFC000  }
0x25: {  	[spmem:s7] =	stream.linear.scatter [tilespmem:s15], [sflag:$0x2], $0x4000, $0x38;
	[tilespmem:$0x1D000] =	vst v63  }
0x26: {  	_ =	swait.ge [sflag:s16], $0x4000  }
0x27: {  	[sflag:s16] =	ssyncset.done $0x0  }
0x28: {  	[sflag:s16] =	ssyncadd.s32 $0xFFFFC000  }
0x29: {  	[spmem:s8] =	stream.linear.scatter [tilespmem:s15], [sflag:$0x2], $0x4000, $0x38;
	[tilespmem:$0x1D000] =	vst v63  }
0x2a: {  	_ =	swait.ge [sflag:s16], $0x4000  }
0x2b: {  	[sflag:s16] =	ssyncset.done $0x0  }
0x2c: {  	[sflag:s16] =	ssyncadd.s32 $0xFFFFC000  }
0x2d: {  	[spmem:s9] =	stream.linear.scatter [tilespmem:s15], [sflag:$0x2], $0x4000, $0x38;
	[tilespmem:$0x1D000] =	vst v63  }
0x2e: {  	_ =	swait.ge [sflag:s16], $0x4000  }
0x2f: {  	[sflag:s16] =	ssyncset.done $0x0  }
0x30: {  	s23 =	simm.s32 $0x0;
	[sflag:s16] =	ssyncadd.s32 $0xFFFFC000  }
0x31: {  	[tilespmem:s23], [sflag:$0x2] =	stream.linear.gather [hbm4b:s10+s23], $0x2800, $0x38;
	[tilespmem:$0x1D000] =	vst v63  }
0x32: {  	_ =	swait.ge [sflag:s16], $0x2800  }
0x33: {  	[sflag:s16] =	ssyncset.done $0x0  }
0x34: {  	[sflag:s16] =	ssyncadd.s32 $0xFFFFD800  }
0x35: {  	[tilespmem:s17], [sflag:$0x2] =	stream.linear.gather [hbm4b:s11+s23], $0x2800, $0x38;
	[tilespmem:$0x1D000] =	vst v63  }
0x36: {  	_ =	swait.ge [sflag:s16], $0x2800  }
0x37: {  	[sflag:s16] =	ssyncset.done $0x0  }
0x38: {  	[sflag:s16] =	ssyncadd.s32 $0xFFFFD800  }
0x39: {  	s30 =	simm.s32 $0x0;
	[bflag:$0x0] =	sbarrier.arrive $0xFFFF  }
0x3a: {  	[tilespmem:s15], [sflag:$0x1] =	stream.indirect.gather [hbm4b:s4+s18], $0x80, s30, s18, $0xb8;
	[tilespmem:$0x1D000] =	vst v63  }
0x3b: {  	_ =	swait.ge [sflag:s19], $0x4000  }
0x3c: {  	[sflag:s19] =	ssyncset.done $0x0  }
0x3d: {  	s31 =	simm.s32 $0x2800;
	[sflag:s19] =	ssyncadd.s32 $0xFFFFC000  }
0x3e: {  	[spmem:s1] =	stream.indirect.scatter.add.f32 [tilespmem:s15], [sflag:$0x2], $0x80, s31, s18, $0xb8;
	[tilespmem:$0x1D000] =	vst v63  }
0x3f: {  	_ =	swait.ge [sflag:s16], $0x4000  }
0x40: {  	s24 =	simm.s32 $0x400;
	s23 =	simm.s32 $0x200;
	[sflag:s16] =	ssyncset.done $0x0  }
.LBB2_4:
0x41: {  	s25 =	sshra.s32 s23, $0x2  }
0x42: {  	[sflag:s16] =	ssyncadd.s32 $0xFFFFC000;
	s23 =	smov.u32 s24;
	s26 =	sadd.s32 $0x200, s24  }
0x43: {  	[tilespmem:s15], [sflag:$0x1] =	stream.indirect.gather [hbm4b:s4+s18], $0x80, s25, s18, $0xb8;
	[tilespmem:$0x1D000] =	vst v63  }
0x44: {  	p1 =	sne.s32 s24, $0x9E00;
	_ =	swait.ge [sflag:s19], $0x4000  }
.Ltmp1:
0x45: {  	[sflag:s19] =	ssyncset.done $0x0;
	(pc) =	sbr.rel @p1 .LBB2_4-.Ltmp1, $4  }
0x46: {  	s24 =	sadd.s32 $0x2800, s25;
	[sflag:s19] =	ssyncadd.s32 $0xFFFFC000  }
0x47: {  	[spmem:s1] =	stream.indirect.scatter.add.f32 [tilespmem:s15], [sflag:$0x2], $0x80, s24, s18, $0xb8;
	[tilespmem:$0x1D000] =	vst v63  }
0x48: {  	_ =	swait.ge [sflag:s16], $0x4000  }
0x49: {  	s24 =	smov.u32 s26;
	[sflag:s16] =	ssyncset.done $0x0  }
0x4a: {  	s23 =	sshra.s32 s23, $0x2;
	[sflag:s16] =	ssyncadd.s32 $0xFFFFC000  }
0x4b: {  	[tilespmem:s15], [sflag:$0x1] =	stream.indirect.gather [hbm4b:s4+s18], $0x80, s23, s18, $0xb8;
	[tilespmem:$0x1D000] =	vst v63  }
0x4c: {  	_ =	swait.ge [sflag:s19], $0x4000  }
0x4d: {  	[sflag:s19] =	ssyncset.done $0x0  }
0x4e: {  	s23 =	sadd.s32 $0x2800, s23;
	[sflag:s19] =	ssyncadd.s32 $0xFFFFC000  }
0x4f: {  	[spmem:s1] =	stream.indirect.scatter.add.f32 [tilespmem:s15], [sflag:$0x2], $0x80, s23, s18, $0xb8;
	[tilespmem:$0x1D000] =	vst v63  }
0x50: {  	_ =	swait.ge [sflag:s16], $0x4000  }
0x51: {  	[sflag:s16] =	ssyncset.done $0x0  }
0x52: {  	s31 =	sshll.u32 s2, $0x6;
	[sflag:s16] =	ssyncadd.s32 $0xFFFFC000  }
0x53: {  	s23 =	sor.u32 $0x1C02, s31;
	[bflag:$0x0] =	sbarrier.arrive $0xFFFF  }
0x54: {  	[hbm:s12], [sflag:s23] =	dma.local [spmem:s20], $0x2700  }
0x55: {  	_ =	swait.ge [sflag:s16], $0x2700  }
0x56: {  	s22 =	sadd.s32 $0x1, s22;
	[sflag:s16] =	ssyncset.done $0x0  }
0x57: {  	p1 =	sne.s32 s22, s14;
	[sflag:s16] =	ssyncadd.s32 $0xFFFFD900  }
0x58: {  	[hbm:s13], [sflag:s23] =	dma.local @!p0 [spmem:s21], $0x100  }
.Ltmp2:
0x59: {  	_ = 	snop;
	(pc) =	sbr.rel @p1 .LBB2_1-.Ltmp2, $4  }
0x5a: {  	s23 =	simm.s32 @!p0 $0x2  }
0x5b: {  	_ =	swait.ge @!p0 [sflag:s23], $0x100  }
0x5c: {  	[sflag:s23] =	ssyncset.done @!p0 $0x0  }
0x5d: {  	[sflag:s23] =	ssyncadd.s32 @!p0 $0xFFFFFF00  }
0x5e: {  	_ =	sfence.sel $0x180000  }
0x5f: {  	[bflag:$0x0] =	sbarrier.arrive $0xFFFF  }
0x60: {  	_ =	strace $0x90000053  }
0x61: {  	s0 =	sadd.s32 @!p0 $0x100000, s0;
	[bflag:$0x2] =	sbarrier.arrive $0xFFFF  }
0x62: {  	[sflag:s0] =	ssyncadd.tile.s32 @!p0 $0x1;
	_ =	shalt  }
.Lfunc_end2:
_tile_overlayer_lowered:
.L_overlay_start_2:
0x63: {  	(tag) =	ssettag $0x2  }
0x64: {  	s0 =	rddreg [dreg:$0x0];
	s2 =	stileid.u32  }
0x65: {  	s1 =	rddreg [dreg:$0x1];
	p0 =	sne.s32 s2, $0x0  }
0x66: {  	s3 =	rddreg [dreg:$0x2];
	[bflag:$0x3] =	sbarrier.arrive $0xFFFF;
	s2 =	simm.s32 @!p0 $0x1C02  }
0x67: {  	[timem:s3], [sflag:s2] =	dma.local @!p0 [hbm:s0], s1  }
0x68: {  	s0 =	simm.s32 @!p0 $0x2  }
0x69: {  	_ =	swait.ge @!p0 [sflag:s0], s1  }
0x6a: {  	s1 =	ssub.s32 @!p0 $0x0, s1;
	[sflag:s0] =	ssyncset.done @!p0 $0x0  }
0x6b: {  	[sflag:s0] =	ssyncadd.s32 @!p0 s1  }
0x6c: {  	[bflag:$0x3] =	sbarrier.arrive $0xFFFF  }
0x6d: {  	_ =	shalt  }

</sc_bundles>
